<compile_context>
chip_gen: v7x
topology: tpu7x:2x2x1
jax: 0.10.2.dev20260603
libtpu: 0.0.44.dev20260713+nightly
codegen_flags: <defaults>
</compile_context>

<pallas_src>
import functools

import jax
import jax.numpy as jnp
from jax import lax
from jax.experimental import pallas as pl
from jax.experimental.pallas import tpu as pltpu
from jax.experimental.pallas import tpu_sc as plsc

N = 10000
D = 128
E = 320000

NC = 2
NS = 16
NW = NC * NS

NPAD = 10112
HALF = 5120
TRASH = 10000
CHD = 128
KCHD = 80
CH = 32
NBUF = 2
KCH2 = 640
SCH = 8
NSTG = KCH2 // SCH
EPAD = NW * KCHD * CHD
RPT = NPAD // NS
HRPT = HALF // NS
NPADD = 10240
RPTD = NPADD // NS
EDG_W = EPAD // NW
SBLK = SCH * CH
CAP = EDG_W + 2 * SBLK
LTOT = NW * 4 * CAP


def _mesh():
    return plsc.VectorSubcoreMesh(core_axis_name="c", subcore_axis_name="s")


def _deg_body(dst_hbm, zeros_hbm, out_hbm, didx_v, ones_v, deg_sh, ssem):
    c = lax.axis_index("c")
    s = lax.axis_index("s")
    wid = c * NS + s
    for i in range(CHD // 16):
        ones_v[pl.ds(i * 16, 16)] = jnp.full((16,), 1.0, jnp.float32)
    pltpu.sync_copy(zeros_hbm.at[pl.ds(s * RPTD, RPTD)],
                    deg_sh.at[pl.ds(s * RPTD, RPTD)])
    pltpu.sync_copy(dst_hbm.at[wid], didx_v)
    plsc.subcore_barrier()

    def fire(j, carry):
        pltpu.async_copy(ones_v, deg_sh.at[didx_v.at[j]], ssem, add=True)
        return carry

    lax.fori_loop(0, KCHD, fire, 0)

    def drain(j, carry):
        pltpu.make_async_copy(ones_v, deg_sh.at[didx_v.at[0]], ssem).wait()
        return carry

    lax.fori_loop(0, KCHD, drain, 0)
    plsc.subcore_barrier()
    pltpu.sync_copy(deg_sh.at[pl.ds(s * RPTD, RPTD)],
                    out_hbm.at[pl.ds(c * NPADD + s * RPTD, RPTD)])


def _deg_counts(dst3, zeros1):
    k = pl.kernel(
        _deg_body,
        mesh=_mesh(),
        out_type=jax.ShapeDtypeStruct((NC * NPADD,), jnp.float32),
        scratch_types=[
            pltpu.VMEM((KCHD, CHD), jnp.int32),
            pltpu.VMEM((CHD,), jnp.float32),
            pltpu.VMEM_SHARED((NPADD,), jnp.float32),
            pltpu.SemaphoreType.DMA,
        ],
    )
    return k(dst3, zeros1)


def _agg_body(hs_hbm, idx_hbm, zeros_hbm, out_hbm,
              comb_v, sl0, sl1, dl0, dl1,
              rows0, rows1, hs_sh, acc_sh, gsem, ssem):
    c = lax.axis_index("c")
    s = lax.axis_index("s")
    base = c * HALF
    slocs = [sl0, sl1]
    dlocs = [dl0, dl1]
    bufs = [rows0, rows1]
    pltpu.sync_copy(zeros_hbm.at[pl.ds(s * RPT, RPT)],
                    acc_sh.at[pl.ds(s * RPT, RPT)])
    pltpu.sync_copy(hs_hbm.at[pl.ds(base + s * HRPT, HRPT)],
                    hs_sh.at[pl.ds(s * HRPT, HRPT)])
    plsc.subcore_barrier()

    def prep(k):
        for q in range(CH // 16):
            sv = comb_v[pl.ds(k * CH + q * 16, 16)]
            dv = comb_v[pl.ds(SBLK + k * CH + q * 16, 16)]
            valid = (sv >= base) & (sv < base + HALF)
            slocs[k % 2][pl.ds(q * 16, 16)] = jnp.where(valid, sv - base, 0)
            dlocs[k % 2][pl.ds(q * 16, 16)] = jnp.where(valid, dv, TRASH)

    def stage(h, carry):
        pltpu.sync_copy(idx_hbm.at[s, h], comb_v)
        prep(0)
        pltpu.async_copy(hs_sh.at[slocs[0]], bufs[0], gsem)
        for k in range(SCH):
            b = k % 2
            pltpu.make_async_copy(hs_sh.at[slocs[b]], bufs[b], gsem).wait()
            pltpu.async_copy(bufs[b], acc_sh.at[dlocs[b]], ssem, add=True)
            if k >= 1:
                pltpu.make_async_copy(bufs[1 - b], acc_sh.at[dlocs[1 - b]],
                                      ssem).wait()
            if k + 1 < SCH:
                prep(k + 1)
                pltpu.async_copy(hs_sh.at[slocs[1 - b]], bufs[1 - b], gsem)
        pltpu.make_async_copy(bufs[(SCH - 1) % 2],
                              acc_sh.at[dlocs[(SCH - 1) % 2]], ssem).wait()
        return carry

    lax.fori_loop(0, NSTG, stage, 0)
    plsc.subcore_barrier()
    pltpu.sync_copy(acc_sh.at[pl.ds(s * RPT, RPT)],
                    out_hbm.at[c, pl.ds(s * RPT, RPT)])


def _edge_aggregate(hs_split, idx3, zeros2):
    k = pl.kernel(
        _agg_body,
        mesh=_mesh(),
        out_type=jax.ShapeDtypeStruct((NC, NPAD, D), jnp.float32),
        scratch_types=[
            pltpu.VMEM((2 * SBLK,), jnp.int32),
            pltpu.VMEM((CH,), jnp.int32),
            pltpu.VMEM((CH,), jnp.int32),
            pltpu.VMEM((CH,), jnp.int32),
            pltpu.VMEM((CH,), jnp.int32),
            pltpu.VMEM((CH, D), jnp.float32),
            pltpu.VMEM((CH, D), jnp.float32),
            pltpu.VMEM_SHARED((HALF, D), jnp.float32),
            pltpu.VMEM_SHARED((NPAD, D), jnp.float32),
            pltpu.SemaphoreType.DMA,
            pltpu.SemaphoreType.DMA,
        ],
    )
    return k(hs_split, idx3, zeros2)


_RB = 1264
_GRID = NPAD // _RB


def _k_dinv_hs(degp_ref, x_ref, w_ref, dinv_ref, hs_ref):
    deg = 1.0 + degp_ref[0] + degp_ref[1]
    dinv = lax.rsqrt(deg)
    dinv_ref[...] = dinv
    hs_ref[...] = jnp.dot(x_ref[...], w_ref[...],
                          preferred_element_type=jnp.float32) * dinv


def _dinv_hs(degp, x, w1):
    return pl.pallas_call(
        _k_dinv_hs,
        grid=(_GRID,),
        in_specs=[
            pl.BlockSpec((NC, _RB, 1), lambda i: (0, i, 0)),
            pl.BlockSpec((_RB, D), lambda i: (i, 0)),
            pl.BlockSpec((D, D), lambda i: (0, 0)),
        ],
        out_specs=[
            pl.BlockSpec((_RB, 1), lambda i: (i, 0)),
            pl.BlockSpec((_RB, D), lambda i: (i, 0)),
        ],
        out_shape=[
            jax.ShapeDtypeStruct((NPAD, 1), jnp.float32),
            jax.ShapeDtypeStruct((NPAD, D), jnp.float32),
        ],
    )(degp, x, w1)


def _k_layer_mid(p_ref, hs_ref, dinv_ref, b_ref, w_ref, o_ref):
    agg = (p_ref[0] + p_ref[1] + hs_ref[...]) * dinv_ref[...] + b_ref[...]
    h1 = jnp.maximum(agg, 0.0)
    o_ref[...] = jnp.dot(h1, w_ref[...],
                         preferred_element_type=jnp.float32) * dinv_ref[...]


def _layer_mid(p1, hs1, dinv, b1, w2):
    return pl.pallas_call(
        _k_layer_mid,
        grid=(_GRID,),
        in_specs=[
            pl.BlockSpec((NC, _RB, D), lambda i: (0, i, 0)),
            pl.BlockSpec((_RB, D), lambda i: (i, 0)),
            pl.BlockSpec((_RB, 1), lambda i: (i, 0)),
            pl.BlockSpec((1, D), lambda i: (0, 0)),
            pl.BlockSpec((D, D), lambda i: (0, 0)),
        ],
        out_specs=pl.BlockSpec((_RB, D), lambda i: (i, 0)),
        out_shape=jax.ShapeDtypeStruct((NPAD, D), jnp.float32),
    )(p1, hs1, dinv, b1, w2)


def _k_layer_out(p_ref, hs_ref, dinv_ref, b_ref, o_ref):
    o_ref[...] = (p_ref[0] + p_ref[1] + hs_ref[...]) * dinv_ref[...] + b_ref[...]


def _layer_out(p2, hs2, dinv, b2):
    return pl.pallas_call(
        _k_layer_out,
        grid=(_GRID,),
        in_specs=[
            pl.BlockSpec((NC, _RB, D), lambda i: (0, i, 0)),
            pl.BlockSpec((_RB, D), lambda i: (i, 0)),
            pl.BlockSpec((_RB, 1), lambda i: (i, 0)),
            pl.BlockSpec((1, D), lambda i: (0, 0)),
        ],
        out_specs=pl.BlockSpec((_RB, D), lambda i: (i, 0)),
        out_shape=jax.ShapeDtypeStruct((NPAD, D), jnp.float32),
    )(p2, hs2, dinv, b2)


def _split_src_halves(hs):
    return jnp.concatenate(
        [hs, jnp.zeros((2 * HALF - NPAD, D), hs.dtype)])


def kernel(x, edge_index, lgraph, W1, b1, W2, b2):
    src = edge_index[0]
    dst = edge_index[1]
    pad = EPAD - E
    srcp = jnp.concatenate([src, jnp.zeros((pad,), jnp.int32)])
    dstp = jnp.concatenate([dst, jnp.full((pad,), TRASH, jnp.int32)])
    dst3d = dstp.reshape(NW, KCHD, CHD)
    idx3 = jnp.stack([srcp.reshape(NS, NSTG, SBLK),
                      dstp.reshape(NS, NSTG, SBLK)],
                     axis=2).reshape(NS, NSTG, 2 * SBLK)
    xp = jnp.zeros((NPAD, D), x.dtype).at[:N].set(x)
    zeros2 = jnp.zeros((NPAD, D), jnp.float32)
    zeros1 = jnp.zeros((NPADD,), jnp.float32)

    degp = _deg_counts(dst3d, zeros1).reshape(NC, NPADD)[:, :NPAD]
    dinv, hs1 = _dinv_hs(degp.reshape(NC, NPAD, 1), xp, W1)
    p1 = _edge_aggregate(_split_src_halves(hs1), idx3, zeros2)
    hs2 = _layer_mid(p1, hs1, dinv, b1.reshape(1, D), W2)
    p2 = _edge_aggregate(_split_src_halves(hs2), idx3, zeros2)
    zp = _layer_out(p2, hs2, dinv, b2.reshape(1, D))
    return (zp[:N], edge_index)

# --- scband reference (transcript-rebuilt; emitter-appended) ---
"""Pipeline reference for scband-net-12438225289267 (READ-ONLY COPY).

The authoritative reference and input builder live on the scoring server;
editing this copy changes nothing except your own understanding.
"""

import jax, jax.numpy as jnp
import numpy as np

N = 10000
D_IN = 128
D_OUT = 128
E = 320000
HIDDEN = 128


def setup_inputs(seed: int = 0) -> dict:
    key = jax.random.key(seed)
    k1, k2, k3, k4, k5, k6 = jax.random.split(key, 6)
    x = jax.random.normal(k1, (N, D_IN), dtype=jnp.float32)
    edge_index = jax.random.randint(k2, (2, E), 0, N, dtype=jnp.int32)
    lgraph = jnp.zeros((1,), dtype=jnp.int32)  # unused in eval-mode forward
    # GCN backbone parameters (2-layer GCNConv), glorot-style init
    s1 = 1.0 / np.sqrt(D_IN)
    s2 = 1.0 / np.sqrt(HIDDEN)
    W1 = jax.random.uniform(k3, (D_IN, HIDDEN), dtype=jnp.float32, minval=-s1, maxval=s1)
    b1 = jnp.zeros((HIDDEN,), dtype=jnp.float32)
    W2 = jax.random.uniform(k4, (HIDDEN, D_OUT), dtype=jnp.float32, minval=-s2, maxval=s2)
    b2 = jnp.zeros((D_OUT,), dtype=jnp.float32)
    return {"x": x, "edge_index": edge_index, "lgraph": lgraph,
            "W1": W1, "b1": b1, "W2": W2, "b2": b2}


def _gcn_conv(x, src, dst, W, b, n):
    # GCNConv with symmetric normalization: D^-1/2 (A+I) D^-1/2 (X W) + b
    h = x @ W
    deg = jnp.zeros((n,), dtype=x.dtype).at[dst].add(1.0)
    dinv = jax.lax.rsqrt(jnp.clip(deg, 1.0, None))
    norm = dinv[src] * dinv[dst]
    msg = h[src] * norm[:, None]
    agg = jnp.zeros((n, h.shape[1]), dtype=x.dtype).at[dst].add(msg)
    return agg + b


def reference(x, edge_index, lgraph, W1, b1, W2, b2):
    # Eval-mode forward of Net: edge predictor branch is skipped,
    # masked_edge_index == edge_index, z = backbone(x, edge_index).
    n = x.shape[0]
    loops = jnp.arange(n, dtype=edge_index.dtype)
    src = jnp.concatenate([edge_index[0], loops])
    dst = jnp.concatenate([edge_index[1], loops])
    h = jax.nn.relu(_gcn_conv(x, src, dst, W1, b1, n))
    # dropout is identity in eval mode
    z = _gcn_conv(h, src, dst, W2, b2, n)
    # original returns (z, edge_emb=None, masked_edge_index=edge_index)
    return (z, edge_index)

if __name__ == "__main__":
    import jax
    _d = setup_inputs()
    print(jax.jit(kernel)(*tuple(_d.values())))

</pallas_src>

<mosaic_0001>
#map = affine_map<(d0, d1) -> (0, 0)>
#map1 = affine_map<(d0, d1) -> (0, 0, 0)>
module attributes {stable_mosaic.version = 14 : i64} {
  func.func @_agg_body(%arg0: i32, %arg1: i32, %arg2: memref<10240x128xf32, #tpu.memory_space<hbm>>, %arg3: memref<16x80x512xi32, #tpu.memory_space<hbm>>, %arg4: memref<10112x128xf32, #tpu.memory_space<hbm>>, %arg5: memref<2x10112x128xf32, #tpu.memory_space<hbm>>, %arg6: memref<512xi32, #tpu.memory_space<vmem>>, %arg7: memref<32xi32, #tpu.memory_space<vmem>>, %arg8: memref<32xi32, #tpu.memory_space<vmem>>, %arg9: memref<32xi32, #tpu.memory_space<vmem>>, %arg10: memref<32xi32, #tpu.memory_space<vmem>>, %arg11: memref<32x128xf32, #tpu.memory_space<vmem>>, %arg12: memref<32x128xf32, #tpu.memory_space<vmem>>, %arg13: memref<5120x128xf32, #tpu.memory_space<vmem_shared>>, %arg14: memref<10112x128xf32, #tpu.memory_space<vmem_shared>>, %arg15: memref<!tpu.dma_semaphore, #tpu.memory_space<semaphore_mem>>, %arg16: memref<!tpu.dma_semaphore, #tpu.memory_space<semaphore_mem>>) attributes {dimension_semantics = [#tpu.dimension_semantics<core_parallel>, #tpu.dimension_semantics<subcore_parallel>], iteration_bounds = array<i64: 2, 16>, scalar_prefetch = 0 : i64, scratch_operands = 11 : i64, tpu.core_type = #tpu.core_type<sc_vector_subcore>, window_params = [{transform_indices = #map}, {transform_indices = #map1}, {transform_indices = #map}, {transform_indices = #map1}]} {
    %mul3A = arith.constant 5120 : i32
    %mul3A_0 = arith.muli %arg0, %mul3A : i32
    %mul3A_1 = arith.constant 632 : i32
    %mul3A_2 = arith.muli %arg1, %mul3A_1 : i32
    %mul3A_3 = arith.constant 632 : i32
    %mul3A_4 = arith.muli %arg1, %mul3A_3 : i32
    "tpu.region"() ({
      %run_scoped3A = tpu.sem_alloc : memref<!tpu.dma_semaphore, #tpu.memory_space<semaphore_mem>>
      %dma_start3A = arith.constant 0 : i32
      %dma_start3A_19 = tpu.memref_slice %arg14[%mul3A_4, %dma_start3A] : memref<10112x128xf32, #tpu.memory_space<vmem_shared>> -> memref<632x128xf32, #tpu.memory_space<vmem_shared>>
      %dma_start3A_20 = arith.constant 0 : i32
      %dma_start3A_21 = tpu.memref_slice %arg4[%mul3A_2, %dma_start3A_20] : memref<10112x128xf32, #tpu.memory_space<hbm>> -> memref<632x128xf32, #tpu.memory_space<hbm>>
      tpu.enqueue_dma source(%dma_start3A_21 : memref<632x128xf32, #tpu.memory_space<hbm>>) target(%dma_start3A_19 : memref<632x128xf32, #tpu.memory_space<vmem_shared>>) target_semaphore(%run_scoped3A : memref<!tpu.dma_semaphore, #tpu.memory_space<semaphore_mem>>)
      %dma_wait3A = arith.constant 0 : i32
      %dma_wait3A_22 = tpu.memref_slice %arg14[%mul3A_4, %dma_wait3A] : memref<10112x128xf32, #tpu.memory_space<vmem_shared>> -> memref<632x128xf32, #tpu.memory_space<vmem_shared>>
      %dma_wait3A_23 = arith.constant 0 : i32
      %dma_wait3A_24 = tpu.memref_slice %arg4[%mul3A_2, %dma_wait3A_23] : memref<10112x128xf32, #tpu.memory_space<hbm>> -> memref<632x128xf32, #tpu.memory_space<hbm>>
      tpu.wait_dma2 semaphore(%run_scoped3A : memref<!tpu.dma_semaphore, #tpu.memory_space<semaphore_mem>>) src(%dma_wait3A_24 : memref<632x128xf32, #tpu.memory_space<hbm>>) dst(%dma_wait3A_22 : memref<632x128xf32, #tpu.memory_space<vmem_shared>>)
      tpu.yield
    }) : () -> ()
    %mul3A_5 = arith.constant 320 : i32
    %mul3A_6 = arith.muli %arg1, %mul3A_5 : i32
    %add3A = arith.addi %mul3A_0, %mul3A_6 : i32
    %mul3A_7 = arith.constant 320 : i32
    %mul3A_8 = arith.muli %arg1, %mul3A_7 : i32
    "tpu.region"() ({
      %run_scoped3A = tpu.sem_alloc : memref<!tpu.dma_semaphore, #tpu.memory_space<semaphore_mem>>
      %dma_start3A = arith.constant 0 : i32
      %dma_start3A_19 = tpu.memref_slice %arg13[%mul3A_8, %dma_start3A] : memref<5120x128xf32, #tpu.memory_space<vmem_shared>> -> memref<320x128xf32, #tpu.memory_space<vmem_shared>>
      %dma_start3A_20 = arith.constant 0 : i32
      %dma_start3A_21 = tpu.memref_slice %arg2[%add3A, %dma_start3A_20] : memref<10240x128xf32, #tpu.memory_space<hbm>> -> memref<320x128xf32, #tpu.memory_space<hbm>>
      tpu.enqueue_dma source(%dma_start3A_21 : memref<320x128xf32, #tpu.memory_space<hbm>>) target(%dma_start3A_19 : memref<320x128xf32, #tpu.memory_space<vmem_shared>>) target_semaphore(%run_scoped3A : memref<!tpu.dma_semaphore, #tpu.memory_space<semaphore_mem>>)
      %dma_wait3A = arith.constant 0 : i32
      %dma_wait3A_22 = tpu.memref_slice %arg13[%mul3A_8, %dma_wait3A] : memref<5120x128xf32, #tpu.memory_space<vmem_shared>> -> memref<320x128xf32, #tpu.memory_space<vmem_shared>>
      %dma_wait3A_23 = arith.constant 0 : i32
      %dma_wait3A_24 = tpu.memref_slice %arg2[%add3A, %dma_wait3A_23] : memref<10240x128xf32, #tpu.memory_space<hbm>> -> memref<320x128xf32, #tpu.memory_space<hbm>>
      tpu.wait_dma2 semaphore(%run_scoped3A : memref<!tpu.dma_semaphore, #tpu.memory_space<semaphore_mem>>) src(%dma_wait3A_24 : memref<320x128xf32, #tpu.memory_space<hbm>>) dst(%dma_wait3A_22 : memref<320x128xf32, #tpu.memory_space<vmem_shared>>)
      tpu.yield
    }) : () -> ()
    %barrier3A = arith.constant 0 : index
    tpu.barrier barrier_id(%barrier3A)
    %scan3A = arith.constant 0 : i32
    %scan3A_9 = arith.constant 0 : i32
    %scan3A_10 = arith.constant 80 : i32
    %scan3A_11 = arith.addi %scan3A_9, %scan3A_10 : i32
    %scan3A_12 = arith.constant 1 : i32
    scf.for %scan3A_19 = %scan3A_9 to %scan3A_11 step %scan3A_12  : i32 {
      "tpu.region"() ({
        %run_scoped3A = tpu.sem_alloc : memref<!tpu.dma_semaphore, #tpu.memory_space<semaphore_mem>>
        %dma_start3A_569 = arith.constant 0 : i32
        %dma_start3A_570 = tpu.memref_slice %arg3[%arg1, %scan3A_19, %dma_start3A_569] : memref<16x80x512xi32, #tpu.memory_space<hbm>> -> memref<1x1x512xi32, #tpu.memory_space<hbm>>
        %dma_start3A_571 = tpu.memref_squeeze %dma_start3A_570 : memref<1x1x512xi32, #tpu.memory_space<hbm>> -> memref<512xi32, #tpu.memory_space<hbm>>
        %dma_start3A_572 = arith.constant 0 : i32
        %dma_start3A_573 = tpu.memref_slice %arg3[%arg1, %scan3A_19, %dma_start3A_572] : memref<16x80x512xi32, #tpu.memory_space<hbm>> -> memref<1x1x512xi32, #tpu.memory_space<hbm>>
        %dma_start3A_574 = tpu.memref_squeeze %dma_start3A_573 : memref<1x1x512xi32, #tpu.memory_space<hbm>> -> memref<512xi32, #tpu.memory_space<hbm>>
        tpu.enqueue_dma source(%dma_start3A_574 : memref<512xi32, #tpu.memory_space<hbm>>) target(%arg6 : memref<512xi32, #tpu.memory_space<vmem>>) target_semaphore(%run_scoped3A : memref<!tpu.dma_semaphore, #tpu.memory_space<semaphore_mem>>)
        %dma_wait3A_575 = arith.constant 0 : i32
        %dma_wait3A_576 = tpu.memref_slice %arg3[%arg1, %scan3A_19, %dma_wait3A_575] : memref<16x80x512xi32, #tpu.memory_space<hbm>> -> memref<1x1x512xi32, #tpu.memory_space<hbm>>
        %dma_wait3A_577 = tpu.memref_squeeze %dma_wait3A_576 : memref<1x1x512xi32, #tpu.memory_space<hbm>> -> memref<512xi32, #tpu.memory_space<hbm>>
        %dma_wait3A_578 = arith.constant 0 : i32
        %dma_wait3A_579 = tpu.memref_slice %arg3[%arg1, %scan3A_19, %dma_wait3A_578] : memref<16x80x512xi32, #tpu.memory_space<hbm>> -> memref<1x1x512xi32, #tpu.memory_space<hbm>>
        %dma_wait3A_580 = tpu.memref_squeeze %dma_wait3A_579 : memref<1x1x512xi32, #tpu.memory_space<hbm>> -> memref<512xi32, #tpu.memory_space<hbm>>
        tpu.wait_dma2 semaphore(%run_scoped3A : memref<!tpu.dma_semaphore, #tpu.memory_space<semaphore_mem>>) src(%dma_wait3A_580 : memref<512xi32, #tpu.memory_space<hbm>>) dst(%arg6 : memref<512xi32, #tpu.memory_space<vmem>>)
        tpu.yield
      }) : () -> ()
      %get3A = arith.constant 0 : index
      %get3A_20 = tpu.vector_load %arg6[%get3A] {strides = array<i32>} : memref<512xi32, #tpu.memory_space<vmem>>, vector<16xi32>,
      %get3A_21 = vector.shape_cast %get3A_20 : vector<16xi32> to vector<16xi32>
      %get3A_22 = arith.constant 256 : index
      %get3A_23 = tpu.vector_load %arg6[%get3A_22] {strides = array<i32>} : memref<512xi32, #tpu.memory_space<vmem>>, vector<16xi32>,
      %get3A_24 = vector.shape_cast %get3A_23 : vector<16xi32> to vector<16xi32>
      %ge3A = vector.broadcast %mul3A_0 : i32 to vector<16xi32>
      %ge3A_25 = arith.cmpi sge, %get3A_21, %ge3A : vector<16xi32>
      %add3A_26 = arith.constant 5120 : i32
      %add3A_27 = arith.addi %mul3A_0, %add3A_26 : i32
      %lt3A = vector.broadcast %add3A_27 : i32 to vector<16xi32>
      %lt3A_28 = arith.cmpi slt, %get3A_21, %lt3A : vector<16xi32>
      %and3A = arith.andi %ge3A_25, %lt3A_28 : vector<16xi1>
      %sub3A = vector.broadcast %mul3A_0 : i32 to vector<16xi32>
      %sub3A_29 = arith.subi %get3A_21, %sub3A : vector<16xi32>
      %jit3A = arith.constant 0 : i32
      %broadcast_in_dim3A = vector.broadcast %jit3A : i32 to vector<16xi32>
      %select_n3A = arith.select %and3A, %sub3A_29, %broadcast_in_dim3A : vector<16xi1>, vector<16xi32>
      %swap3A = arith.constant 0 : index
      %swap3A_30 = tpu.vector_load %arg7[%swap3A] {strides = array<i32>} : memref<32xi32, #tpu.memory_space<vmem>>, vector<16xi32>,
      %swap3A_31 = vector.shape_cast %swap3A_30 : vector<16xi32> to vector<16xi32>
      %swap3A_32 = vector.shape_cast %select_n3A : vector<16xi32> to vector<16xi32>
      tpu.vector_store %arg7[%swap3A], %swap3A_32 {strides = array<i32>} : memref<32xi32, #tpu.memory_space<vmem>>, vector<16xi32>,
      %jit3A_33 = arith.constant 10000 : i32
      %broadcast_in_dim3A_34 = vector.broadcast %jit3A_33 : i32 to vector<16xi32>
      %select_n3A_35 = arith.select %and3A, %get3A_24, %broadcast_in_dim3A_34 : vector<16xi1>, vector<16xi32>
      %swap3A_36 = arith.constant 0 : index
      %swap3A_37 = tpu.vector_load %arg9[%swap3A_36] {strides = array<i32>} : memref<32xi32, #tpu.memory_space<vmem>>, vector<16xi32>,
      %swap3A_38 = vector.shape_cast %swap3A_37 : vector<16xi32> to vector<16xi32>
      %swap3A_39 = vector.shape_cast %select_n3A_35 : vector<16xi32> to vector<16xi32>
      tpu.vector_store %arg9[%swap3A_36], %swap3A_39 {strides = array<i32>} : memref<32xi32, #tpu.memory_space<vmem>>, vector<16xi32>,
      %get3A_40 = arith.constant 16 : index
      %get3A_41 = tpu.vector_load %arg6[%get3A_40] {strides = array<i32>} : memref<512xi32, #tpu.memory_space<vmem>>, vector<16xi32>,
      %get3A_42 = vector.shape_cast %get3A_41 : vector<16xi32> to vector<16xi32>
      %get3A_43 = arith.constant 272 : index
      %get3A_44 = tpu.vector_load %arg6[%get3A_43] {strides = array<i32>} : memref<512xi32, #tpu.memory_space<vmem>>, vector<16xi32>,
      %get3A_45 = vector.shape_cast %get3A_44 : vector<16xi32> to vector<16xi32>
      %ge3A_46 = vector.broadcast %mul3A_0 : i32 to vector<16xi32>
      %ge3A_47 = arith.cmpi sge, %get3A_42, %ge3A_46 : vector<16xi32>
      %add3A_48 = arith.constant 5120 : i32
      %add3A_49 = arith.addi %mul3A_0, %add3A_48 : i32
      %lt3A_50 = vector.broadcast %add3A_49 : i32 to vector<16xi32>
      %lt3A_51 = arith.cmpi slt, %get3A_42, %lt3A_50 : vector<16xi32>
      %and3A_52 = arith.andi %ge3A_47, %lt3A_51 : vector<16xi1>
      %sub3A_53 = vector.broadcast %mul3A_0 : i32 to vector<16xi32>
      %sub3A_54 = arith.subi %get3A_42, %sub3A_53 : vector<16xi32>
      %jit3A_55 = arith.constant 0 : i32
      %broadcast_in_dim3A_56 = vector.broadcast %jit3A_55 : i32 to vector<16xi32>
      %select_n3A_57 = arith.select %and3A_52, %sub3A_54, %broadcast_in_dim3A_56 : vector<16xi1>, vector<16xi32>
      %swap3A_58 = arith.constant 16 : index
      %swap3A_59 = tpu.vector_load %arg7[%swap3A_58] {strides = array<i32>} : memref<32xi32, #tpu.memory_space<vmem>>, vector<16xi32>,
      %swap3A_60 = vector.shape_cast %swap3A_59 : vector<16xi32> to vector<16xi32>
      %swap3A_61 = vector.shape_cast %select_n3A_57 : vector<16xi32> to vector<16xi32>
      tpu.vector_store %arg7[%swap3A_58], %swap3A_61 {strides = array<i32>} : memref<32xi32, #tpu.memory_space<vmem>>, vector<16xi32>,
      %jit3A_62 = arith.constant 10000 : i32
      %broadcast_in_dim3A_63 = vector.broadcast %jit3A_62 : i32 to vector<16xi32>
      %select_n3A_64 = arith.select %and3A_52, %get3A_45, %broadcast_in_dim3A_63 : vector<16xi1>, vector<16xi32>
      %swap3A_65 = arith.constant 16 : index
      %swap3A_66 = tpu.vector_load %arg9[%swap3A_65] {strides = array<i32>} : memref<32xi32, #tpu.memory_space<vmem>>, vector<16xi32>,
      %swap3A_67 = vector.shape_cast %swap3A_66 : vector<16xi32> to vector<16xi32>
      %swap3A_68 = vector.shape_cast %select_n3A_64 : vector<16xi32> to vector<16xi32>
      tpu.vector_store %arg9[%swap3A_65], %swap3A_68 {strides = array<i32>} : memref<32xi32, #tpu.memory_space<vmem>>, vector<16xi32>,
      %dma_start3A = arith.constant 0 : i32
      %dma_start3A_69 = arith.constant 0 : i32
      %dma_start3A_70 = tpu.memref_slice %arg13[%dma_start3A, %dma_start3A_69] : memref<5120x128xf32, #tpu.memory_space<vmem_shared>> -> memref<5120x128xf32, #tpu.memory_space<vmem_shared>>
      tpu.enqueue_indirect_dma source(%dma_start3A_70 : memref<5120x128xf32, #tpu.memory_space<vmem_shared>>) target(%arg11 : memref<32x128xf32, #tpu.memory_space<vmem>>) offsets(%arg7 : memref<32xi32, #tpu.memory_space<vmem>>) semaphore(%arg15 : memref<!tpu.dma_semaphore, #tpu.memory_space<semaphore_mem>>)
      %dma_wait3A = arith.constant 0 : i32
      %dma_wait3A_71 = arith.constant 0 : i32
      %dma_wait3A_72 = tpu.memref_slice %arg13[%dma_wait3A, %dma_wait3A_71] : memref<5120x128xf32, #tpu.memory_space<vmem_shared>> -> memref<5120x128xf32, #tpu.memory_space<vmem_shared>>
      tpu.wait_indirect_dma semaphore(%arg15 : memref<!tpu.dma_semaphore, #tpu.memory_space<semaphore_mem>>) src(%dma_wait3A_72 : memref<5120x128xf32, #tpu.memory_space<vmem_shared>>) dst(%arg11 : memref<32x128xf32, #tpu.memory_space<vmem>>)
      %dma_start3A_73 = arith.constant 0 : i32
      %dma_start3A_74 = arith.constant 0 : i32
      %dma_start3A_75 = tpu.memref_slice %arg14[%dma_start3A_73, %dma_start3A_74] : memref<10112x128xf32, #tpu.memory_space<vmem_shared>> -> memref<10112x128xf32, #tpu.memory_space<vmem_shared>>
      tpu.enqueue_indirect_dma source(%arg11 : memref<32x128xf32, #tpu.memory_space<vmem>>) target(%dma_start3A_75 : memref<10112x128xf32, #tpu.memory_space<vmem_shared>>) offsets(%arg9 : memref<32xi32, #tpu.memory_space<vmem>>) semaphore(%arg16 : memref<!tpu.dma_semaphore, #tpu.memory_space<semaphore_mem>>) {add = true}
      %get3A_76 = arith.constant 32 : index
      %get3A_77 = tpu.vector_load %arg6[%get3A_76] {strides = array<i32>} : memref<512xi32, #tpu.memory_space<vmem>>, vector<16xi32>,
      %get3A_78 = vector.shape_cast %get3A_77 : vector<16xi32> to vector<16xi32>
      %get3A_79 = arith.constant 288 : index
      %get3A_80 = tpu.vector_load %arg6[%get3A_79] {strides = array<i32>} : memref<512xi32, #tpu.memory_space<vmem>>, vector<16xi32>,
      %get3A_81 = vector.shape_cast %get3A_80 : vector<16xi32> to vector<16xi32>
      %ge3A_82 = vector.broadcast %mul3A_0 : i32 to vector<16xi32>
      %ge3A_83 = arith.cmpi sge, %get3A_78, %ge3A_82 : vector<16xi32>
      %add3A_84 = arith.constant 5120 : i32
      %add3A_85 = arith.addi %mul3A_0, %add3A_84 : i32
      %lt3A_86 = vector.broadcast %add3A_85 : i32 to vector<16xi32>
      %lt3A_87 = arith.cmpi slt, %get3A_78, %lt3A_86 : vector<16xi32>
      %and3A_88 = arith.andi %ge3A_83, %lt3A_87 : vector<16xi1>
      %sub3A_89 = vector.broadcast %mul3A_0 : i32 to vector<16xi32>
      %sub3A_90 = arith.subi %get3A_78, %sub3A_89 : vector<16xi32>
      %jit3A_91 = arith.constant 0 : i32
      %broadcast_in_dim3A_92 = vector.broadcast %jit3A_91 : i32 to vector<16xi32>
      %select_n3A_93 = arith.select %and3A_88, %sub3A_90, %broadcast_in_dim3A_92 : vector<16xi1>, vector<16xi32>
      %swap3A_94 = arith.constant 0 : index
      %swap3A_95 = tpu.vector_load %arg8[%swap3A_94] {strides = array<i32>} : memref<32xi32, #tpu.memory_space<vmem>>, vector<16xi32>,
      %swap3A_96 = vector.shape_cast %swap3A_95 : vector<16xi32> to vector<16xi32>
      %swap3A_97 = vector.shape_cast %select_n3A_93 : vector<16xi32> to vector<16xi32>
      tpu.vector_store %arg8[%swap3A_94], %swap3A_97 {strides = array<i32>} : memref<32xi32, #tpu.memory_space<vmem>>, vector<16xi32>,
      %jit3A_98 = arith.constant 10000 : i32
      %broadcast_in_dim3A_99 = vector.broadcast %jit3A_98 : i32 to vector<16xi32>
      %select_n3A_100 = arith.select %and3A_88, %get3A_81, %broadcast_in_dim3A_99 : vector<16xi1>, vector<16xi32>
      %swap3A_101 = arith.constant 0 : index
      %swap3A_102 = tpu.vector_load %arg10[%swap3A_101] {strides = array<i32>} : memref<32xi32, #tpu.memory_space<vmem>>, vector<16xi32>,
      %swap3A_103 = vector.shape_cast %swap3A_102 : vector<16xi32> to vector<16xi32>
      %swap3A_104 = vector.shape_cast %select_n3A_100 : vector<16xi32> to vector<16xi32>
      tpu.vector_store %arg10[%swap3A_101], %swap3A_104 {strides = array<i32>} : memref<32xi32, #tpu.memory_space<vmem>>, vector<16xi32>,
      %get3A_105 = arith.constant 48 : index
      %get3A_106 = tpu.vector_load %arg6[%get3A_105] {strides = array<i32>} : memref<512xi32, #tpu.memory_space<vmem>>, vector<16xi32>,
      %get3A_107 = vector.shape_cast %get3A_106 : vector<16xi32> to vector<16xi32>
      %get3A_108 = arith.constant 304 : index
      %get3A_109 = tpu.vector_load %arg6[%get3A_108] {strides = array<i32>} : memref<512xi32, #tpu.memory_space<vmem>>, vector<16xi32>,
      %get3A_110 = vector.shape_cast %get3A_109 : vector<16xi32> to vector<16xi32>
      %ge3A_111 = vector.broadcast %mul3A_0 : i32 to vector<16xi32>
      %ge3A_112 = arith.cmpi sge, %get3A_107, %ge3A_111 : vector<16xi32>
      %add3A_113 = arith.constant 5120 : i32
      %add3A_114 = arith.addi %mul3A_0, %add3A_113 : i32
      %lt3A_115 = vector.broadcast %add3A_114 : i32 to vector<16xi32>
      %lt3A_116 = arith.cmpi slt, %get3A_107, %lt3A_115 : vector<16xi32>
      %and3A_117 = arith.andi %ge3A_112, %lt3A_116 : vector<16xi1>
      %sub3A_118 = vector.broadcast %mul3A_0 : i32 to vector<16xi32>
      %sub3A_119 = arith.subi %get3A_107, %sub3A_118 : vector<16xi32>
      %jit3A_120 = arith.constant 0 : i32
      %broadcast_in_dim3A_121 = vector.broadcast %jit3A_120 : i32 to vector<16xi32>
      %select_n3A_122 = arith.select %and3A_117, %sub3A_119, %broadcast_in_dim3A_121 : vector<16xi1>, vector<16xi32>
      %swap3A_123 = arith.constant 16 : index
      %swap3A_124 = tpu.vector_load %arg8[%swap3A_123] {strides = array<i32>} : memref<32xi32, #tpu.memory_space<vmem>>, vector<16xi32>,
      %swap3A_125 = vector.shape_cast %swap3A_124 : vector<16xi32> to vector<16xi32>
      %swap3A_126 = vector.shape_cast %select_n3A_122 : vector<16xi32> to vector<16xi32>
      tpu.vector_store %arg8[%swap3A_123], %swap3A_126 {strides = array<i32>} : memref<32xi32, #tpu.memory_space<vmem>>, vector<16xi32>,
      %jit3A_127 = arith.constant 10000 : i32
      %broadcast_in_dim3A_128 = vector.broadcast %jit3A_127 : i32 to vector<16xi32>
      %select_n3A_129 = arith.select %and3A_117, %get3A_110, %broadcast_in_dim3A_128 : vector<16xi1>, vector<16xi32>
      %swap3A_130 = arith.constant 16 : index
      %swap3A_131 = tpu.vector_load %arg10[%swap3A_130] {strides = array<i32>} : memref<32xi32, #tpu.memory_space<vmem>>, vector<16xi32>,
      %swap3A_132 = vector.shape_cast %swap3A_131 : vector<16xi32> to vector<16xi32>
      %swap3A_133 = vector.shape_cast %select_n3A_129 : vector<16xi32> to vector<16xi32>
      tpu.vector_store %arg10[%swap3A_130], %swap3A_133 {strides = array<i32>} : memref<32xi32, #tpu.memory_space<vmem>>, vector<16xi32>,
      %dma_start3A_134 = arith.constant 0 : i32
      %dma_start3A_135 = arith.constant 0 : i32
      %dma_start3A_136 = tpu.memref_slice %arg13[%dma_start3A_134, %dma_start3A_135] : memref<5120x128xf32, #tpu.memory_space<vmem_shared>> -> memref<5120x128xf32, #tpu.memory_space<vmem_shared>>
      tpu.enqueue_indirect_dma source(%dma_start3A_136 : memref<5120x128xf32, #tpu.memory_space<vmem_shared>>) target(%arg12 : memref<32x128xf32, #tpu.memory_space<vmem>>) offsets(%arg8 : memref<32xi32, #tpu.memory_space<vmem>>) semaphore(%arg15 : memref<!tpu.dma_semaphore, #tpu.memory_space<semaphore_mem>>)
      %dma_wait3A_137 = arith.constant 0 : i32
      %dma_wait3A_138 = arith.constant 0 : i32
      %dma_wait3A_139 = tpu.memref_slice %arg13[%dma_wait3A_137, %dma_wait3A_138] : memref<5120x128xf32, #tpu.memory_space<vmem_shared>> -> memref<5120x128xf32, #tpu.memory_space<vmem_shared>>
      tpu.wait_indirect_dma semaphore(%arg15 : memref<!tpu.dma_semaphore, #tpu.memory_space<semaphore_mem>>) src(%dma_wait3A_139 : memref<5120x128xf32, #tpu.memory_space<vmem_shared>>) dst(%arg12 : memref<32x128xf32, #tpu.memory_space<vmem>>)
      %dma_start3A_140 = arith.constant 0 : i32
      %dma_start3A_141 = arith.constant 0 : i32
      %dma_start3A_142 = tpu.memref_slice %arg14[%dma_start3A_140, %dma_start3A_141] : memref<10112x128xf32, #tpu.memory_space<vmem_shared>> -> memref<10112x128xf32, #tpu.memory_space<vmem_shared>>
      tpu.enqueue_indirect_dma source(%arg12 : memref<32x128xf32, #tpu.memory_space<vmem>>) target(%dma_start3A_142 : memref<10112x128xf32, #tpu.memory_space<vmem_shared>>) offsets(%arg10 : memref<32xi32, #tpu.memory_space<vmem>>) semaphore(%arg16 : memref<!tpu.dma_semaphore, #tpu.memory_space<semaphore_mem>>) {add = true}
      %dma_wait3A_143 = arith.constant 0 : i32
      %dma_wait3A_144 = arith.constant 0 : i32
      %dma_wait3A_145 = tpu.memref_slice %arg14[%dma_wait3A_143, %dma_wait3A_144] : memref<10112x128xf32, #tpu.memory_space<vmem_shared>> -> memref<10112x128xf32, #tpu.memory_space<vmem_shared>>
      tpu.wait_indirect_dma semaphore(%arg16 : memref<!tpu.dma_semaphore, #tpu.memory_space<semaphore_mem>>) src(%arg11 : memref<32x128xf32, #tpu.memory_space<vmem>>) dst(%dma_wait3A_145 : memref<10112x128xf32, #tpu.memory_space<vmem_shared>>)
      %get3A_146 = arith.constant 64 : index
      %get3A_147 = tpu.vector_load %arg6[%get3A_146] {strides = array<i32>} : memref<512xi32, #tpu.memory_space<vmem>>, vector<16xi32>,
      %get3A_148 = vector.shape_cast %get3A_147 : vector<16xi32> to vector<16xi32>
      %get3A_149 = arith.constant 320 : index
      %get3A_150 = tpu.vector_load %arg6[%get3A_149] {strides = array<i32>} : memref<512xi32, #tpu.memory_space<vmem>>, vector<16xi32>,
      %get3A_151 = vector.shape_cast %get3A_150 : vector<16xi32> to vector<16xi32>
      %ge3A_152 = vector.broadcast %mul3A_0 : i32 to vector<16xi32>
      %ge3A_153 = arith.cmpi sge, %get3A_148, %ge3A_152 : vector<16xi32>
      %add3A_154 = arith.constant 5120 : i32
      %add3A_155 = arith.addi %mul3A_0, %add3A_154 : i32
      %lt3A_156 = vector.broadcast %add3A_155 : i32 to vector<16xi32>
      %lt3A_157 = arith.cmpi slt, %get3A_148, %lt3A_156 : vector<16xi32>
      %and3A_158 = arith.andi %ge3A_153, %lt3A_157 : vector<16xi1>
      %sub3A_159 = vector.broadcast %mul3A_0 : i32 to vector<16xi32>
      %sub3A_160 = arith.subi %get3A_148, %sub3A_159 : vector<16xi32>
      %jit3A_161 = arith.constant 0 : i32
      %broadcast_in_dim3A_162 = vector.broadcast %jit3A_161 : i32 to vector<16xi32>
      %select_n3A_163 = arith.select %and3A_158, %sub3A_160, %broadcast_in_dim3A_162 : vector<16xi1>, vector<16xi32>
      %swap3A_164 = arith.constant 0 : index
      %swap3A_165 = tpu.vector_load %arg7[%swap3A_164] {strides = array<i32>} : memref<32xi32, #tpu.memory_space<vmem>>, vector<16xi32>,
      %swap3A_166 = vector.shape_cast %swap3A_165 : vector<16xi32> to vector<16xi32>
      %swap3A_167 = vector.shape_cast %select_n3A_163 : vector<16xi32> to vector<16xi32>
      tpu.vector_store %arg7[%swap3A_164], %swap3A_167 {strides = array<i32>} : memref<32xi32, #tpu.memory_space<vmem>>, vector<16xi32>,
      %jit3A_168 = arith.constant 10000 : i32
      %broadcast_in_dim3A_169 = vector.broadcast %jit3A_168 : i32 to vector<16xi32>
      %select_n3A_170 = arith.select %and3A_158, %get3A_151, %broadcast_in_dim3A_169 : vector<16xi1>, vector<16xi32>
      %swap3A_171 = arith.constant 0 : index
      %swap3A_172 = tpu.vector_load %arg9[%swap3A_171] {strides = array<i32>} : memref<32xi32, #tpu.memory_space<vmem>>, vector<16xi32>,
      %swap3A_173 = vector.shape_cast %swap3A_172 : vector<16xi32> to vector<16xi32>
      %swap3A_174 = vector.shape_cast %select_n3A_170 : vector<16xi32> to vector<16xi32>
      tpu.vector_store %arg9[%swap3A_171], %swap3A_174 {strides = array<i32>} : memref<32xi32, #tpu.memory_space<vmem>>, vector<16xi32>,
      %get3A_175 = arith.constant 80 : index
      %get3A_176 = tpu.vector_load %arg6[%get3A_175] {strides = array<i32>} : memref<512xi32, #tpu.memory_space<vmem>>, vector<16xi32>,
      %get3A_177 = vector.shape_cast %get3A_176 : vector<16xi32> to vector<16xi32>
      %get3A_178 = arith.constant 336 : index
      %get3A_179 = tpu.vector_load %arg6[%get3A_178] {strides = array<i32>} : memref<512xi32, #tpu.memory_space<vmem>>, vector<16xi32>,
      %get3A_180 = vector.shape_cast %get3A_179 : vector<16xi32> to vector<16xi32>
      %ge3A_181 = vector.broadcast %mul3A_0 : i32 to vector<16xi32>
      %ge3A_182 = arith.cmpi sge, %get3A_177, %ge3A_181 : vector<16xi32>
      %add3A_183 = arith.constant 5120 : i32
      %add3A_184 = arith.addi %mul3A_0, %add3A_183 : i32
      %lt3A_185 = vector.broadcast %add3A_184 : i32 to vector<16xi32>
      %lt3A_186 = arith.cmpi slt, %get3A_177, %lt3A_185 : vector<16xi32>
      %and3A_187 = arith.andi %ge3A_182, %lt3A_186 : vector<16xi1>
      %sub3A_188 = vector.broadcast %mul3A_0 : i32 to vector<16xi32>
      %sub3A_189 = arith.subi %get3A_177, %sub3A_188 : vector<16xi32>
      %jit3A_190 = arith.constant 0 : i32
      %broadcast_in_dim3A_191 = vector.broadcast %jit3A_190 : i32 to vector<16xi32>
      %select_n3A_192 = arith.select %and3A_187, %sub3A_189, %broadcast_in_dim3A_191 : vector<16xi1>, vector<16xi32>
      %swap3A_193 = arith.constant 16 : index
      %swap3A_194 = tpu.vector_load %arg7[%swap3A_193] {strides = array<i32>} : memref<32xi32, #tpu.memory_space<vmem>>, vector<16xi32>,
      %swap3A_195 = vector.shape_cast %swap3A_194 : vector<16xi32> to vector<16xi32>
      %swap3A_196 = vector.shape_cast %select_n3A_192 : vector<16xi32> to vector<16xi32>
      tpu.vector_store %arg7[%swap3A_193], %swap3A_196 {strides = array<i32>} : memref<32xi32, #tpu.memory_space<vmem>>, vector<16xi32>,
      %jit3A_197 = arith.constant 10000 : i32
      %broadcast_in_dim3A_198 = vector.broadcast %jit3A_197 : i32 to vector<16xi32>
      %select_n3A_199 = arith.select %and3A_187, %get3A_180, %broadcast_in_dim3A_198 : vector<16xi1>, vector<16xi32>
      %swap3A_200 = arith.constant 16 : index
      %swap3A_201 = tpu.vector_load %arg9[%swap3A_200] {strides = array<i32>} : memref<32xi32, #tpu.memory_space<vmem>>, vector<16xi32>,
      %swap3A_202 = vector.shape_cast %swap3A_201 : vector<16xi32> to vector<16xi32>
      %swap3A_203 = vector.shape_cast %select_n3A_199 : vector<16xi32> to vector<16xi32>
      tpu.vector_store %arg9[%swap3A_200], %swap3A_203 {strides = array<i32>} : memref<32xi32, #tpu.memory_space<vmem>>, vector<16xi32>,
      %dma_start3A_204 = arith.constant 0 : i32
      %dma_start3A_205 = arith.constant 0 : i32
      %dma_start3A_206 = tpu.memref_slice %arg13[%dma_start3A_204, %dma_start3A_205] : memref<5120x128xf32, #tpu.memory_space<vmem_shared>> -> memref<5120x128xf32, #tpu.memory_space<vmem_shared>>
      tpu.enqueue_indirect_dma source(%dma_start3A_206 : memref<5120x128xf32, #tpu.memory_space<vmem_shared>>) target(%arg11 : memref<32x128xf32, #tpu.memory_space<vmem>>) offsets(%arg7 : memref<32xi32, #tpu.memory_space<vmem>>) semaphore(%arg15 : memref<!tpu.dma_semaphore, #tpu.memory_space<semaphore_mem>>)
      %dma_wait3A_207 = arith.constant 0 : i32
      %dma_wait3A_208 = arith.constant 0 : i32
      %dma_wait3A_209 = tpu.memref_slice %arg13[%dma_wait3A_207, %dma_wait3A_208] : memref<5120x128xf32, #tpu.memory_space<vmem_shared>> -> memref<5120x128xf32, #tpu.memory_space<vmem_shared>>
      tpu.wait_indirect_dma semaphore(%arg15 : memref<!tpu.dma_semaphore, #tpu.memory_space<semaphore_mem>>) src(%dma_wait3A_209 : memref<5120x128xf32, #tpu.memory_space<vmem_shared>>) dst(%arg11 : memref<32x128xf32, #tpu.memory_space<vmem>>)
      %dma_start3A_210 = arith.constant 0 : i32
      %dma_start3A_211 = arith.constant 0 : i32
      %dma_start3A_212 = tpu.memref_slice %arg14[%dma_start3A_210, %dma_start3A_211] : memref<10112x128xf32, #tpu.memory_space<vmem_shared>> -> memref<10112x128xf32, #tpu.memory_space<vmem_shared>>
      tpu.enqueue_indirect_dma source(%arg11 : memref<32x128xf32, #tpu.memory_space<vmem>>) target(%dma_start3A_212 : memref<10112x128xf32, #tpu.memory_space<vmem_shared>>) offsets(%arg9 : memref<32xi32, #tpu.memory_space<vmem>>) semaphore(%arg16 : memref<!tpu.dma_semaphore, #tpu.memory_space<semaphore_mem>>) {add = true}
      %dma_wait3A_213 = arith.constant 0 : i32
      %dma_wait3A_214 = arith.constant 0 : i32
      %dma_wait3A_215 = tpu.memref_slice %arg14[%dma_wait3A_213, %dma_wait3A_214] : memref<10112x128xf32, #tpu.memory_space<vmem_shared>> -> memref<10112x128xf32, #tpu.memory_space<vmem_shared>>
      tpu.wait_indirect_dma semaphore(%arg16 : memref<!tpu.dma_semaphore, #tpu.memory_space<semaphore_mem>>) src(%arg12 : memref<32x128xf32, #tpu.memory_space<vmem>>) dst(%dma_wait3A_215 : memref<10112x128xf32, #tpu.memory_space<vmem_shared>>)
      %get3A_216 = arith.constant 96 : index
      %get3A_217 = tpu.vector_load %arg6[%get3A_216] {strides = array<i32>} : memref<512xi32, #tpu.memory_space<vmem>>, vector<16xi32>,
      %get3A_218 = vector.shape_cast %get3A_217 : vector<16xi32> to vector<16xi32>
      %get3A_219 = arith.constant 352 : index
      %get3A_220 = tpu.vector_load %arg6[%get3A_219] {strides = array<i32>} : memref<512xi32, #tpu.memory_space<vmem>>, vector<16xi32>,
      %get3A_221 = vector.shape_cast %get3A_220 : vector<16xi32> to vector<16xi32>
      %ge3A_222 = vector.broadcast %mul3A_0 : i32 to vector<16xi32>
      %ge3A_223 = arith.cmpi sge, %get3A_218, %ge3A_222 : vector<16xi32>
      %add3A_224 = arith.constant 5120 : i32
      %add3A_225 = arith.addi %mul3A_0, %add3A_224 : i32
      %lt3A_226 = vector.broadcast %add3A_225 : i32 to vector<16xi32>
      %lt3A_227 = arith.cmpi slt, %get3A_218, %lt3A_226 : vector<16xi32>
      %and3A_228 = arith.andi %ge3A_223, %lt3A_227 : vector<16xi1>
      %sub3A_229 = vector.broadcast %mul3A_0 : i32 to vector<16xi32>
      %sub3A_230 = arith.subi %get3A_218, %sub3A_229 : vector<16xi32>
      %jit3A_231 = arith.constant 0 : i32
      %broadcast_in_dim3A_232 = vector.broadcast %jit3A_231 : i32 to vector<16xi32>
      %select_n3A_233 = arith.select %and3A_228, %sub3A_230, %broadcast_in_dim3A_232 : vector<16xi1>, vector<16xi32>
      %swap3A_234 = arith.constant 0 : index
      %swap3A_235 = tpu.vector_load %arg8[%swap3A_234] {strides = array<i32>} : memref<32xi32, #tpu.memory_space<vmem>>, vector<16xi32>,
      %swap3A_236 = vector.shape_cast %swap3A_235 : vector<16xi32> to vector<16xi32>
      %swap3A_237 = vector.shape_cast %select_n3A_233 : vector<16xi32> to vector<16xi32>
      tpu.vector_store %arg8[%swap3A_234], %swap3A_237 {strides = array<i32>} : memref<32xi32, #tpu.memory_space<vmem>>, vector<16xi32>,
      %jit3A_238 = arith.constant 10000 : i32
      %broadcast_in_dim3A_239 = vector.broadcast %jit3A_238 : i32 to vector<16xi32>
      %select_n3A_240 = arith.select %and3A_228, %get3A_221, %broadcast_in_dim3A_239 : vector<16xi1>, vector<16xi32>
      %swap3A_241 = arith.constant 0 : index
      %swap3A_242 = tpu.vector_load %arg10[%swap3A_241] {strides = array<i32>} : memref<32xi32, #tpu.memory_space<vmem>>, vector<16xi32>,
      %swap3A_243 = vector.shape_cast %swap3A_242 : vector<16xi32> to vector<16xi32>
      %swap3A_244 = vector.shape_cast %select_n3A_240 : vector<16xi32> to vector<16xi32>
      tpu.vector_store %arg10[%swap3A_241], %swap3A_244 {strides = array<i32>} : memref<32xi32, #tpu.memory_space<vmem>>, vector<16xi32>,
      %get3A_245 = arith.constant 112 : index
      %get3A_246 = tpu.vector_load %arg6[%get3A_245] {strides = array<i32>} : memref<512xi32, #tpu.memory_space<vmem>>, vector<16xi32>,
      %get3A_247 = vector.shape_cast %get3A_246 : vector<16xi32> to vector<16xi32>
      %get3A_248 = arith.constant 368 : index
      %get3A_249 = tpu.vector_load %arg6[%get3A_248] {strides = array<i32>} : memref<512xi32, #tpu.memory_space<vmem>>, vector<16xi32>,
      %get3A_250 = vector.shape_cast %get3A_249 : vector<16xi32> to vector<16xi32>
      %ge3A_251 = vector.broadcast %mul3A_0 : i32 to vector<16xi32>
      %ge3A_252 = arith.cmpi sge, %get3A_247, %ge3A_251 : vector<16xi32>
      %add3A_253 = arith.constant 5120 : i32
      %add3A_254 = arith.addi %mul3A_0, %add3A_253 : i32
      %lt3A_255 = vector.broadcast %add3A_254 : i32 to vector<16xi32>
      %lt3A_256 = arith.cmpi slt, %get3A_247, %lt3A_255 : vector<16xi32>
      %and3A_257 = arith.andi %ge3A_252, %lt3A_256 : vector<16xi1>
      %sub3A_258 = vector.broadcast %mul3A_0 : i32 to vector<16xi32>
      %sub3A_259 = arith.subi %get3A_247, %sub3A_258 : vector<16xi32>
      %jit3A_260 = arith.constant 0 : i32
      %broadcast_in_dim3A_261 = vector.broadcast %jit3A_260 : i32 to vector<16xi32>
      %select_n3A_262 = arith.select %and3A_257, %sub3A_259, %broadcast_in_dim3A_261 : vector<16xi1>, vector<16xi32>
      %swap3A_263 = arith.constant 16 : index
      %swap3A_264 = tpu.vector_load %arg8[%swap3A_263] {strides = array<i32>} : memref<32xi32, #tpu.memory_space<vmem>>, vector<16xi32>,
      %swap3A_265 = vector.shape_cast %swap3A_264 : vector<16xi32> to vector<16xi32>
      %swap3A_266 = vector.shape_cast %select_n3A_262 : vector<16xi32> to vector<16xi32>
      tpu.vector_store %arg8[%swap3A_263], %swap3A_266 {strides = array<i32>} : memref<32xi32, #tpu.memory_space<vmem>>, vector<16xi32>,
      %jit3A_267 = arith.constant 10000 : i32
      %broadcast_in_dim3A_268 = vector.broadcast %jit3A_267 : i32 to vector<16xi32>
      %select_n3A_269 = arith.select %and3A_257, %get3A_250, %broadcast_in_dim3A_268 : vector<16xi1>, vector<16xi32>
      %swap3A_270 = arith.constant 16 : index
      %swap3A_271 = tpu.vector_load %arg10[%swap3A_270] {strides = array<i32>} : memref<32xi32, #tpu.memory_space<vmem>>, vector<16xi32>,
      %swap3A_272 = vector.shape_cast %swap3A_271 : vector<16xi32> to vector<16xi32>
      %swap3A_273 = vector.shape_cast %select_n3A_269 : vector<16xi32> to vector<16xi32>
      tpu.vector_store %arg10[%swap3A_270], %swap3A_273 {strides = array<i32>} : memref<32xi32, #tpu.memory_space<vmem>>, vector<16xi32>,
      %dma_start3A_274 = arith.constant 0 : i32
      %dma_start3A_275 = arith.constant 0 : i32
      %dma_start3A_276 = tpu.memref_slice %arg13[%dma_start3A_274, %dma_start3A_275] : memref<5120x128xf32, #tpu.memory_space<vmem_shared>> -> memref<5120x128xf32, #tpu.memory_space<vmem_shared>>
      tpu.enqueue_indirect_dma source(%dma_start3A_276 : memref<5120x128xf32, #tpu.memory_space<vmem_shared>>) target(%arg12 : memref<32x128xf32, #tpu.memory_space<vmem>>) offsets(%arg8 : memref<32xi32, #tpu.memory_space<vmem>>) semaphore(%arg15 : memref<!tpu.dma_semaphore, #tpu.memory_space<semaphore_mem>>)
      %dma_wait3A_277 = arith.constant 0 : i32
      %dma_wait3A_278 = arith.constant 0 : i32
      %dma_wait3A_279 = tpu.memref_slice %arg13[%dma_wait3A_277, %dma_wait3A_278] : memref<5120x128xf32, #tpu.memory_space<vmem_shared>> -> memref<5120x128xf32, #tpu.memory_space<vmem_shared>>
      tpu.wait_indirect_dma semaphore(%arg15 : memref<!tpu.dma_semaphore, #tpu.memory_space<semaphore_mem>>) src(%dma_wait3A_279 : memref<5120x128xf32, #tpu.memory_space<vmem_shared>>) dst(%arg12 : memref<32x128xf32, #tpu.memory_space<vmem>>)
      %dma_start3A_280 = arith.constant 0 : i32
      %dma_start3A_281 = arith.constant 0 : i32
      %dma_start3A_282 = tpu.memref_slice %arg14[%dma_start3A_280, %dma_start3A_281] : memref<10112x128xf32, #tpu.memory_space<vmem_shared>> -> memref<10112x128xf32, #tpu.memory_space<vmem_shared>>
      tpu.enqueue_indirect_dma source(%arg12 : memref<32x128xf32, #tpu.memory_space<vmem>>) target(%dma_start3A_282 : memref<10112x128xf32, #tpu.memory_space<vmem_shared>>) offsets(%arg10 : memref<32xi32, #tpu.memory_space<vmem>>) semaphore(%arg16 : memref<!tpu.dma_semaphore, #tpu.memory_space<semaphore_mem>>) {add = true}
      %dma_wait3A_283 = arith.constant 0 : i32
      %dma_wait3A_284 = arith.constant 0 : i32
      %dma_wait3A_285 = tpu.memref_slice %arg14[%dma_wait3A_283, %dma_wait3A_284] : memref<10112x128xf32, #tpu.memory_space<vmem_shared>> -> memref<10112x128xf32, #tpu.memory_space<vmem_shared>>
      tpu.wait_indirect_dma semaphore(%arg16 : memref<!tpu.dma_semaphore, #tpu.memory_space<semaphore_mem>>) src(%arg11 : memref<32x128xf32, #tpu.memory_space<vmem>>) dst(%dma_wait3A_285 : memref<10112x128xf32, #tpu.memory_space<vmem_shared>>)
      %get3A_286 = arith.constant 128 : index
      %get3A_287 = tpu.vector_load %arg6[%get3A_286] {strides = array<i32>} : memref<512xi32, #tpu.memory_space<vmem>>, vector<16xi32>,
      %get3A_288 = vector.shape_cast %get3A_287 : vector<16xi32> to vector<16xi32>
      %get3A_289 = arith.constant 384 : index
      %get3A_290 = tpu.vector_load %arg6[%get3A_289] {strides = array<i32>} : memref<512xi32, #tpu.memory_space<vmem>>, vector<16xi32>,
      %get3A_291 = vector.shape_cast %get3A_290 : vector<16xi32> to vector<16xi32>
      %ge3A_292 = vector.broadcast %mul3A_0 : i32 to vector<16xi32>
      %ge3A_293 = arith.cmpi sge, %get3A_288, %ge3A_292 : vector<16xi32>
      %add3A_294 = arith.constant 5120 : i32
      %add3A_295 = arith.addi %mul3A_0, %add3A_294 : i32
      %lt3A_296 = vector.broadcast %add3A_295 : i32 to vector<16xi32>
      %lt3A_297 = arith.cmpi slt, %get3A_288, %lt3A_296 : vector<16xi32>
      %and3A_298 = arith.andi %ge3A_293, %lt3A_297 : vector<16xi1>
      %sub3A_299 = vector.broadcast %mul3A_0 : i32 to vector<16xi32>
      %sub3A_300 = arith.subi %get3A_288, %sub3A_299 : vector<16xi32>
      %jit3A_301 = arith.constant 0 : i32
      %broadcast_in_dim3A_302 = vector.broadcast %jit3A_301 : i32 to vector<16xi32>
      %select_n3A_303 = arith.select %and3A_298, %sub3A_300, %broadcast_in_dim3A_302 : vector<16xi1>, vector<16xi32>
      %swap3A_304 = arith.constant 0 : index
      %swap3A_305 = tpu.vector_load %arg7[%swap3A_304] {strides = array<i32>} : memref<32xi32, #tpu.memory_space<vmem>>, vector<16xi32>,
      %swap3A_306 = vector.shape_cast %swap3A_305 : vector<16xi32> to vector<16xi32>
      %swap3A_307 = vector.shape_cast %select_n3A_303 : vector<16xi32> to vector<16xi32>
      tpu.vector_store %arg7[%swap3A_304], %swap3A_307 {strides = array<i32>} : memref<32xi32, #tpu.memory_space<vmem>>, vector<16xi32>,
      %jit3A_308 = arith.constant 10000 : i32
      %broadcast_in_dim3A_309 = vector.broadcast %jit3A_308 : i32 to vector<16xi32>
      %select_n3A_310 = arith.select %and3A_298, %get3A_291, %broadcast_in_dim3A_309 : vector<16xi1>, vector<16xi32>
      %swap3A_311 = arith.constant 0 : index
      %swap3A_312 = tpu.vector_load %arg9[%swap3A_311] {strides = array<i32>} : memref<32xi32, #tpu.memory_space<vmem>>, vector<16xi32>,
      %swap3A_313 = vector.shape_cast %swap3A_312 : vector<16xi32> to vector<16xi32>
      %swap3A_314 = vector.shape_cast %select_n3A_310 : vector<16xi32> to vector<16xi32>
      tpu.vector_store %arg9[%swap3A_311], %swap3A_314 {strides = array<i32>} : memref<32xi32, #tpu.memory_space<vmem>>, vector<16xi32>,
      %get3A_315 = arith.constant 144 : index
      %get3A_316 = tpu.vector_load %arg6[%get3A_315] {strides = array<i32>} : memref<512xi32, #tpu.memory_space<vmem>>, vector<16xi32>,
      %get3A_317 = vector.shape_cast %get3A_316 : vector<16xi32> to vector<16xi32>
      %get3A_318 = arith.constant 400 : index
      %get3A_319 = tpu.vector_load %arg6[%get3A_318] {strides = array<i32>} : memref<512xi32, #tpu.memory_space<vmem>>, vector<16xi32>,
      %get3A_320 = vector.shape_cast %get3A_319 : vector<16xi32> to vector<16xi32>
      %ge3A_321 = vector.broadcast %mul3A_0 : i32 to vector<16xi32>
      %ge3A_322 = arith.cmpi sge, %get3A_317, %ge3A_321 : vector<16xi32>
      %add3A_323 = arith.constant 5120 : i32
      %add3A_324 = arith.addi %mul3A_0, %add3A_323 : i32
      %lt3A_325 = vector.broadcast %add3A_324 : i32 to vector<16xi32>
      %lt3A_326 = arith.cmpi slt, %get3A_317, %lt3A_325 : vector<16xi32>
      %and3A_327 = arith.andi %ge3A_322, %lt3A_326 : vector<16xi1>
      %sub3A_328 = vector.broadcast %mul3A_0 : i32 to vector<16xi32>
      %sub3A_329 = arith.subi %get3A_317, %sub3A_328 : vector<16xi32>
      %jit3A_330 = arith.constant 0 : i32
      %broadcast_in_dim3A_331 = vector.broadcast %jit3A_330 : i32 to vector<16xi32>
      %select_n3A_332 = arith.select %and3A_327, %sub3A_329, %broadcast_in_dim3A_331 : vector<16xi1>, vector<16xi32>
      %swap3A_333 = arith.constant 16 : index
      %swap3A_334 = tpu.vector_load %arg7[%swap3A_333] {strides = array<i32>} : memref<32xi32, #tpu.memory_space<vmem>>, vector<16xi32>,
      %swap3A_335 = vector.shape_cast %swap3A_334 : vector<16xi32> to vector<16xi32>
      %swap3A_336 = vector.shape_cast %select_n3A_332 : vector<16xi32> to vector<16xi32>
      tpu.vector_store %arg7[%swap3A_333], %swap3A_336 {strides = array<i32>} : memref<32xi32, #tpu.memory_space<vmem>>, vector<16xi32>,
      %jit3A_337 = arith.constant 10000 : i32
      %broadcast_in_dim3A_338 = vector.broadcast %jit3A_337 : i32 to vector<16xi32>
      %select_n3A_339 = arith.select %and3A_327, %get3A_320, %broadcast_in_dim3A_338 : vector<16xi1>, vector<16xi32>
      %swap3A_340 = arith.constant 16 : index
      %swap3A_341 = tpu.vector_load %arg9[%swap3A_340] {strides = array<i32>} : memref<32xi32, #tpu.memory_space<vmem>>, vector<16xi32>,
      %swap3A_342 = vector.shape_cast %swap3A_341 : vector<16xi32> to vector<16xi32>
      %swap3A_343 = vector.shape_cast %select_n3A_339 : vector<16xi32> to vector<16xi32>
      tpu.vector_store %arg9[%swap3A_340], %swap3A_343 {strides = array<i32>} : memref<32xi32, #tpu.memory_space<vmem>>, vector<16xi32>,
      %dma_start3A_344 = arith.constant 0 : i32
      %dma_start3A_345 = arith.constant 0 : i32
      %dma_start3A_346 = tpu.memref_slice %arg13[%dma_start3A_344, %dma_start3A_345] : memref<5120x128xf32, #tpu.memory_space<vmem_shared>> -> memref<5120x128xf32, #tpu.memory_space<vmem_shared>>
      tpu.enqueue_indirect_dma source(%dma_start3A_346 : memref<5120x128xf32, #tpu.memory_space<vmem_shared>>) target(%arg11 : memref<32x128xf32, #tpu.memory_space<vmem>>) offsets(%arg7 : memref<32xi32, #tpu.memory_space<vmem>>) semaphore(%arg15 : memref<!tpu.dma_semaphore, #tpu.memory_space<semaphore_mem>>)
      %dma_wait3A_347 = arith.constant 0 : i32
      %dma_wait3A_348 = arith.constant 0 : i32
      %dma_wait3A_349 = tpu.memref_slice %arg13[%dma_wait3A_347, %dma_wait3A_348] : memref<5120x128xf32, #tpu.memory_space<vmem_shared>> -> memref<5120x128xf32, #tpu.memory_space<vmem_shared>>
      tpu.wait_indirect_dma semaphore(%arg15 : memref<!tpu.dma_semaphore, #tpu.memory_space<semaphore_mem>>) src(%dma_wait3A_349 : memref<5120x128xf32, #tpu.memory_space<vmem_shared>>) dst(%arg11 : memref<32x128xf32, #tpu.memory_space<vmem>>)
      %dma_start3A_350 = arith.constant 0 : i32
      %dma_start3A_351 = arith.constant 0 : i32
      %dma_start3A_352 = tpu.memref_slice %arg14[%dma_start3A_350, %dma_start3A_351] : memref<10112x128xf32, #tpu.memory_space<vmem_shared>> -> memref<10112x128xf32, #tpu.memory_space<vmem_shared>>
      tpu.enqueue_indirect_dma source(%arg11 : memref<32x128xf32, #tpu.memory_space<vmem>>) target(%dma_start3A_352 : memref<10112x128xf32, #tpu.memory_space<vmem_shared>>) offsets(%arg9 : memref<32xi32, #tpu.memory_space<vmem>>) semaphore(%arg16 : memref<!tpu.dma_semaphore, #tpu.memory_space<semaphore_mem>>) {add = true}
      %dma_wait3A_353 = arith.constant 0 : i32
      %dma_wait3A_354 = arith.constant 0 : i32
      %dma_wait3A_355 = tpu.memref_slice %arg14[%dma_wait3A_353, %dma_wait3A_354] : memref<10112x128xf32, #tpu.memory_space<vmem_shared>> -> memref<10112x128xf32, #tpu.memory_space<vmem_shared>>
      tpu.wait_indirect_dma semaphore(%arg16 : memref<!tpu.dma_semaphore, #tpu.memory_space<semaphore_mem>>) src(%arg12 : memref<32x128xf32, #tpu.memory_space<vmem>>) dst(%dma_wait3A_355 : memref<10112x128xf32, #tpu.memory_space<vmem_shared>>)
      %get3A_356 = arith.constant 160 : index
      %get3A_357 = tpu.vector_load %arg6[%get3A_356] {strides = array<i32>} : memref<512xi32, #tpu.memory_space<vmem>>, vector<16xi32>,
      %get3A_358 = vector.shape_cast %get3A_357 : vector<16xi32> to vector<16xi32>
      %get3A_359 = arith.constant 416 : index
      %get3A_360 = tpu.vector_load %arg6[%get3A_359] {strides = array<i32>} : memref<512xi32, #tpu.memory_space<vmem>>, vector<16xi32>,
      %get3A_361 = vector.shape_cast %get3A_360 : vector<16xi32> to vector<16xi32>
      %ge3A_362 = vector.broadcast %mul3A_0 : i32 to vector<16xi32>
      %ge3A_363 = arith.cmpi sge, %get3A_358, %ge3A_362 : vector<16xi32>
      %add3A_364 = arith.constant 5120 : i32
      %add3A_365 = arith.addi %mul3A_0, %add3A_364 : i32
      %lt3A_366 = vector.broadcast %add3A_365 : i32 to vector<16xi32>
      %lt3A_367 = arith.cmpi slt, %get3A_358, %lt3A_366 : vector<16xi32>
      %and3A_368 = arith.andi %ge3A_363, %lt3A_367 : vector<16xi1>
      %sub3A_369 = vector.broadcast %mul3A_0 : i32 to vector<16xi32>
      %sub3A_370 = arith.subi %get3A_358, %sub3A_369 : vector<16xi32>
      %jit3A_371 = arith.constant 0 : i32
      %broadcast_in_dim3A_372 = vector.broadcast %jit3A_371 : i32 to vector<16xi32>
      %select_n3A_373 = arith.select %and3A_368, %sub3A_370, %broadcast_in_dim3A_372 : vector<16xi1>, vector<16xi32>
      %swap3A_374 = arith.constant 0 : index
      %swap3A_375 = tpu.vector_load %arg8[%swap3A_374] {strides = array<i32>} : memref<32xi32, #tpu.memory_space<vmem>>, vector<16xi32>,
      %swap3A_376 = vector.shape_cast %swap3A_375 : vector<16xi32> to vector<16xi32>
      %swap3A_377 = vector.shape_cast %select_n3A_373 : vector<16xi32> to vector<16xi32>
      tpu.vector_store %arg8[%swap3A_374], %swap3A_377 {strides = array<i32>} : memref<32xi32, #tpu.memory_space<vmem>>, vector<16xi32>,
      %jit3A_378 = arith.constant 10000 : i32
      %broadcast_in_dim3A_379 = vector.broadcast %jit3A_378 : i32 to vector<16xi32>
      %select_n3A_380 = arith.select %and3A_368, %get3A_361, %broadcast_in_dim3A_379 : vector<16xi1>, vector<16xi32>
      %swap3A_381 = arith.constant 0 : index
      %swap3A_382 = tpu.vector_load %arg10[%swap3A_381] {strides = array<i32>} : memref<32xi32, #tpu.memory_space<vmem>>, vector<16xi32>,
      %swap3A_383 = vector.shape_cast %swap3A_382 : vector<16xi32> to vector<16xi32>
      %swap3A_384 = vector.shape_cast %select_n3A_380 : vector<16xi32> to vector<16xi32>
      tpu.vector_store %arg10[%swap3A_381], %swap3A_384 {strides = array<i32>} : memref<32xi32, #tpu.memory_space<vmem>>, vector<16xi32>,
      %get3A_385 = arith.constant 176 : index
      %get3A_386 = tpu.vector_load %arg6[%get3A_385] {strides = array<i32>} : memref<512xi32, #tpu.memory_space<vmem>>, vector<16xi32>,
      %get3A_387 = vector.shape_cast %get3A_386 : vector<16xi32> to vector<16xi32>
      %get3A_388 = arith.constant 432 : index
      %get3A_389 = tpu.vector_load %arg6[%get3A_388] {strides = array<i32>} : memref<512xi32, #tpu.memory_space<vmem>>, vector<16xi32>,
      %get3A_390 = vector.shape_cast %get3A_389 : vector<16xi32> to vector<16xi32>
      %ge3A_391 = vector.broadcast %mul3A_0 : i32 to vector<16xi32>
      %ge3A_392 = arith.cmpi sge, %get3A_387, %ge3A_391 : vector<16xi32>
      %add3A_393 = arith.constant 5120 : i32
      %add3A_394 = arith.addi %mul3A_0, %add3A_393 : i32
      %lt3A_395 = vector.broadcast %add3A_394 : i32 to vector<16xi32>
      %lt3A_396 = arith.cmpi slt, %get3A_387, %lt3A_395 : vector<16xi32>
      %and3A_397 = arith.andi %ge3A_392, %lt3A_396 : vector<16xi1>
      %sub3A_398 = vector.broadcast %mul3A_0 : i32 to vector<16xi32>
      %sub3A_399 = arith.subi %get3A_387, %sub3A_398 : vector<16xi32>
      %jit3A_400 = arith.constant 0 : i32
      %broadcast_in_dim3A_401 = vector.broadcast %jit3A_400 : i32 to vector<16xi32>
      %select_n3A_402 = arith.select %and3A_397, %sub3A_399, %broadcast_in_dim3A_401 : vector<16xi1>, vector<16xi32>
      %swap3A_403 = arith.constant 16 : index
      %swap3A_404 = tpu.vector_load %arg8[%swap3A_403] {strides = array<i32>} : memref<32xi32, #tpu.memory_space<vmem>>, vector<16xi32>,
      %swap3A_405 = vector.shape_cast %swap3A_404 : vector<16xi32> to vector<16xi32>
      %swap3A_406 = vector.shape_cast %select_n3A_402 : vector<16xi32> to vector<16xi32>
      tpu.vector_store %arg8[%swap3A_403], %swap3A_406 {strides = array<i32>} : memref<32xi32, #tpu.memory_space<vmem>>, vector<16xi32>,
      %jit3A_407 = arith.constant 10000 : i32
      %broadcast_in_dim3A_408 = vector.broadcast %jit3A_407 : i32 to vector<16xi32>
      %select_n3A_409 = arith.select %and3A_397, %get3A_390, %broadcast_in_dim3A_408 : vector<16xi1>, vector<16xi32>
      %swap3A_410 = arith.constant 16 : index
      %swap3A_411 = tpu.vector_load %arg10[%swap3A_410] {strides = array<i32>} : memref<32xi32, #tpu.memory_space<vmem>>, vector<16xi32>,
      %swap3A_412 = vector.shape_cast %swap3A_411 : vector<16xi32> to vector<16xi32>
      %swap3A_413 = vector.shape_cast %select_n3A_409 : vector<16xi32> to vector<16xi32>
      tpu.vector_store %arg10[%swap3A_410], %swap3A_413 {strides = array<i32>} : memref<32xi32, #tpu.memory_space<vmem>>, vector<16xi32>,
      %dma_start3A_414 = arith.constant 0 : i32
      %dma_start3A_415 = arith.constant 0 : i32
      %dma_start3A_416 = tpu.memref_slice %arg13[%dma_start3A_414, %dma_start3A_415] : memref<5120x128xf32, #tpu.memory_space<vmem_shared>> -> memref<5120x128xf32, #tpu.memory_space<vmem_shared>>
      tpu.enqueue_indirect_dma source(%dma_start3A_416 : memref<5120x128xf32, #tpu.memory_space<vmem_shared>>) target(%arg12 : memref<32x128xf32, #tpu.memory_space<vmem>>) offsets(%arg8 : memref<32xi32, #tpu.memory_space<vmem>>) semaphore(%arg15 : memref<!tpu.dma_semaphore, #tpu.memory_space<semaphore_mem>>)
      %dma_wait3A_417 = arith.constant 0 : i32
      %dma_wait3A_418 = arith.constant 0 : i32
      %dma_wait3A_419 = tpu.memref_slice %arg13[%dma_wait3A_417, %dma_wait3A_418] : memref<5120x128xf32, #tpu.memory_space<vmem_shared>> -> memref<5120x128xf32, #tpu.memory_space<vmem_shared>>
      tpu.wait_indirect_dma semaphore(%arg15 : memref<!tpu.dma_semaphore, #tpu.memory_space<semaphore_mem>>) src(%dma_wait3A_419 : memref<5120x128xf32, #tpu.memory_space<vmem_shared>>) dst(%arg12 : memref<32x128xf32, #tpu.memory_space<vmem>>)
      %dma_start3A_420 = arith.constant 0 : i32
      %dma_start3A_421 = arith.constant 0 : i32
      %dma_start3A_422 = tpu.memref_slice %arg14[%dma_start3A_420, %dma_start3A_421] : memref<10112x128xf32, #tpu.memory_space<vmem_shared>> -> memref<10112x128xf32, #tpu.memory_space<vmem_shared>>
      tpu.enqueue_indirect_dma source(%arg12 : memref<32x128xf32, #tpu.memory_space<vmem>>) target(%dma_start3A_422 : memref<10112x128xf32, #tpu.memory_space<vmem_shared>>) offsets(%arg10 : memref<32xi32, #tpu.memory_space<vmem>>) semaphore(%arg16 : memref<!tpu.dma_semaphore, #tpu.memory_space<semaphore_mem>>) {add = true}
      %dma_wait3A_423 = arith.constant 0 : i32
      %dma_wait3A_424 = arith.constant 0 : i32
      %dma_wait3A_425 = tpu.memref_slice %arg14[%dma_wait3A_423, %dma_wait3A_424] : memref<10112x128xf32, #tpu.memory_space<vmem_shared>> -> memref<10112x128xf32, #tpu.memory_space<vmem_shared>>
      tpu.wait_indirect_dma semaphore(%arg16 : memref<!tpu.dma_semaphore, #tpu.memory_space<semaphore_mem>>) src(%arg11 : memref<32x128xf32, #tpu.memory_space<vmem>>) dst(%dma_wait3A_425 : memref<10112x128xf32, #tpu.memory_space<vmem_shared>>)
      %get3A_426 = arith.constant 192 : index
      %get3A_427 = tpu.vector_load %arg6[%get3A_426] {strides = array<i32>} : memref<512xi32, #tpu.memory_space<vmem>>, vector<16xi32>,
      %get3A_428 = vector.shape_cast %get3A_427 : vector<16xi32> to vector<16xi32>
      %get3A_429 = arith.constant 448 : index
      %get3A_430 = tpu.vector_load %arg6[%get3A_429] {strides = array<i32>} : memref<512xi32, #tpu.memory_space<vmem>>, vector<16xi32>,
      %get3A_431 = vector.shape_cast %get3A_430 : vector<16xi32> to vector<16xi32>
      %ge3A_432 = vector.broadcast %mul3A_0 : i32 to vector<16xi32>
      %ge3A_433 = arith.cmpi sge, %get3A_428, %ge3A_432 : vector<16xi32>
      %add3A_434 = arith.constant 5120 : i32
      %add3A_435 = arith.addi %mul3A_0, %add3A_434 : i32
      %lt3A_436 = vector.broadcast %add3A_435 : i32 to vector<16xi32>
      %lt3A_437 = arith.cmpi slt, %get3A_428, %lt3A_436 : vector<16xi32>
      %and3A_438 = arith.andi %ge3A_433, %lt3A_437 : vector<16xi1>
      %sub3A_439 = vector.broadcast %mul3A_0 : i32 to vector<16xi32>
      %sub3A_440 = arith.subi %get3A_428, %sub3A_439 : vector<16xi32>
      %jit3A_441 = arith.constant 0 : i32
      %broadcast_in_dim3A_442 = vector.broadcast %jit3A_441 : i32 to vector<16xi32>
      %select_n3A_443 = arith.select %and3A_438, %sub3A_440, %broadcast_in_dim3A_442 : vector<16xi1>, vector<16xi32>
      %swap3A_444 = arith.constant 0 : index
      %swap3A_445 = tpu.vector_load %arg7[%swap3A_444] {strides = array<i32>} : memref<32xi32, #tpu.memory_space<vmem>>, vector<16xi32>,
      %swap3A_446 = vector.shape_cast %swap3A_445 : vector<16xi32> to vector<16xi32>
      %swap3A_447 = vector.shape_cast %select_n3A_443 : vector<16xi32> to vector<16xi32>
      tpu.vector_store %arg7[%swap3A_444], %swap3A_447 {strides = array<i32>} : memref<32xi32, #tpu.memory_space<vmem>>, vector<16xi32>,
      %jit3A_448 = arith.constant 10000 : i32
      %broadcast_in_dim3A_449 = vector.broadcast %jit3A_448 : i32 to vector<16xi32>
      %select_n3A_450 = arith.select %and3A_438, %get3A_431, %broadcast_in_dim3A_449 : vector<16xi1>, vector<16xi32>
      %swap3A_451 = arith.constant 0 : index
      %swap3A_452 = tpu.vector_load %arg9[%swap3A_451] {strides = array<i32>} : memref<32xi32, #tpu.memory_space<vmem>>, vector<16xi32>,
      %swap3A_453 = vector.shape_cast %swap3A_452 : vector<16xi32> to vector<16xi32>
      %swap3A_454 = vector.shape_cast %select_n3A_450 : vector<16xi32> to vector<16xi32>
      tpu.vector_store %arg9[%swap3A_451], %swap3A_454 {strides = array<i32>} : memref<32xi32, #tpu.memory_space<vmem>>, vector<16xi32>,
      %get3A_455 = arith.constant 208 : index
      %get3A_456 = tpu.vector_load %arg6[%get3A_455] {strides = array<i32>} : memref<512xi32, #tpu.memory_space<vmem>>, vector<16xi32>,
      %get3A_457 = vector.shape_cast %get3A_456 : vector<16xi32> to vector<16xi32>
      %get3A_458 = arith.constant 464 : index
      %get3A_459 = tpu.vector_load %arg6[%get3A_458] {strides = array<i32>} : memref<512xi32, #tpu.memory_space<vmem>>, vector<16xi32>,
      %get3A_460 = vector.shape_cast %get3A_459 : vector<16xi32> to vector<16xi32>
      %ge3A_461 = vector.broadcast %mul3A_0 : i32 to vector<16xi32>
      %ge3A_462 = arith.cmpi sge, %get3A_457, %ge3A_461 : vector<16xi32>
      %add3A_463 = arith.constant 5120 : i32
      %add3A_464 = arith.addi %mul3A_0, %add3A_463 : i32
      %lt3A_465 = vector.broadcast %add3A_464 : i32 to vector<16xi32>
      %lt3A_466 = arith.cmpi slt, %get3A_457, %lt3A_465 : vector<16xi32>
      %and3A_467 = arith.andi %ge3A_462, %lt3A_466 : vector<16xi1>
      %sub3A_468 = vector.broadcast %mul3A_0 : i32 to vector<16xi32>
      %sub3A_469 = arith.subi %get3A_457, %sub3A_468 : vector<16xi32>
      %jit3A_470 = arith.constant 0 : i32
      %broadcast_in_dim3A_471 = vector.broadcast %jit3A_470 : i32 to vector<16xi32>
      %select_n3A_472 = arith.select %and3A_467, %sub3A_469, %broadcast_in_dim3A_471 : vector<16xi1>, vector<16xi32>
      %swap3A_473 = arith.constant 16 : index
      %swap3A_474 = tpu.vector_load %arg7[%swap3A_473] {strides = array<i32>} : memref<32xi32, #tpu.memory_space<vmem>>, vector<16xi32>,
      %swap3A_475 = vector.shape_cast %swap3A_474 : vector<16xi32> to vector<16xi32>
      %swap3A_476 = vector.shape_cast %select_n3A_472 : vector<16xi32> to vector<16xi32>
      tpu.vector_store %arg7[%swap3A_473], %swap3A_476 {strides = array<i32>} : memref<32xi32, #tpu.memory_space<vmem>>, vector<16xi32>,
      %jit3A_477 = arith.constant 10000 : i32
      %broadcast_in_dim3A_478 = vector.broadcast %jit3A_477 : i32 to vector<16xi32>
      %select_n3A_479 = arith.select %and3A_467, %get3A_460, %broadcast_in_dim3A_478 : vector<16xi1>, vector<16xi32>
      %swap3A_480 = arith.constant 16 : index
      %swap3A_481 = tpu.vector_load %arg9[%swap3A_480] {strides = array<i32>} : memref<32xi32, #tpu.memory_space<vmem>>, vector<16xi32>,
      %swap3A_482 = vector.shape_cast %swap3A_481 : vector<16xi32> to vector<16xi32>
      %swap3A_483 = vector.shape_cast %select_n3A_479 : vector<16xi32> to vector<16xi32>
      tpu.vector_store %arg9[%swap3A_480], %swap3A_483 {strides = array<i32>} : memref<32xi32, #tpu.memory_space<vmem>>, vector<16xi32>,
      %dma_start3A_484 = arith.constant 0 : i32
      %dma_start3A_485 = arith.constant 0 : i32
      %dma_start3A_486 = tpu.memref_slice %arg13[%dma_start3A_484, %dma_start3A_485] : memref<5120x128xf32, #tpu.memory_space<vmem_shared>> -> memref<5120x128xf32, #tpu.memory_space<vmem_shared>>
      tpu.enqueue_indirect_dma source(%dma_start3A_486 : memref<5120x128xf32, #tpu.memory_space<vmem_shared>>) target(%arg11 : memref<32x128xf32, #tpu.memory_space<vmem>>) offsets(%arg7 : memref<32xi32, #tpu.memory_space<vmem>>) semaphore(%arg15 : memref<!tpu.dma_semaphore, #tpu.memory_space<semaphore_mem>>)
      %dma_wait3A_487 = arith.constant 0 : i32
      %dma_wait3A_488 = arith.constant 0 : i32
      %dma_wait3A_489 = tpu.memref_slice %arg13[%dma_wait3A_487, %dma_wait3A_488] : memref<5120x128xf32, #tpu.memory_space<vmem_shared>> -> memref<5120x128xf32, #tpu.memory_space<vmem_shared>>
      tpu.wait_indirect_dma semaphore(%arg15 : memref<!tpu.dma_semaphore, #tpu.memory_space<semaphore_mem>>) src(%dma_wait3A_489 : memref<5120x128xf32, #tpu.memory_space<vmem_shared>>) dst(%arg11 : memref<32x128xf32, #tpu.memory_space<vmem>>)
      %dma_start3A_490 = arith.constant 0 : i32
      %dma_start3A_491 = arith.constant 0 : i32
      %dma_start3A_492 = tpu.memref_slice %arg14[%dma_start3A_490, %dma_start3A_491] : memref<10112x128xf32, #tpu.memory_space<vmem_shared>> -> memref<10112x128xf32, #tpu.memory_space<vmem_shared>>
      tpu.enqueue_indirect_dma source(%arg11 : memref<32x128xf32, #tpu.memory_space<vmem>>) target(%dma_start3A_492 : memref<10112x128xf32, #tpu.memory_space<vmem_shared>>) offsets(%arg9 : memref<32xi32, #tpu.memory_space<vmem>>) semaphore(%arg16 : memref<!tpu.dma_semaphore, #tpu.memory_space<semaphore_mem>>) {add = true}
      %dma_wait3A_493 = arith.constant 0 : i32
      %dma_wait3A_494 = arith.constant 0 : i32
      %dma_wait3A_495 = tpu.memref_slice %arg14[%dma_wait3A_493, %dma_wait3A_494] : memref<10112x128xf32, #tpu.memory_space<vmem_shared>> -> memref<10112x128xf32, #tpu.memory_space<vmem_shared>>
      tpu.wait_indirect_dma semaphore(%arg16 : memref<!tpu.dma_semaphore, #tpu.memory_space<semaphore_mem>>) src(%arg12 : memref<32x128xf32, #tpu.memory_space<vmem>>) dst(%dma_wait3A_495 : memref<10112x128xf32, #tpu.memory_space<vmem_shared>>)
      %get3A_496 = arith.constant 224 : index
      %get3A_497 = tpu.vector_load %arg6[%get3A_496] {strides = array<i32>} : memref<512xi32, #tpu.memory_space<vmem>>, vector<16xi32>,
      %get3A_498 = vector.shape_cast %get3A_497 : vector<16xi32> to vector<16xi32>
      %get3A_499 = arith.constant 480 : index
      %get3A_500 = tpu.vector_load %arg6[%get3A_499] {strides = array<i32>} : memref<512xi32, #tpu.memory_space<vmem>>, vector<16xi32>,
      %get3A_501 = vector.shape_cast %get3A_500 : vector<16xi32> to vector<16xi32>
      %ge3A_502 = vector.broadcast %mul3A_0 : i32 to vector<16xi32>
      %ge3A_503 = arith.cmpi sge, %get3A_498, %ge3A_502 : vector<16xi32>
      %add3A_504 = arith.constant 5120 : i32
      %add3A_505 = arith.addi %mul3A_0, %add3A_504 : i32
      %lt3A_506 = vector.broadcast %add3A_505 : i32 to vector<16xi32>
      %lt3A_507 = arith.cmpi slt, %get3A_498, %lt3A_506 : vector<16xi32>
      %and3A_508 = arith.andi %ge3A_503, %lt3A_507 : vector<16xi1>
      %sub3A_509 = vector.broadcast %mul3A_0 : i32 to vector<16xi32>
      %sub3A_510 = arith.subi %get3A_498, %sub3A_509 : vector<16xi32>
      %jit3A_511 = arith.constant 0 : i32
      %broadcast_in_dim3A_512 = vector.broadcast %jit3A_511 : i32 to vector<16xi32>
      %select_n3A_513 = arith.select %and3A_508, %sub3A_510, %broadcast_in_dim3A_512 : vector<16xi1>, vector<16xi32>
      %swap3A_514 = arith.constant 0 : index
      %swap3A_515 = tpu.vector_load %arg8[%swap3A_514] {strides = array<i32>} : memref<32xi32, #tpu.memory_space<vmem>>, vector<16xi32>,
      %swap3A_516 = vector.shape_cast %swap3A_515 : vector<16xi32> to vector<16xi32>
      %swap3A_517 = vector.shape_cast %select_n3A_513 : vector<16xi32> to vector<16xi32>
      tpu.vector_store %arg8[%swap3A_514], %swap3A_517 {strides = array<i32>} : memref<32xi32, #tpu.memory_space<vmem>>, vector<16xi32>,
      %jit3A_518 = arith.constant 10000 : i32
      %broadcast_in_dim3A_519 = vector.broadcast %jit3A_518 : i32 to vector<16xi32>
      %select_n3A_520 = arith.select %and3A_508, %get3A_501, %broadcast_in_dim3A_519 : vector<16xi1>, vector<16xi32>
      %swap3A_521 = arith.constant 0 : index
      %swap3A_522 = tpu.vector_load %arg10[%swap3A_521] {strides = array<i32>} : memref<32xi32, #tpu.memory_space<vmem>>, vector<16xi32>,
      %swap3A_523 = vector.shape_cast %swap3A_522 : vector<16xi32> to vector<16xi32>
      %swap3A_524 = vector.shape_cast %select_n3A_520 : vector<16xi32> to vector<16xi32>
      tpu.vector_store %arg10[%swap3A_521], %swap3A_524 {strides = array<i32>} : memref<32xi32, #tpu.memory_space<vmem>>, vector<16xi32>,
      %get3A_525 = arith.constant 240 : index
      %get3A_526 = tpu.vector_load %arg6[%get3A_525] {strides = array<i32>} : memref<512xi32, #tpu.memory_space<vmem>>, vector<16xi32>,
      %get3A_527 = vector.shape_cast %get3A_526 : vector<16xi32> to vector<16xi32>
      %get3A_528 = arith.constant 496 : index
      %get3A_529 = tpu.vector_load %arg6[%get3A_528] {strides = array<i32>} : memref<512xi32, #tpu.memory_space<vmem>>, vector<16xi32>,
      %get3A_530 = vector.shape_cast %get3A_529 : vector<16xi32> to vector<16xi32>
      %ge3A_531 = vector.broadcast %mul3A_0 : i32 to vector<16xi32>
      %ge3A_532 = arith.cmpi sge, %get3A_527, %ge3A_531 : vector<16xi32>
      %add3A_533 = arith.constant 5120 : i32
      %add3A_534 = arith.addi %mul3A_0, %add3A_533 : i32
      %lt3A_535 = vector.broadcast %add3A_534 : i32 to vector<16xi32>
      %lt3A_536 = arith.cmpi slt, %get3A_527, %lt3A_535 : vector<16xi32>
      %and3A_537 = arith.andi %ge3A_532, %lt3A_536 : vector<16xi1>
      %sub3A_538 = vector.broadcast %mul3A_0 : i32 to vector<16xi32>
      %sub3A_539 = arith.subi %get3A_527, %sub3A_538 : vector<16xi32>
      %jit3A_540 = arith.constant 0 : i32
      %broadcast_in_dim3A_541 = vector.broadcast %jit3A_540 : i32 to vector<16xi32>
      %select_n3A_542 = arith.select %and3A_537, %sub3A_539, %broadcast_in_dim3A_541 : vector<16xi1>, vector<16xi32>
      %swap3A_543 = arith.constant 16 : index
      %swap3A_544 = tpu.vector_load %arg8[%swap3A_543] {strides = array<i32>} : memref<32xi32, #tpu.memory_space<vmem>>, vector<16xi32>,
      %swap3A_545 = vector.shape_cast %swap3A_544 : vector<16xi32> to vector<16xi32>
      %swap3A_546 = vector.shape_cast %select_n3A_542 : vector<16xi32> to vector<16xi32>
      tpu.vector_store %arg8[%swap3A_543], %swap3A_546 {strides = array<i32>} : memref<32xi32, #tpu.memory_space<vmem>>, vector<16xi32>,
      %jit3A_547 = arith.constant 10000 : i32
      %broadcast_in_dim3A_548 = vector.broadcast %jit3A_547 : i32 to vector<16xi32>
      %select_n3A_549 = arith.select %and3A_537, %get3A_530, %broadcast_in_dim3A_548 : vector<16xi1>, vector<16xi32>
      %swap3A_550 = arith.constant 16 : index
      %swap3A_551 = tpu.vector_load %arg10[%swap3A_550] {strides = array<i32>} : memref<32xi32, #tpu.memory_space<vmem>>, vector<16xi32>,
      %swap3A_552 = vector.shape_cast %swap3A_551 : vector<16xi32> to vector<16xi32>
      %swap3A_553 = vector.shape_cast %select_n3A_549 : vector<16xi32> to vector<16xi32>
      tpu.vector_store %arg10[%swap3A_550], %swap3A_553 {strides = array<i32>} : memref<32xi32, #tpu.memory_space<vmem>>, vector<16xi32>,
      %dma_start3A_554 = arith.constant 0 : i32
      %dma_start3A_555 = arith.constant 0 : i32
      %dma_start3A_556 = tpu.memref_slice %arg13[%dma_start3A_554, %dma_start3A_555] : memref<5120x128xf32, #tpu.memory_space<vmem_shared>> -> memref<5120x128xf32, #tpu.memory_space<vmem_shared>>
      tpu.enqueue_indirect_dma source(%dma_start3A_556 : memref<5120x128xf32, #tpu.memory_space<vmem_shared>>) target(%arg12 : memref<32x128xf32, #tpu.memory_space<vmem>>) offsets(%arg8 : memref<32xi32, #tpu.memory_space<vmem>>) semaphore(%arg15 : memref<!tpu.dma_semaphore, #tpu.memory_space<semaphore_mem>>)
      %dma_wait3A_557 = arith.constant 0 : i32
      %dma_wait3A_558 = arith.constant 0 : i32
      %dma_wait3A_559 = tpu.memref_slice %arg13[%dma_wait3A_557, %dma_wait3A_558] : memref<5120x128xf32, #tpu.memory_space<vmem_shared>> -> memref<5120x128xf32, #tpu.memory_space<vmem_shared>>
      tpu.wait_indirect_dma semaphore(%arg15 : memref<!tpu.dma_semaphore, #tpu.memory_space<semaphore_mem>>) src(%dma_wait3A_559 : memref<5120x128xf32, #tpu.memory_space<vmem_shared>>) dst(%arg12 : memref<32x128xf32, #tpu.memory_space<vmem>>)
      %dma_start3A_560 = arith.constant 0 : i32
      %dma_start3A_561 = arith.constant 0 : i32
      %dma_start3A_562 = tpu.memref_slice %arg14[%dma_start3A_560, %dma_start3A_561] : memref<10112x128xf32, #tpu.memory_space<vmem_shared>> -> memref<10112x128xf32, #tpu.memory_space<vmem_shared>>
      tpu.enqueue_indirect_dma source(%arg12 : memref<32x128xf32, #tpu.memory_space<vmem>>) target(%dma_start3A_562 : memref<10112x128xf32, #tpu.memory_space<vmem_shared>>) offsets(%arg10 : memref<32xi32, #tpu.memory_space<vmem>>) semaphore(%arg16 : memref<!tpu.dma_semaphore, #tpu.memory_space<semaphore_mem>>) {add = true}
      %dma_wait3A_563 = arith.constant 0 : i32
      %dma_wait3A_564 = arith.constant 0 : i32
      %dma_wait3A_565 = tpu.memref_slice %arg14[%dma_wait3A_563, %dma_wait3A_564] : memref<10112x128xf32, #tpu.memory_space<vmem_shared>> -> memref<10112x128xf32, #tpu.memory_space<vmem_shared>>
      tpu.wait_indirect_dma semaphore(%arg16 : memref<!tpu.dma_semaphore, #tpu.memory_space<semaphore_mem>>) src(%arg11 : memref<32x128xf32, #tpu.memory_space<vmem>>) dst(%dma_wait3A_565 : memref<10112x128xf32, #tpu.memory_space<vmem_shared>>)
      %dma_wait3A_566 = arith.constant 0 : i32
      %dma_wait3A_567 = arith.constant 0 : i32
      %dma_wait3A_568 = tpu.memref_slice %arg14[%dma_wait3A_566, %dma_wait3A_567] : memref<10112x128xf32, #tpu.memory_space<vmem_shared>> -> memref<10112x128xf32, #tpu.memory_space<vmem_shared>>
      tpu.wait_indirect_dma semaphore(%arg16 : memref<!tpu.dma_semaphore, #tpu.memory_space<semaphore_mem>>) src(%arg12 : memref<32x128xf32, #tpu.memory_space<vmem>>) dst(%dma_wait3A_568 : memref<10112x128xf32, #tpu.memory_space<vmem_shared>>)
    }
    %scan3A_13 = arith.constant 80 : i32
    %barrier3A_14 = arith.constant 0 : index
    tpu.barrier barrier_id(%barrier3A_14)
    %mul3A_15 = arith.constant 632 : i32
    %mul3A_16 = arith.muli %arg1, %mul3A_15 : i32
    %mul3A_17 = arith.constant 632 : i32
    %mul3A_18 = arith.muli %arg1, %mul3A_17 : i32
    "tpu.region"() ({
      %run_scoped3A = tpu.sem_alloc : memref<!tpu.dma_semaphore, #tpu.memory_space<semaphore_mem>>
      %dma_start3A = arith.constant 0 : i32
      %dma_start3A_19 = tpu.memref_slice %arg5[%arg0, %mul3A_18, %dma_start3A] : memref<2x10112x128xf32, #tpu.memory_space<hbm>> -> memref<1x632x128xf32, #tpu.memory_space<hbm>>
      %dma_start3A_20 = tpu.memref_squeeze %dma_start3A_19 : memref<1x632x128xf32, #tpu.memory_space<hbm>> -> memref<632x128xf32, #tpu.memory_space<hbm>>
      %dma_start3A_21 = arith.constant 0 : i32
      %dma_start3A_22 = tpu.memref_slice %arg14[%mul3A_16, %dma_start3A_21] : memref<10112x128xf32, #tpu.memory_space<vmem_shared>> -> memref<632x128xf32, #tpu.memory_space<vmem_shared>>
      tpu.enqueue_dma source(%dma_start3A_22 : memref<632x128xf32, #tpu.memory_space<vmem_shared>>) target(%dma_start3A_20 : memref<632x128xf32, #tpu.memory_space<hbm>>) target_semaphore(%run_scoped3A : memref<!tpu.dma_semaphore, #tpu.memory_space<semaphore_mem>>)
      %dma_wait3A = arith.constant 0 : i32
      %dma_wait3A_23 = tpu.memref_slice %arg5[%arg0, %mul3A_18, %dma_wait3A] : memref<2x10112x128xf32, #tpu.memory_space<hbm>> -> memref<1x632x128xf32, #tpu.memory_space<hbm>>
      %dma_wait3A_24 = tpu.memref_squeeze %dma_wait3A_23 : memref<1x632x128xf32, #tpu.memory_space<hbm>> -> memref<632x128xf32, #tpu.memory_space<hbm>>
      %dma_wait3A_25 = arith.constant 0 : i32
      %dma_wait3A_26 = tpu.memref_slice %arg14[%mul3A_16, %dma_wait3A_25] : memref<10112x128xf32, #tpu.memory_space<vmem_shared>> -> memref<632x128xf32, #tpu.memory_space<vmem_shared>>
      tpu.wait_dma2 semaphore(%run_scoped3A : memref<!tpu.dma_semaphore, #tpu.memory_space<semaphore_mem>>) src(%dma_wait3A_26 : memref<632x128xf32, #tpu.memory_space<vmem_shared>>) dst(%dma_wait3A_24 : memref<632x128xf32, #tpu.memory_space<hbm>>)
      tpu.yield
    }) : () -> ()
    return
  }
}

#map = affine_map<(d0, d1) -> (0, 0, 0)>
#map1 = affine_map<(d0, d1) -> (0)>
module attributes {stable_mosaic.version = 14 : i64} {
  func.func @_deg_body(%arg0: i32, %arg1: i32, %arg2: memref<32x80x128xi32, #tpu.memory_space<hbm>>, %arg3: memref<10240xf32, #tpu.memory_space<hbm>>, %arg4: memref<20480xf32, #tpu.memory_space<hbm>>, %arg5: memref<80x128xi32, #tpu.memory_space<vmem>>, %arg6: memref<128xf32, #tpu.memory_space<vmem>>, %arg7: memref<10240xf32, #tpu.memory_space<vmem_shared>>, %arg8: memref<!tpu.dma_semaphore, #tpu.memory_space<semaphore_mem>>) attributes {dimension_semantics = [#tpu.dimension_semantics<core_parallel>, #tpu.dimension_semantics<subcore_parallel>], iteration_bounds = array<i64: 2, 16>, scalar_prefetch = 0 : i64, scratch_operands = 4 : i64, tpu.core_type = #tpu.core_type<sc_vector_subcore>, window_params = [{transform_indices = #map}, {transform_indices = #map1}, {transform_indices = #map1}]} {
    %mul3A = arith.constant 16 : i32
    %mul3A_0 = arith.muli %arg0, %mul3A : i32
    %add3A = arith.addi %mul3A_0, %arg1 : i32
    %broadcast_in_dim3A = arith.constant 1.000000e+00 : f32
    %broadcast_in_dim3A_1 = vector.broadcast %broadcast_in_dim3A : f32 to vector<16xf32>
    %swap3A = arith.constant 0 : index
    %swap3A_2 = tpu.vector_load %arg6[%swap3A] {strides = array<i32>} : memref<128xf32, #tpu.memory_space<vmem>>, vector<16xf32>,
    %swap3A_3 = vector.shape_cast %swap3A_2 : vector<16xf32> to vector<16xf32>
    %swap3A_4 = vector.shape_cast %broadcast_in_dim3A_1 : vector<16xf32> to vector<16xf32>
    tpu.vector_store %arg6[%swap3A], %swap3A_4 {strides = array<i32>} : memref<128xf32, #tpu.memory_space<vmem>>, vector<16xf32>,
    %broadcast_in_dim3A_5 = arith.constant 1.000000e+00 : f32
    %broadcast_in_dim3A_6 = vector.broadcast %broadcast_in_dim3A_5 : f32 to vector<16xf32>
    %swap3A_7 = arith.constant 16 : index
    %swap3A_8 = tpu.vector_load %arg6[%swap3A_7] {strides = array<i32>} : memref<128xf32, #tpu.memory_space<vmem>>, vector<16xf32>,
    %swap3A_9 = vector.shape_cast %swap3A_8 : vector<16xf32> to vector<16xf32>
    %swap3A_10 = vector.shape_cast %broadcast_in_dim3A_6 : vector<16xf32> to vector<16xf32>
    tpu.vector_store %arg6[%swap3A_7], %swap3A_10 {strides = array<i32>} : memref<128xf32, #tpu.memory_space<vmem>>, vector<16xf32>,
    %broadcast_in_dim3A_11 = arith.constant 1.000000e+00 : f32
    %broadcast_in_dim3A_12 = vector.broadcast %broadcast_in_dim3A_11 : f32 to vector<16xf32>
    %swap3A_13 = arith.constant 32 : index
    %swap3A_14 = tpu.vector_load %arg6[%swap3A_13] {strides = array<i32>} : memref<128xf32, #tpu.memory_space<vmem>>, vector<16xf32>,
    %swap3A_15 = vector.shape_cast %swap3A_14 : vector<16xf32> to vector<16xf32>
    %swap3A_16 = vector.shape_cast %broadcast_in_dim3A_12 : vector<16xf32> to vector<16xf32>
    tpu.vector_store %arg6[%swap3A_13], %swap3A_16 {strides = array<i32>} : memref<128xf32, #tpu.memory_space<vmem>>, vector<16xf32>,
    %broadcast_in_dim3A_17 = arith.constant 1.000000e+00 : f32
    %broadcast_in_dim3A_18 = vector.broadcast %broadcast_in_dim3A_17 : f32 to vector<16xf32>
    %swap3A_19 = arith.constant 48 : index
    %swap3A_20 = tpu.vector_load %arg6[%swap3A_19] {strides = array<i32>} : memref<128xf32, #tpu.memory_space<vmem>>, vector<16xf32>,
    %swap3A_21 = vector.shape_cast %swap3A_20 : vector<16xf32> to vector<16xf32>
    %swap3A_22 = vector.shape_cast %broadcast_in_dim3A_18 : vector<16xf32> to vector<16xf32>
    tpu.vector_store %arg6[%swap3A_19], %swap3A_22 {strides = array<i32>} : memref<128xf32, #tpu.memory_space<vmem>>, vector<16xf32>,
    %broadcast_in_dim3A_23 = arith.constant 1.000000e+00 : f32
    %broadcast_in_dim3A_24 = vector.broadcast %broadcast_in_dim3A_23 : f32 to vector<16xf32>
    %swap3A_25 = arith.constant 64 : index
    %swap3A_26 = tpu.vector_load %arg6[%swap3A_25] {strides = array<i32>} : memref<128xf32, #tpu.memory_space<vmem>>, vector<16xf32>,
    %swap3A_27 = vector.shape_cast %swap3A_26 : vector<16xf32> to vector<16xf32>
    %swap3A_28 = vector.shape_cast %broadcast_in_dim3A_24 : vector<16xf32> to vector<16xf32>
    tpu.vector_store %arg6[%swap3A_25], %swap3A_28 {strides = array<i32>} : memref<128xf32, #tpu.memory_space<vmem>>, vector<16xf32>,
    %broadcast_in_dim3A_29 = arith.constant 1.000000e+00 : f32
    %broadcast_in_dim3A_30 = vector.broadcast %broadcast_in_dim3A_29 : f32 to vector<16xf32>
    %swap3A_31 = arith.constant 80 : index
    %swap3A_32 = tpu.vector_load %arg6[%swap3A_31] {strides = array<i32>} : memref<128xf32, #tpu.memory_space<vmem>>, vector<16xf32>,
    %swap3A_33 = vector.shape_cast %swap3A_32 : vector<16xf32> to vector<16xf32>
    %swap3A_34 = vector.shape_cast %broadcast_in_dim3A_30 : vector<16xf32> to vector<16xf32>
    tpu.vector_store %arg6[%swap3A_31], %swap3A_34 {strides = array<i32>} : memref<128xf32, #tpu.memory_space<vmem>>, vector<16xf32>,
    %broadcast_in_dim3A_35 = arith.constant 1.000000e+00 : f32
    %broadcast_in_dim3A_36 = vector.broadcast %broadcast_in_dim3A_35 : f32 to vector<16xf32>
    %swap3A_37 = arith.constant 96 : index
    %swap3A_38 = tpu.vector_load %arg6[%swap3A_37] {strides = array<i32>} : memref<128xf32, #tpu.memory_space<vmem>>, vector<16xf32>,
    %swap3A_39 = vector.shape_cast %swap3A_38 : vector<16xf32> to vector<16xf32>
    %swap3A_40 = vector.shape_cast %broadcast_in_dim3A_36 : vector<16xf32> to vector<16xf32>
    tpu.vector_store %arg6[%swap3A_37], %swap3A_40 {strides = array<i32>} : memref<128xf32, #tpu.memory_space<vmem>>, vector<16xf32>,
    %broadcast_in_dim3A_41 = arith.constant 1.000000e+00 : f32
    %broadcast_in_dim3A_42 = vector.broadcast %broadcast_in_dim3A_41 : f32 to vector<16xf32>
    %swap3A_43 = arith.constant 112 : index
    %swap3A_44 = tpu.vector_load %arg6[%swap3A_43] {strides = array<i32>} : memref<128xf32, #tpu.memory_space<vmem>>, vector<16xf32>,
    %swap3A_45 = vector.shape_cast %swap3A_44 : vector<16xf32> to vector<16xf32>
    %swap3A_46 = vector.shape_cast %broadcast_in_dim3A_42 : vector<16xf32> to vector<16xf32>
    tpu.vector_store %arg6[%swap3A_43], %swap3A_46 {strides = array<i32>} : memref<128xf32, #tpu.memory_space<vmem>>, vector<16xf32>,
    %mul3A_47 = arith.constant 640 : i32
    %mul3A_48 = arith.muli %arg1, %mul3A_47 : i32
    %mul3A_49 = arith.constant 640 : i32
    %mul3A_50 = arith.muli %arg1, %mul3A_49 : i32
    "tpu.region"() ({
      %run_scoped3A = tpu.sem_alloc : memref<!tpu.dma_semaphore, #tpu.memory_space<semaphore_mem>>
      %dma_start3A = tpu.memref_slice %arg7[%mul3A_50] : memref<10240xf32, #tpu.memory_space<vmem_shared>> -> memref<640xf32, #tpu.memory_space<vmem_shared>>
      %dma_start3A_70 = tpu.memref_slice %arg3[%mul3A_48] : memref<10240xf32, #tpu.memory_space<hbm>> -> memref<640xf32, #tpu.memory_space<hbm>>
      tpu.enqueue_dma source(%dma_start3A_70 : memref<640xf32, #tpu.memory_space<hbm>>) target(%dma_start3A : memref<640xf32, #tpu.memory_space<vmem_shared>>) target_semaphore(%run_scoped3A : memref<!tpu.dma_semaphore, #tpu.memory_space<semaphore_mem>>)
      %dma_wait3A = tpu.memref_slice %arg7[%mul3A_50] : memref<10240xf32, #tpu.memory_space<vmem_shared>> -> memref<640xf32, #tpu.memory_space<vmem_shared>>
      %dma_wait3A_71 = tpu.memref_slice %arg3[%mul3A_48] : memref<10240xf32, #tpu.memory_space<hbm>> -> memref<640xf32, #tpu.memory_space<hbm>>
      tpu.wait_dma2 semaphore(%run_scoped3A : memref<!tpu.dma_semaphore, #tpu.memory_space<semaphore_mem>>) src(%dma_wait3A_71 : memref<640xf32, #tpu.memory_space<hbm>>) dst(%dma_wait3A : memref<640xf32, #tpu.memory_space<vmem_shared>>)
      tpu.yield
    }) : () -> ()
    "tpu.region"() ({
      %run_scoped3A = tpu.sem_alloc : memref<!tpu.dma_semaphore, #tpu.memory_space<semaphore_mem>>
      %dma_start3A = arith.constant 0 : i32
      %dma_start3A_70 = arith.constant 0 : i32
      %dma_start3A_71 = tpu.memref_slice %arg2[%add3A, %dma_start3A, %dma_start3A_70] : memref<32x80x128xi32, #tpu.memory_space<hbm>> -> memref<1x80x128xi32, #tpu.memory_space<hbm>>
      %dma_start3A_72 = tpu.memref_squeeze %dma_start3A_71 : memref<1x80x128xi32, #tpu.memory_space<hbm>> -> memref<80x128xi32, #tpu.memory_space<hbm>>
      %dma_start3A_73 = arith.constant 0 : i32
      %dma_start3A_74 = arith.constant 0 : i32
      %dma_start3A_75 = tpu.memref_slice %arg2[%add3A, %dma_start3A_73, %dma_start3A_74] : memref<32x80x128xi32, #tpu.memory_space<hbm>> -> memref<1x80x128xi32, #tpu.memory_space<hbm>>
      %dma_start3A_76 = tpu.memref_squeeze %dma_start3A_75 : memref<1x80x128xi32, #tpu.memory_space<hbm>> -> memref<80x128xi32, #tpu.memory_space<hbm>>
      tpu.enqueue_dma source(%dma_start3A_76 : memref<80x128xi32, #tpu.memory_space<hbm>>) target(%arg5 : memref<80x128xi32, #tpu.memory_space<vmem>>) target_semaphore(%run_scoped3A : memref<!tpu.dma_semaphore, #tpu.memory_space<semaphore_mem>>)
      %dma_wait3A = arith.constant 0 : i32
      %dma_wait3A_77 = arith.constant 0 : i32
      %dma_wait3A_78 = tpu.memref_slice %arg2[%add3A, %dma_wait3A, %dma_wait3A_77] : memref<32x80x128xi32, #tpu.memory_space<hbm>> -> memref<1x80x128xi32, #tpu.memory_space<hbm>>
      %dma_wait3A_79 = tpu.memref_squeeze %dma_wait3A_78 : memref<1x80x128xi32, #tpu.memory_space<hbm>> -> memref<80x128xi32, #tpu.memory_space<hbm>>
      %dma_wait3A_80 = arith.constant 0 : i32
      %dma_wait3A_81 = arith.constant 0 : i32
      %dma_wait3A_82 = tpu.memref_slice %arg2[%add3A, %dma_wait3A_80, %dma_wait3A_81] : memref<32x80x128xi32, #tpu.memory_space<hbm>> -> memref<1x80x128xi32, #tpu.memory_space<hbm>>
      %dma_wait3A_83 = tpu.memref_squeeze %dma_wait3A_82 : memref<1x80x128xi32, #tpu.memory_space<hbm>> -> memref<80x128xi32, #tpu.memory_space<hbm>>
      tpu.wait_dma2 semaphore(%run_scoped3A : memref<!tpu.dma_semaphore, #tpu.memory_space<semaphore_mem>>) src(%dma_wait3A_83 : memref<80x128xi32, #tpu.memory_space<hbm>>) dst(%arg5 : memref<80x128xi32, #tpu.memory_space<vmem>>)
      tpu.yield
    }) : () -> ()
    %barrier3A = arith.constant 0 : index
    tpu.barrier barrier_id(%barrier3A)
    %scan3A = arith.constant 0 : i32
    %scan3A_51 = arith.constant 0 : i32
    %scan3A_52 = arith.constant 80 : i32
    %scan3A_53 = arith.addi %scan3A_51, %scan3A_52 : i32
    %scan3A_54 = arith.constant 1 : i32
    scf.for %scan3A_70 = %scan3A_51 to %scan3A_53 step %scan3A_54  : i32 {
      %dma_start3A = arith.constant 0 : i32
      %dma_start3A_71 = tpu.memref_slice %arg5[%scan3A_70, %dma_start3A] : memref<80x128xi32, #tpu.memory_space<vmem>> -> memref<1x128xi32, #tpu.memory_space<vmem>>
      %dma_start3A_72 = tpu.memref_squeeze %dma_start3A_71 : memref<1x128xi32, #tpu.memory_space<vmem>> -> memref<128xi32, #tpu.memory_space<vmem>>
      %dma_start3A_73 = arith.constant 0 : i32
      %dma_start3A_74 = tpu.memref_slice %arg7[%dma_start3A_73] : memref<10240xf32, #tpu.memory_space<vmem_shared>> -> memref<10240xf32, #tpu.memory_space<vmem_shared>>
      tpu.enqueue_indirect_dma source(%arg6 : memref<128xf32, #tpu.memory_space<vmem>>) target(%dma_start3A_74 : memref<10240xf32, #tpu.memory_space<vmem_shared>>) offsets(%dma_start3A_72 : memref<128xi32, #tpu.memory_space<vmem>>) semaphore(%arg8 : memref<!tpu.dma_semaphore, #tpu.memory_space<semaphore_mem>>) {add = true}
    }
    %scan3A_55 = arith.constant 80 : i32
    %scan3A_56 = arith.constant 0 : i32
    %scan3A_57 = arith.constant 0 : i32
    %scan3A_58 = arith.constant 80 : i32
    %scan3A_59 = arith.addi %scan3A_57, %scan3A_58 : i32
    %scan3A_60 = arith.constant 1 : i32
    scf.for %scan3A_70 = %scan3A_57 to %scan3A_59 step %scan3A_60  : i32 {
      %dma_wait3A = arith.constant 0 : i32
      %dma_wait3A_71 = arith.constant 0 : i32
      %dma_wait3A_72 = tpu.memref_slice %arg5[%dma_wait3A, %dma_wait3A_71] : memref<80x128xi32, #tpu.memory_space<vmem>> -> memref<1x128xi32, #tpu.memory_space<vmem>>
      %dma_wait3A_73 = tpu.memref_squeeze %dma_wait3A_72 : memref<1x128xi32, #tpu.memory_space<vmem>> -> memref<128xi32, #tpu.memory_space<vmem>>
      %dma_wait3A_74 = arith.constant 0 : i32
      %dma_wait3A_75 = tpu.memref_slice %arg7[%dma_wait3A_74] : memref<10240xf32, #tpu.memory_space<vmem_shared>> -> memref<10240xf32, #tpu.memory_space<vmem_shared>>
      tpu.wait_indirect_dma semaphore(%arg8 : memref<!tpu.dma_semaphore, #tpu.memory_space<semaphore_mem>>) src(%arg6 : memref<128xf32, #tpu.memory_space<vmem>>) dst(%dma_wait3A_75 : memref<10240xf32, #tpu.memory_space<vmem_shared>>)
    }
    %scan3A_61 = arith.constant 80 : i32
    %barrier3A_62 = arith.constant 0 : index
    tpu.barrier barrier_id(%barrier3A_62)
    %mul3A_63 = arith.constant 640 : i32
    %mul3A_64 = arith.muli %arg1, %mul3A_63 : i32
    %mul3A_65 = arith.constant 10240 : i32
    %mul3A_66 = arith.muli %arg0, %mul3A_65 : i32
    %mul3A_67 = arith.constant 640 : i32
    %mul3A_68 = arith.muli %arg1, %mul3A_67 : i32
    %add3A_69 = arith.addi %mul3A_66, %mul3A_68 : i32
    "tpu.region"() ({
      %run_scoped3A = tpu.sem_alloc : memref<!tpu.dma_semaphore, #tpu.memory_space<semaphore_mem>>
      %dma_start3A = tpu.memref_slice %arg4[%add3A_69] : memref<20480xf32, #tpu.memory_space<hbm>> -> memref<640xf32, #tpu.memory_space<hbm>>
      %dma_start3A_70 = tpu.memref_slice %arg7[%mul3A_64] : memref<10240xf32, #tpu.memory_space<vmem_shared>> -> memref<640xf32, #tpu.memory_space<vmem_shared>>
      tpu.enqueue_dma source(%dma_start3A_70 : memref<640xf32, #tpu.memory_space<vmem_shared>>) target(%dma_start3A : memref<640xf32, #tpu.memory_space<hbm>>) target_semaphore(%run_scoped3A : memref<!tpu.dma_semaphore, #tpu.memory_space<semaphore_mem>>)
      %dma_wait3A = tpu.memref_slice %arg4[%add3A_69] : memref<20480xf32, #tpu.memory_space<hbm>> -> memref<640xf32, #tpu.memory_space<hbm>>
      %dma_wait3A_71 = tpu.memref_slice %arg7[%mul3A_64] : memref<10240xf32, #tpu.memory_space<vmem_shared>> -> memref<640xf32, #tpu.memory_space<vmem_shared>>
      tpu.wait_dma2 semaphore(%run_scoped3A : memref<!tpu.dma_semaphore, #tpu.memory_space<semaphore_mem>>) src(%dma_wait3A_71 : memref<640xf32, #tpu.memory_space<vmem_shared>>) dst(%dma_wait3A : memref<640xf32, #tpu.memory_space<hbm>>)
      tpu.yield
    }) : () -> ()
    return
  }
}

#map = affine_map<(d0, d1) -> (0, 0)>
#map1 = affine_map<(d0, d1) -> (0, 0, 0)>
module attributes {stable_mosaic.version = 14 : i64} {
  func.func @_agg_body(%arg0: i32, %arg1: i32, %arg2: memref<10240x128xf32, #tpu.memory_space<hbm>>, %arg3: memref<16x80x512xi32, #tpu.memory_space<hbm>>, %arg4: memref<10112x128xf32, #tpu.memory_space<hbm>>, %arg5: memref<2x10112x128xf32, #tpu.memory_space<hbm>>, %arg6: memref<512xi32, #tpu.memory_space<vmem>>, %arg7: memref<32xi32, #tpu.memory_space<vmem>>, %arg8: memref<32xi32, #tpu.memory_space<vmem>>, %arg9: memref<32xi32, #tpu.memory_space<vmem>>, %arg10: memref<32xi32, #tpu.memory_space<vmem>>, %arg11: memref<32x128xf32, #tpu.memory_space<vmem>>, %arg12: memref<32x128xf32, #tpu.memory_space<vmem>>, %arg13: memref<5120x128xf32, #tpu.memory_space<vmem_shared>>, %arg14: memref<10112x128xf32, #tpu.memory_space<vmem_shared>>, %arg15: memref<!tpu.dma_semaphore, #tpu.memory_space<semaphore_mem>>, %arg16: memref<!tpu.dma_semaphore, #tpu.memory_space<semaphore_mem>>) attributes {dimension_semantics = [#tpu.dimension_semantics<core_parallel>, #tpu.dimension_semantics<subcore_parallel>], iteration_bounds = array<i64: 2, 16>, scalar_prefetch = 0 : i64, scratch_operands = 11 : i64, tpu.core_type = #tpu.core_type<sc_vector_subcore>, window_params = [{transform_indices = #map}, {transform_indices = #map1}, {transform_indices = #map}, {transform_indices = #map1}]} {
    %mul3A = arith.constant 5120 : i32
    %mul3A_0 = arith.muli %arg0, %mul3A : i32
    %mul3A_1 = arith.constant 632 : i32
    %mul3A_2 = arith.muli %arg1, %mul3A_1 : i32
    %mul3A_3 = arith.constant 632 : i32
    %mul3A_4 = arith.muli %arg1, %mul3A_3 : i32
    "tpu.region"() ({
      %run_scoped3A = tpu.sem_alloc : memref<!tpu.dma_semaphore, #tpu.memory_space<semaphore_mem>>
      %dma_start3A = arith.constant 0 : i32
      %dma_start3A_19 = tpu.memref_slice %arg14[%mul3A_4, %dma_start3A] : memref<10112x128xf32, #tpu.memory_space<vmem_shared>> -> memref<632x128xf32, #tpu.memory_space<vmem_shared>>
      %dma_start3A_20 = arith.constant 0 : i32
      %dma_start3A_21 = tpu.memref_slice %arg4[%mul3A_2, %dma_start3A_20] : memref<10112x128xf32, #tpu.memory_space<hbm>> -> memref<632x128xf32, #tpu.memory_space<hbm>>
      tpu.enqueue_dma source(%dma_start3A_21 : memref<632x128xf32, #tpu.memory_space<hbm>>) target(%dma_start3A_19 : memref<632x128xf32, #tpu.memory_space<vmem_shared>>) target_semaphore(%run_scoped3A : memref<!tpu.dma_semaphore, #tpu.memory_space<semaphore_mem>>)
      %dma_wait3A = arith.constant 0 : i32
      %dma_wait3A_22 = tpu.memref_slice %arg14[%mul3A_4, %dma_wait3A] : memref<10112x128xf32, #tpu.memory_space<vmem_shared>> -> memref<632x128xf32, #tpu.memory_space<vmem_shared>>
      %dma_wait3A_23 = arith.constant 0 : i32
      %dma_wait3A_24 = tpu.memref_slice %arg4[%mul3A_2, %dma_wait3A_23] : memref<10112x128xf32, #tpu.memory_space<hbm>> -> memref<632x128xf32, #tpu.memory_space<hbm>>
      tpu.wait_dma2 semaphore(%run_scoped3A : memref<!tpu.dma_semaphore, #tpu.memory_space<semaphore_mem>>) src(%dma_wait3A_24 : memref<632x128xf32, #tpu.memory_space<hbm>>) dst(%dma_wait3A_22 : memref<632x128xf32, #tpu.memory_space<vmem_shared>>)
      tpu.yield
    }) : () -> ()
    %mul3A_5 = arith.constant 320 : i32
    %mul3A_6 = arith.muli %arg1, %mul3A_5 : i32
    %add3A = arith.addi %mul3A_0, %mul3A_6 : i32
    %mul3A_7 = arith.constant 320 : i32
    %mul3A_8 = arith.muli %arg1, %mul3A_7 : i32
    "tpu.region"() ({
      %run_scoped3A = tpu.sem_alloc : memref<!tpu.dma_semaphore, #tpu.memory_space<semaphore_mem>>
      %dma_start3A = arith.constant 0 : i32
      %dma_start3A_19 = tpu.memref_slice %arg13[%mul3A_8, %dma_start3A] : memref<5120x128xf32, #tpu.memory_space<vmem_shared>> -> memref<320x128xf32, #tpu.memory_space<vmem_shared>>
      %dma_start3A_20 = arith.constant 0 : i32
      %dma_start3A_21 = tpu.memref_slice %arg2[%add3A, %dma_start3A_20] : memref<10240x128xf32, #tpu.memory_space<hbm>> -> memref<320x128xf32, #tpu.memory_space<hbm>>
      tpu.enqueue_dma source(%dma_start3A_21 : memref<320x128xf32, #tpu.memory_space<hbm>>) target(%dma_start3A_19 : memref<320x128xf32, #tpu.memory_space<vmem_shared>>) target_semaphore(%run_scoped3A : memref<!tpu.dma_semaphore, #tpu.memory_space<semaphore_mem>>)
      %dma_wait3A = arith.constant 0 : i32
      %dma_wait3A_22 = tpu.memref_slice %arg13[%mul3A_8, %dma_wait3A] : memref<5120x128xf32, #tpu.memory_space<vmem_shared>> -> memref<320x128xf32, #tpu.memory_space<vmem_shared>>
      %dma_wait3A_23 = arith.constant 0 : i32
      %dma_wait3A_24 = tpu.memref_slice %arg2[%add3A, %dma_wait3A_23] : memref<10240x128xf32, #tpu.memory_space<hbm>> -> memref<320x128xf32, #tpu.memory_space<hbm>>
      tpu.wait_dma2 semaphore(%run_scoped3A : memref<!tpu.dma_semaphore, #tpu.memory_space<semaphore_mem>>) src(%dma_wait3A_24 : memref<320x128xf32, #tpu.memory_space<hbm>>) dst(%dma_wait3A_22 : memref<320x128xf32, #tpu.memory_space<vmem_shared>>)
      tpu.yield
    }) : () -> ()
    %barrier3A = arith.constant 0 : index
    tpu.barrier barrier_id(%barrier3A)
    %scan3A = arith.constant 0 : i32
    %scan3A_9 = arith.constant 0 : i32
    %scan3A_10 = arith.constant 80 : i32
    %scan3A_11 = arith.addi %scan3A_9, %scan3A_10 : i32
    %scan3A_12 = arith.constant 1 : i32
    scf.for %scan3A_19 = %scan3A_9 to %scan3A_11 step %scan3A_12  : i32 {
      "tpu.region"() ({
        %run_scoped3A = tpu.sem_alloc : memref<!tpu.dma_semaphore, #tpu.memory_space<semaphore_mem>>
        %dma_start3A_569 = arith.constant 0 : i32
        %dma_start3A_570 = tpu.memref_slice %arg3[%arg1, %scan3A_19, %dma_start3A_569] : memref<16x80x512xi32, #tpu.memory_space<hbm>> -> memref<1x1x512xi32, #tpu.memory_space<hbm>>
        %dma_start3A_571 = tpu.memref_squeeze %dma_start3A_570 : memref<1x1x512xi32, #tpu.memory_space<hbm>> -> memref<512xi32, #tpu.memory_space<hbm>>
        %dma_start3A_572 = arith.constant 0 : i32
        %dma_start3A_573 = tpu.memref_slice %arg3[%arg1, %scan3A_19, %dma_start3A_572] : memref<16x80x512xi32, #tpu.memory_space<hbm>> -> memref<1x1x512xi32, #tpu.memory_space<hbm>>
        %dma_start3A_574 = tpu.memref_squeeze %dma_start3A_573 : memref<1x1x512xi32, #tpu.memory_space<hbm>> -> memref<512xi32, #tpu.memory_space<hbm>>
        tpu.enqueue_dma source(%dma_start3A_574 : memref<512xi32, #tpu.memory_space<hbm>>) target(%arg6 : memref<512xi32, #tpu.memory_space<vmem>>) target_semaphore(%run_scoped3A : memref<!tpu.dma_semaphore, #tpu.memory_space<semaphore_mem>>)
        %dma_wait3A_575 = arith.constant 0 : i32
        %dma_wait3A_576 = tpu.memref_slice %arg3[%arg1, %scan3A_19, %dma_wait3A_575] : memref<16x80x512xi32, #tpu.memory_space<hbm>> -> memref<1x1x512xi32, #tpu.memory_space<hbm>>
        %dma_wait3A_577 = tpu.memref_squeeze %dma_wait3A_576 : memref<1x1x512xi32, #tpu.memory_space<hbm>> -> memref<512xi32, #tpu.memory_space<hbm>>
        %dma_wait3A_578 = arith.constant 0 : i32
        %dma_wait3A_579 = tpu.memref_slice %arg3[%arg1, %scan3A_19, %dma_wait3A_578] : memref<16x80x512xi32, #tpu.memory_space<hbm>> -> memref<1x1x512xi32, #tpu.memory_space<hbm>>
        %dma_wait3A_580 = tpu.memref_squeeze %dma_wait3A_579 : memref<1x1x512xi32, #tpu.memory_space<hbm>> -> memref<512xi32, #tpu.memory_space<hbm>>
        tpu.wait_dma2 semaphore(%run_scoped3A : memref<!tpu.dma_semaphore, #tpu.memory_space<semaphore_mem>>) src(%dma_wait3A_580 : memref<512xi32, #tpu.memory_space<hbm>>) dst(%arg6 : memref<512xi32, #tpu.memory_space<vmem>>)
        tpu.yield
      }) : () -> ()
      %get3A = arith.constant 0 : index
      %get3A_20 = tpu.vector_load %arg6[%get3A] {strides = array<i32>} : memref<512xi32, #tpu.memory_space<vmem>>, vector<16xi32>,
      %get3A_21 = vector.shape_cast %get3A_20 : vector<16xi32> to vector<16xi32>
      %get3A_22 = arith.constant 256 : index
      %get3A_23 = tpu.vector_load %arg6[%get3A_22] {strides = array<i32>} : memref<512xi32, #tpu.memory_space<vmem>>, vector<16xi32>,
      %get3A_24 = vector.shape_cast %get3A_23 : vector<16xi32> to vector<16xi32>
      %ge3A = vector.broadcast %mul3A_0 : i32 to vector<16xi32>
      %ge3A_25 = arith.cmpi sge, %get3A_21, %ge3A : vector<16xi32>
      %add3A_26 = arith.constant 5120 : i32
      %add3A_27 = arith.addi %mul3A_0, %add3A_26 : i32
      %lt3A = vector.broadcast %add3A_27 : i32 to vector<16xi32>
      %lt3A_28 = arith.cmpi slt, %get3A_21, %lt3A : vector<16xi32>
      %and3A = arith.andi %ge3A_25, %lt3A_28 : vector<16xi1>
      %sub3A = vector.broadcast %mul3A_0 : i32 to vector<16xi32>
      %sub3A_29 = arith.subi %get3A_21, %sub3A : vector<16xi32>
      %jit3A = arith.constant 0 : i32
      %broadcast_in_dim3A = vector.broadcast %jit3A : i32 to vector<16xi32>
      %select_n3A = arith.select %and3A, %sub3A_29, %broadcast_in_dim3A : vector<16xi1>, vector<16xi32>
      %swap3A = arith.constant 0 : index
      %swap3A_30 = tpu.vector_load %arg7[%swap3A] {strides = array<i32>} : memref<32xi32, #tpu.memory_space<vmem>>, vector<16xi32>,
      %swap3A_31 = vector.shape_cast %swap3A_30 : vector<16xi32> to vector<16xi32>
      %swap3A_32 = vector.shape_cast %select_n3A : vector<16xi32> to vector<16xi32>
      tpu.vector_store %arg7[%swap3A], %swap3A_32 {strides = array<i32>} : memref<32xi32, #tpu.memory_space<vmem>>, vector<16xi32>,
      %jit3A_33 = arith.constant 10000 : i32
      %broadcast_in_dim3A_34 = vector.broadcast %jit3A_33 : i32 to vector<16xi32>
      %select_n3A_35 = arith.select %and3A, %get3A_24, %broadcast_in_dim3A_34 : vector<16xi1>, vector<16xi32>
      %swap3A_36 = arith.constant 0 : index
      %swap3A_37 = tpu.vector_load %arg9[%swap3A_36] {strides = array<i32>} : memref<32xi32, #tpu.memory_space<vmem>>, vector<16xi32>,
      %swap3A_38 = vector.shape_cast %swap3A_37 : vector<16xi32> to vector<16xi32>
      %swap3A_39 = vector.shape_cast %select_n3A_35 : vector<16xi32> to vector<16xi32>
      tpu.vector_store %arg9[%swap3A_36], %swap3A_39 {strides = array<i32>} : memref<32xi32, #tpu.memory_space<vmem>>, vector<16xi32>,
      %get3A_40 = arith.constant 16 : index
      %get3A_41 = tpu.vector_load %arg6[%get3A_40] {strides = array<i32>} : memref<512xi32, #tpu.memory_space<vmem>>, vector<16xi32>,
      %get3A_42 = vector.shape_cast %get3A_41 : vector<16xi32> to vector<16xi32>
      %get3A_43 = arith.constant 272 : index
      %get3A_44 = tpu.vector_load %arg6[%get3A_43] {strides = array<i32>} : memref<512xi32, #tpu.memory_space<vmem>>, vector<16xi32>,
      %get3A_45 = vector.shape_cast %get3A_44 : vector<16xi32> to vector<16xi32>
      %ge3A_46 = vector.broadcast %mul3A_0 : i32 to vector<16xi32>
      %ge3A_47 = arith.cmpi sge, %get3A_42, %ge3A_46 : vector<16xi32>
      %add3A_48 = arith.constant 5120 : i32
      %add3A_49 = arith.addi %mul3A_0, %add3A_48 : i32
      %lt3A_50 = vector.broadcast %add3A_49 : i32 to vector<16xi32>
      %lt3A_51 = arith.cmpi slt, %get3A_42, %lt3A_50 : vector<16xi32>
      %and3A_52 = arith.andi %ge3A_47, %lt3A_51 : vector<16xi1>
      %sub3A_53 = vector.broadcast %mul3A_0 : i32 to vector<16xi32>
      %sub3A_54 = arith.subi %get3A_42, %sub3A_53 : vector<16xi32>
      %jit3A_55 = arith.constant 0 : i32
      %broadcast_in_dim3A_56 = vector.broadcast %jit3A_55 : i32 to vector<16xi32>
      %select_n3A_57 = arith.select %and3A_52, %sub3A_54, %broadcast_in_dim3A_56 : vector<16xi1>, vector<16xi32>
      %swap3A_58 = arith.constant 16 : index
      %swap3A_59 = tpu.vector_load %arg7[%swap3A_58] {strides = array<i32>} : memref<32xi32, #tpu.memory_space<vmem>>, vector<16xi32>,
      %swap3A_60 = vector.shape_cast %swap3A_59 : vector<16xi32> to vector<16xi32>
      %swap3A_61 = vector.shape_cast %select_n3A_57 : vector<16xi32> to vector<16xi32>
      tpu.vector_store %arg7[%swap3A_58], %swap3A_61 {strides = array<i32>} : memref<32xi32, #tpu.memory_space<vmem>>, vector<16xi32>,
      %jit3A_62 = arith.constant 10000 : i32
      %broadcast_in_dim3A_63 = vector.broadcast %jit3A_62 : i32 to vector<16xi32>
      %select_n3A_64 = arith.select %and3A_52, %get3A_45, %broadcast_in_dim3A_63 : vector<16xi1>, vector<16xi32>
      %swap3A_65 = arith.constant 16 : index
      %swap3A_66 = tpu.vector_load %arg9[%swap3A_65] {strides = array<i32>} : memref<32xi32, #tpu.memory_space<vmem>>, vector<16xi32>,
      %swap3A_67 = vector.shape_cast %swap3A_66 : vector<16xi32> to vector<16xi32>
      %swap3A_68 = vector.shape_cast %select_n3A_64 : vector<16xi32> to vector<16xi32>
      tpu.vector_store %arg9[%swap3A_65], %swap3A_68 {strides = array<i32>} : memref<32xi32, #tpu.memory_space<vmem>>, vector<16xi32>,
      %dma_start3A = arith.constant 0 : i32
      %dma_start3A_69 = arith.constant 0 : i32
      %dma_start3A_70 = tpu.memref_slice %arg13[%dma_start3A, %dma_start3A_69] : memref<5120x128xf32, #tpu.memory_space<vmem_shared>> -> memref<5120x128xf32, #tpu.memory_space<vmem_shared>>
      tpu.enqueue_indirect_dma source(%dma_start3A_70 : memref<5120x128xf32, #tpu.memory_space<vmem_shared>>) target(%arg11 : memref<32x128xf32, #tpu.memory_space<vmem>>) offsets(%arg7 : memref<32xi32, #tpu.memory_space<vmem>>) semaphore(%arg15 : memref<!tpu.dma_semaphore, #tpu.memory_space<semaphore_mem>>)
      %dma_wait3A = arith.constant 0 : i32
      %dma_wait3A_71 = arith.constant 0 : i32
      %dma_wait3A_72 = tpu.memref_slice %arg13[%dma_wait3A, %dma_wait3A_71] : memref<5120x128xf32, #tpu.memory_space<vmem_shared>> -> memref<5120x128xf32, #tpu.memory_space<vmem_shared>>
      tpu.wait_indirect_dma semaphore(%arg15 : memref<!tpu.dma_semaphore, #tpu.memory_space<semaphore_mem>>) src(%dma_wait3A_72 : memref<5120x128xf32, #tpu.memory_space<vmem_shared>>) dst(%arg11 : memref<32x128xf32, #tpu.memory_space<vmem>>)
      %dma_start3A_73 = arith.constant 0 : i32
      %dma_start3A_74 = arith.constant 0 : i32
      %dma_start3A_75 = tpu.memref_slice %arg14[%dma_start3A_73, %dma_start3A_74] : memref<10112x128xf32, #tpu.memory_space<vmem_shared>> -> memref<10112x128xf32, #tpu.memory_space<vmem_shared>>
      tpu.enqueue_indirect_dma source(%arg11 : memref<32x128xf32, #tpu.memory_space<vmem>>) target(%dma_start3A_75 : memref<10112x128xf32, #tpu.memory_space<vmem_shared>>) offsets(%arg9 : memref<32xi32, #tpu.memory_space<vmem>>) semaphore(%arg16 : memref<!tpu.dma_semaphore, #tpu.memory_space<semaphore_mem>>) {add = true}
      %get3A_76 = arith.constant 32 : index
      %get3A_77 = tpu.vector_load %arg6[%get3A_76] {strides = array<i32>} : memref<512xi32, #tpu.memory_space<vmem>>, vector<16xi32>,
      %get3A_78 = vector.shape_cast %get3A_77 : vector<16xi32> to vector<16xi32>
      %get3A_79 = arith.constant 288 : index
      %get3A_80 = tpu.vector_load %arg6[%get3A_79] {strides = array<i32>} : memref<512xi32, #tpu.memory_space<vmem>>, vector<16xi32>,
      %get3A_81 = vector.shape_cast %get3A_80 : vector<16xi32> to vector<16xi32>
      %ge3A_82 = vector.broadcast %mul3A_0 : i32 to vector<16xi32>
      %ge3A_83 = arith.cmpi sge, %get3A_78, %ge3A_82 : vector<16xi32>
      %add3A_84 = arith.constant 5120 : i32
      %add3A_85 = arith.addi %mul3A_0, %add3A_84 : i32
      %lt3A_86 = vector.broadcast %add3A_85 : i32 to vector<16xi32>
      %lt3A_87 = arith.cmpi slt, %get3A_78, %lt3A_86 : vector<16xi32>
      %and3A_88 = arith.andi %ge3A_83, %lt3A_87 : vector<16xi1>
      %sub3A_89 = vector.broadcast %mul3A_0 : i32 to vector<16xi32>
      %sub3A_90 = arith.subi %get3A_78, %sub3A_89 : vector<16xi32>
      %jit3A_91 = arith.constant 0 : i32
      %broadcast_in_dim3A_92 = vector.broadcast %jit3A_91 : i32 to vector<16xi32>
      %select_n3A_93 = arith.select %and3A_88, %sub3A_90, %broadcast_in_dim3A_92 : vector<16xi1>, vector<16xi32>
      %swap3A_94 = arith.constant 0 : index
      %swap3A_95 = tpu.vector_load %arg8[%swap3A_94] {strides = array<i32>} : memref<32xi32, #tpu.memory_space<vmem>>, vector<16xi32>,
      %swap3A_96 = vector.shape_cast %swap3A_95 : vector<16xi32> to vector<16xi32>
      %swap3A_97 = vector.shape_cast %select_n3A_93 : vector<16xi32> to vector<16xi32>
      tpu.vector_store %arg8[%swap3A_94], %swap3A_97 {strides = array<i32>} : memref<32xi32, #tpu.memory_space<vmem>>, vector<16xi32>,
      %jit3A_98 = arith.constant 10000 : i32
      %broadcast_in_dim3A_99 = vector.broadcast %jit3A_98 : i32 to vector<16xi32>
      %select_n3A_100 = arith.select %and3A_88, %get3A_81, %broadcast_in_dim3A_99 : vector<16xi1>, vector<16xi32>
      %swap3A_101 = arith.constant 0 : index
      %swap3A_102 = tpu.vector_load %arg10[%swap3A_101] {strides = array<i32>} : memref<32xi32, #tpu.memory_space<vmem>>, vector<16xi32>,
      %swap3A_103 = vector.shape_cast %swap3A_102 : vector<16xi32> to vector<16xi32>
      %swap3A_104 = vector.shape_cast %select_n3A_100 : vector<16xi32> to vector<16xi32>
      tpu.vector_store %arg10[%swap3A_101], %swap3A_104 {strides = array<i32>} : memref<32xi32, #tpu.memory_space<vmem>>, vector<16xi32>,
      %get3A_105 = arith.constant 48 : index
      %get3A_106 = tpu.vector_load %arg6[%get3A_105] {strides = array<i32>} : memref<512xi32, #tpu.memory_space<vmem>>, vector<16xi32>,
      %get3A_107 = vector.shape_cast %get3A_106 : vector<16xi32> to vector<16xi32>
      %get3A_108 = arith.constant 304 : index
      %get3A_109 = tpu.vector_load %arg6[%get3A_108] {strides = array<i32>} : memref<512xi32, #tpu.memory_space<vmem>>, vector<16xi32>,
      %get3A_110 = vector.shape_cast %get3A_109 : vector<16xi32> to vector<16xi32>
      %ge3A_111 = vector.broadcast %mul3A_0 : i32 to vector<16xi32>
      %ge3A_112 = arith.cmpi sge, %get3A_107, %ge3A_111 : vector<16xi32>
      %add3A_113 = arith.constant 5120 : i32
      %add3A_114 = arith.addi %mul3A_0, %add3A_113 : i32
      %lt3A_115 = vector.broadcast %add3A_114 : i32 to vector<16xi32>
      %lt3A_116 = arith.cmpi slt, %get3A_107, %lt3A_115 : vector<16xi32>
      %and3A_117 = arith.andi %ge3A_112, %lt3A_116 : vector<16xi1>
      %sub3A_118 = vector.broadcast %mul3A_0 : i32 to vector<16xi32>
      %sub3A_119 = arith.subi %get3A_107, %sub3A_118 : vector<16xi32>
      %jit3A_120 = arith.constant 0 : i32
      %broadcast_in_dim3A_121 = vector.broadcast %jit3A_120 : i32 to vector<16xi32>
      %select_n3A_122 = arith.select %and3A_117, %sub3A_119, %broadcast_in_dim3A_121 : vector<16xi1>, vector<16xi32>
      %swap3A_123 = arith.constant 16 : index
      %swap3A_124 = tpu.vector_load %arg8[%swap3A_123] {strides = array<i32>} : memref<32xi32, #tpu.memory_space<vmem>>, vector<16xi32>,
      %swap3A_125 = vector.shape_cast %swap3A_124 : vector<16xi32> to vector<16xi32>
      %swap3A_126 = vector.shape_cast %select_n3A_122 : vector<16xi32> to vector<16xi32>
      tpu.vector_store %arg8[%swap3A_123], %swap3A_126 {strides = array<i32>} : memref<32xi32, #tpu.memory_space<vmem>>, vector<16xi32>,
      %jit3A_127 = arith.constant 10000 : i32
      %broadcast_in_dim3A_128 = vector.broadcast %jit3A_127 : i32 to vector<16xi32>
      %select_n3A_129 = arith.select %and3A_117, %get3A_110, %broadcast_in_dim3A_128 : vector<16xi1>, vector<16xi32>
      %swap3A_130 = arith.constant 16 : index
      %swap3A_131 = tpu.vector_load %arg10[%swap3A_130] {strides = array<i32>} : memref<32xi32, #tpu.memory_space<vmem>>, vector<16xi32>,
      %swap3A_132 = vector.shape_cast %swap3A_131 : vector<16xi32> to vector<16xi32>
      %swap3A_133 = vector.shape_cast %select_n3A_129 : vector<16xi32> to vector<16xi32>
      tpu.vector_store %arg10[%swap3A_130], %swap3A_133 {strides = array<i32>} : memref<32xi32, #tpu.memory_space<vmem>>, vector<16xi32>,
      %dma_start3A_134 = arith.constant 0 : i32
      %dma_start3A_135 = arith.constant 0 : i32
      %dma_start3A_136 = tpu.memref_slice %arg13[%dma_start3A_134, %dma_start3A_135] : memref<5120x128xf32, #tpu.memory_space<vmem_shared>> -> memref<5120x128xf32, #tpu.memory_space<vmem_shared>>
      tpu.enqueue_indirect_dma source(%dma_start3A_136 : memref<5120x128xf32, #tpu.memory_space<vmem_shared>>) target(%arg12 : memref<32x128xf32, #tpu.memory_space<vmem>>) offsets(%arg8 : memref<32xi32, #tpu.memory_space<vmem>>) semaphore(%arg15 : memref<!tpu.dma_semaphore, #tpu.memory_space<semaphore_mem>>)
      %dma_wait3A_137 = arith.constant 0 : i32
      %dma_wait3A_138 = arith.constant 0 : i32
      %dma_wait3A_139 = tpu.memref_slice %arg13[%dma_wait3A_137, %dma_wait3A_138] : memref<5120x128xf32, #tpu.memory_space<vmem_shared>> -> memref<5120x128xf32, #tpu.memory_space<vmem_shared>>
      tpu.wait_indirect_dma semaphore(%arg15 : memref<!tpu.dma_semaphore, #tpu.memory_space<semaphore_mem>>) src(%dma_wait3A_139 : memref<5120x128xf32, #tpu.memory_space<vmem_shared>>) dst(%arg12 : memref<32x128xf32, #tpu.memory_space<vmem>>)
      %dma_start3A_140 = arith.constant 0 : i32
      %dma_start3A_141 = arith.constant 0 : i32
      %dma_start3A_142 = tpu.memref_slice %arg14[%dma_start3A_140, %dma_start3A_141] : memref<10112x128xf32, #tpu.memory_space<vmem_shared>> -> memref<10112x128xf32, #tpu.memory_space<vmem_shared>>
      tpu.enqueue_indirect_dma source(%arg12 : memref<32x128xf32, #tpu.memory_space<vmem>>) target(%dma_start3A_142 : memref<10112x128xf32, #tpu.memory_space<vmem_shared>>) offsets(%arg10 : memref<32xi32, #tpu.memory_space<vmem>>) semaphore(%arg16 : memref<!tpu.dma_semaphore, #tpu.memory_space<semaphore_mem>>) {add = true}
      %dma_wait3A_143 = arith.constant 0 : i32
      %dma_wait3A_144 = arith.constant 0 : i32
      %dma_wait3A_145 = tpu.memref_slice %arg14[%dma_wait3A_143, %dma_wait3A_144] : memref<10112x128xf32, #tpu.memory_space<vmem_shared>> -> memref<10112x128xf32, #tpu.memory_space<vmem_shared>>
      tpu.wait_indirect_dma semaphore(%arg16 : memref<!tpu.dma_semaphore, #tpu.memory_space<semaphore_mem>>) src(%arg11 : memref<32x128xf32, #tpu.memory_space<vmem>>) dst(%dma_wait3A_145 : memref<10112x128xf32, #tpu.memory_space<vmem_shared>>)
      %get3A_146 = arith.constant 64 : index
      %get3A_147 = tpu.vector_load %arg6[%get3A_146] {strides = array<i32>} : memref<512xi32, #tpu.memory_space<vmem>>, vector<16xi32>,
      %get3A_148 = vector.shape_cast %get3A_147 : vector<16xi32> to vector<16xi32>
      %get3A_149 = arith.constant 320 : index
      %get3A_150 = tpu.vector_load %arg6[%get3A_149] {strides = array<i32>} : memref<512xi32, #tpu.memory_space<vmem>>, vector<16xi32>,
      %get3A_151 = vector.shape_cast %get3A_150 : vector<16xi32> to vector<16xi32>
      %ge3A_152 = vector.broadcast %mul3A_0 : i32 to vector<16xi32>
      %ge3A_153 = arith.cmpi sge, %get3A_148, %ge3A_152 : vector<16xi32>
      %add3A_154 = arith.constant 5120 : i32
      %add3A_155 = arith.addi %mul3A_0, %add3A_154 : i32
      %lt3A_156 = vector.broadcast %add3A_155 : i32 to vector<16xi32>
      %lt3A_157 = arith.cmpi slt, %get3A_148, %lt3A_156 : vector<16xi32>
      %and3A_158 = arith.andi %ge3A_153, %lt3A_157 : vector<16xi1>
      %sub3A_159 = vector.broadcast %mul3A_0 : i32 to vector<16xi32>
      %sub3A_160 = arith.subi %get3A_148, %sub3A_159 : vector<16xi32>
      %jit3A_161 = arith.constant 0 : i32
      %broadcast_in_dim3A_162 = vector.broadcast %jit3A_161 : i32 to vector<16xi32>
      %select_n3A_163 = arith.select %and3A_158, %sub3A_160, %broadcast_in_dim3A_162 : vector<16xi1>, vector<16xi32>
      %swap3A_164 = arith.constant 0 : index
      %swap3A_165 = tpu.vector_load %arg7[%swap3A_164] {strides = array<i32>} : memref<32xi32, #tpu.memory_space<vmem>>, vector<16xi32>,
      %swap3A_166 = vector.shape_cast %swap3A_165 : vector<16xi32> to vector<16xi32>
      %swap3A_167 = vector.shape_cast %select_n3A_163 : vector<16xi32> to vector<16xi32>
      tpu.vector_store %arg7[%swap3A_164], %swap3A_167 {strides = array<i32>} : memref<32xi32, #tpu.memory_space<vmem>>, vector<16xi32>,
      %jit3A_168 = arith.constant 10000 : i32
      %broadcast_in_dim3A_169 = vector.broadcast %jit3A_168 : i32 to vector<16xi32>
      %select_n3A_170 = arith.select %and3A_158, %get3A_151, %broadcast_in_dim3A_169 : vector<16xi1>, vector<16xi32>
      %swap3A_171 = arith.constant 0 : index
      %swap3A_172 = tpu.vector_load %arg9[%swap3A_171] {strides = array<i32>} : memref<32xi32, #tpu.memory_space<vmem>>, vector<16xi32>,
      %swap3A_173 = vector.shape_cast %swap3A_172 : vector<16xi32> to vector<16xi32>
      %swap3A_174 = vector.shape_cast %select_n3A_170 : vector<16xi32> to vector<16xi32>
      tpu.vector_store %arg9[%swap3A_171], %swap3A_174 {strides = array<i32>} : memref<32xi32, #tpu.memory_space<vmem>>, vector<16xi32>,
      %get3A_175 = arith.constant 80 : index
      %get3A_176 = tpu.vector_load %arg6[%get3A_175] {strides = array<i32>} : memref<512xi32, #tpu.memory_space<vmem>>, vector<16xi32>,
      %get3A_177 = vector.shape_cast %get3A_176 : vector<16xi32> to vector<16xi32>
      %get3A_178 = arith.constant 336 : index
      %get3A_179 = tpu.vector_load %arg6[%get3A_178] {strides = array<i32>} : memref<512xi32, #tpu.memory_space<vmem>>, vector<16xi32>,
      %get3A_180 = vector.shape_cast %get3A_179 : vector<16xi32> to vector<16xi32>
      %ge3A_181 = vector.broadcast %mul3A_0 : i32 to vector<16xi32>
      %ge3A_182 = arith.cmpi sge, %get3A_177, %ge3A_181 : vector<16xi32>
      %add3A_183 = arith.constant 5120 : i32
      %add3A_184 = arith.addi %mul3A_0, %add3A_183 : i32
      %lt3A_185 = vector.broadcast %add3A_184 : i32 to vector<16xi32>
      %lt3A_186 = arith.cmpi slt, %get3A_177, %lt3A_185 : vector<16xi32>
      %and3A_187 = arith.andi %ge3A_182, %lt3A_186 : vector<16xi1>
      %sub3A_188 = vector.broadcast %mul3A_0 : i32 to vector<16xi32>
      %sub3A_189 = arith.subi %get3A_177, %sub3A_188 : vector<16xi32>
      %jit3A_190 = arith.constant 0 : i32
      %broadcast_in_dim3A_191 = vector.broadcast %jit3A_190 : i32 to vector<16xi32>
      %select_n3A_192 = arith.select %and3A_187, %sub3A_189, %broadcast_in_dim3A_191 : vector<16xi1>, vector<16xi32>
      %swap3A_193 = arith.constant 16 : index
      %swap3A_194 = tpu.vector_load %arg7[%swap3A_193] {strides = array<i32>} : memref<32xi32, #tpu.memory_space<vmem>>, vector<16xi32>,
      %swap3A_195 = vector.shape_cast %swap3A_194 : vector<16xi32> to vector<16xi32>
      %swap3A_196 = vector.shape_cast %select_n3A_192 : vector<16xi32> to vector<16xi32>
      tpu.vector_store %arg7[%swap3A_193], %swap3A_196 {strides = array<i32>} : memref<32xi32, #tpu.memory_space<vmem>>, vector<16xi32>,
      %jit3A_197 = arith.constant 10000 : i32
      %broadcast_in_dim3A_198 = vector.broadcast %jit3A_197 : i32 to vector<16xi32>
      %select_n3A_199 = arith.select %and3A_187, %get3A_180, %broadcast_in_dim3A_198 : vector<16xi1>, vector<16xi32>
      %swap3A_200 = arith.constant 16 : index
      %swap3A_201 = tpu.vector_load %arg9[%swap3A_200] {strides = array<i32>} : memref<32xi32, #tpu.memory_space<vmem>>, vector<16xi32>,
      %swap3A_202 = vector.shape_cast %swap3A_201 : vector<16xi32> to vector<16xi32>
      %swap3A_203 = vector.shape_cast %select_n3A_199 : vector<16xi32> to vector<16xi32>
      tpu.vector_store %arg9[%swap3A_200], %swap3A_203 {strides = array<i32>} : memref<32xi32, #tpu.memory_space<vmem>>, vector<16xi32>,
      %dma_start3A_204 = arith.constant 0 : i32
      %dma_start3A_205 = arith.constant 0 : i32
      %dma_start3A_206 = tpu.memref_slice %arg13[%dma_start3A_204, %dma_start3A_205] : memref<5120x128xf32, #tpu.memory_space<vmem_shared>> -> memref<5120x128xf32, #tpu.memory_space<vmem_shared>>
      tpu.enqueue_indirect_dma source(%dma_start3A_206 : memref<5120x128xf32, #tpu.memory_space<vmem_shared>>) target(%arg11 : memref<32x128xf32, #tpu.memory_space<vmem>>) offsets(%arg7 : memref<32xi32, #tpu.memory_space<vmem>>) semaphore(%arg15 : memref<!tpu.dma_semaphore, #tpu.memory_space<semaphore_mem>>)
      %dma_wait3A_207 = arith.constant 0 : i32
      %dma_wait3A_208 = arith.constant 0 : i32
      %dma_wait3A_209 = tpu.memref_slice %arg13[%dma_wait3A_207, %dma_wait3A_208] : memref<5120x128xf32, #tpu.memory_space<vmem_shared>> -> memref<5120x128xf32, #tpu.memory_space<vmem_shared>>
      tpu.wait_indirect_dma semaphore(%arg15 : memref<!tpu.dma_semaphore, #tpu.memory_space<semaphore_mem>>) src(%dma_wait3A_209 : memref<5120x128xf32, #tpu.memory_space<vmem_shared>>) dst(%arg11 : memref<32x128xf32, #tpu.memory_space<vmem>>)
      %dma_start3A_210 = arith.constant 0 : i32
      %dma_start3A_211 = arith.constant 0 : i32
      %dma_start3A_212 = tpu.memref_slice %arg14[%dma_start3A_210, %dma_start3A_211] : memref<10112x128xf32, #tpu.memory_space<vmem_shared>> -> memref<10112x128xf32, #tpu.memory_space<vmem_shared>>
      tpu.enqueue_indirect_dma source(%arg11 : memref<32x128xf32, #tpu.memory_space<vmem>>) target(%dma_start3A_212 : memref<10112x128xf32, #tpu.memory_space<vmem_shared>>) offsets(%arg9 : memref<32xi32, #tpu.memory_space<vmem>>) semaphore(%arg16 : memref<!tpu.dma_semaphore, #tpu.memory_space<semaphore_mem>>) {add = true}
      %dma_wait3A_213 = arith.constant 0 : i32
      %dma_wait3A_214 = arith.constant 0 : i32
      %dma_wait3A_215 = tpu.memref_slice %arg14[%dma_wait3A_213, %dma_wait3A_214] : memref<10112x128xf32, #tpu.memory_space<vmem_shared>> -> memref<10112x128xf32, #tpu.memory_space<vmem_shared>>
      tpu.wait_indirect_dma semaphore(%arg16 : memref<!tpu.dma_semaphore, #tpu.memory_space<semaphore_mem>>) src(%arg12 : memref<32x128xf32, #tpu.memory_space<vmem>>) dst(%dma_wait3A_215 : memref<10112x128xf32, #tpu.memory_space<vmem_shared>>)
      %get3A_216 = arith.constant 96 : index
      %get3A_217 = tpu.vector_load %arg6[%get3A_216] {strides = array<i32>} : memref<512xi32, #tpu.memory_space<vmem>>, vector<16xi32>,
      %get3A_218 = vector.shape_cast %get3A_217 : vector<16xi32> to vector<16xi32>
      %get3A_219 = arith.constant 352 : index
      %get3A_220 = tpu.vector_load %arg6[%get3A_219] {strides = array<i32>} : memref<512xi32, #tpu.memory_space<vmem>>, vector<16xi32>,
      %get3A_221 = vector.shape_cast %get3A_220 : vector<16xi32> to vector<16xi32>
      %ge3A_222 = vector.broadcast %mul3A_0 : i32 to vector<16xi32>
      %ge3A_223 = arith.cmpi sge, %get3A_218, %ge3A_222 : vector<16xi32>
      %add3A_224 = arith.constant 5120 : i32
      %add3A_225 = arith.addi %mul3A_0, %add3A_224 : i32
      %lt3A_226 = vector.broadcast %add3A_225 : i32 to vector<16xi32>
      %lt3A_227 = arith.cmpi slt, %get3A_218, %lt3A_226 : vector<16xi32>
      %and3A_228 = arith.andi %ge3A_223, %lt3A_227 : vector<16xi1>
      %sub3A_229 = vector.broadcast %mul3A_0 : i32 to vector<16xi32>
      %sub3A_230 = arith.subi %get3A_218, %sub3A_229 : vector<16xi32>
      %jit3A_231 = arith.constant 0 : i32
      %broadcast_in_dim3A_232 = vector.broadcast %jit3A_231 : i32 to vector<16xi32>
      %select_n3A_233 = arith.select %and3A_228, %sub3A_230, %broadcast_in_dim3A_232 : vector<16xi1>, vector<16xi32>
      %swap3A_234 = arith.constant 0 : index
      %swap3A_235 = tpu.vector_load %arg8[%swap3A_234] {strides = array<i32>} : memref<32xi32, #tpu.memory_space<vmem>>, vector<16xi32>,
      %swap3A_236 = vector.shape_cast %swap3A_235 : vector<16xi32> to vector<16xi32>
      %swap3A_237 = vector.shape_cast %select_n3A_233 : vector<16xi32> to vector<16xi32>
      tpu.vector_store %arg8[%swap3A_234], %swap3A_237 {strides = array<i32>} : memref<32xi32, #tpu.memory_space<vmem>>, vector<16xi32>,
      %jit3A_238 = arith.constant 10000 : i32
      %broadcast_in_dim3A_239 = vector.broadcast %jit3A_238 : i32 to vector<16xi32>
      %select_n3A_240 = arith.select %and3A_228, %get3A_221, %broadcast_in_dim3A_239 : vector<16xi1>, vector<16xi32>
      %swap3A_241 = arith.constant 0 : index
      %swap3A_242 = tpu.vector_load %arg10[%swap3A_241] {strides = array<i32>} : memref<32xi32, #tpu.memory_space<vmem>>, vector<16xi32>,
      %swap3A_243 = vector.shape_cast %swap3A_242 : vector<16xi32> to vector<16xi32>
      %swap3A_244 = vector.shape_cast %select_n3A_240 : vector<16xi32> to vector<16xi32>
      tpu.vector_store %arg10[%swap3A_241], %swap3A_244 {strides = array<i32>} : memref<32xi32, #tpu.memory_space<vmem>>, vector<16xi32>,
      %get3A_245 = arith.constant 112 : index
      %get3A_246 = tpu.vector_load %arg6[%get3A_245] {strides = array<i32>} : memref<512xi32, #tpu.memory_space<vmem>>, vector<16xi32>,
      %get3A_247 = vector.shape_cast %get3A_246 : vector<16xi32> to vector<16xi32>
      %get3A_248 = arith.constant 368 : index
      %get3A_249 = tpu.vector_load %arg6[%get3A_248] {strides = array<i32>} : memref<512xi32, #tpu.memory_space<vmem>>, vector<16xi32>,
      %get3A_250 = vector.shape_cast %get3A_249 : vector<16xi32> to vector<16xi32>
      %ge3A_251 = vector.broadcast %mul3A_0 : i32 to vector<16xi32>
      %ge3A_252 = arith.cmpi sge, %get3A_247, %ge3A_251 : vector<16xi32>
      %add3A_253 = arith.constant 5120 : i32
      %add3A_254 = arith.addi %mul3A_0, %add3A_253 : i32
      %lt3A_255 = vector.broadcast %add3A_254 : i32 to vector<16xi32>
      %lt3A_256 = arith.cmpi slt, %get3A_247, %lt3A_255 : vector<16xi32>
      %and3A_257 = arith.andi %ge3A_252, %lt3A_256 : vector<16xi1>
      %sub3A_258 = vector.broadcast %mul3A_0 : i32 to vector<16xi32>
      %sub3A_259 = arith.subi %get3A_247, %sub3A_258 : vector<16xi32>
      %jit3A_260 = arith.constant 0 : i32
      %broadcast_in_dim3A_261 = vector.broadcast %jit3A_260 : i32 to vector<16xi32>
      %select_n3A_262 = arith.select %and3A_257, %sub3A_259, %broadcast_in_dim3A_261 : vector<16xi1>, vector<16xi32>
      %swap3A_263 = arith.constant 16 : index
      %swap3A_264 = tpu.vector_load %arg8[%swap3A_263] {strides = array<i32>} : memref<32xi32, #tpu.memory_space<vmem>>, vector<16xi32>,
      %swap3A_265 = vector.shape_cast %swap3A_264 : vector<16xi32> to vector<16xi32>
      %swap3A_266 = vector.shape_cast %select_n3A_262 : vector<16xi32> to vector<16xi32>
      tpu.vector_store %arg8[%swap3A_263], %swap3A_266 {strides = array<i32>} : memref<32xi32, #tpu.memory_space<vmem>>, vector<16xi32>,
      %jit3A_267 = arith.constant 10000 : i32
      %broadcast_in_dim3A_268 = vector.broadcast %jit3A_267 : i32 to vector<16xi32>
      %select_n3A_269 = arith.select %and3A_257, %get3A_250, %broadcast_in_dim3A_268 : vector<16xi1>, vector<16xi32>
      %swap3A_270 = arith.constant 16 : index
      %swap3A_271 = tpu.vector_load %arg10[%swap3A_270] {strides = array<i32>} : memref<32xi32, #tpu.memory_space<vmem>>, vector<16xi32>,
      %swap3A_272 = vector.shape_cast %swap3A_271 : vector<16xi32> to vector<16xi32>
      %swap3A_273 = vector.shape_cast %select_n3A_269 : vector<16xi32> to vector<16xi32>
      tpu.vector_store %arg10[%swap3A_270], %swap3A_273 {strides = array<i32>} : memref<32xi32, #tpu.memory_space<vmem>>, vector<16xi32>,
      %dma_start3A_274 = arith.constant 0 : i32
      %dma_start3A_275 = arith.constant 0 : i32
      %dma_start3A_276 = tpu.memref_slice %arg13[%dma_start3A_274, %dma_start3A_275] : memref<5120x128xf32, #tpu.memory_space<vmem_shared>> -> memref<5120x128xf32, #tpu.memory_space<vmem_shared>>
      tpu.enqueue_indirect_dma source(%dma_start3A_276 : memref<5120x128xf32, #tpu.memory_space<vmem_shared>>) target(%arg12 : memref<32x128xf32, #tpu.memory_space<vmem>>) offsets(%arg8 : memref<32xi32, #tpu.memory_space<vmem>>) semaphore(%arg15 : memref<!tpu.dma_semaphore, #tpu.memory_space<semaphore_mem>>)
      %dma_wait3A_277 = arith.constant 0 : i32
      %dma_wait3A_278 = arith.constant 0 : i32
      %dma_wait3A_279 = tpu.memref_slice %arg13[%dma_wait3A_277, %dma_wait3A_278] : memref<5120x128xf32, #tpu.memory_space<vmem_shared>> -> memref<5120x128xf32, #tpu.memory_space<vmem_shared>>
      tpu.wait_indirect_dma semaphore(%arg15 : memref<!tpu.dma_semaphore, #tpu.memory_space<semaphore_mem>>) src(%dma_wait3A_279 : memref<5120x128xf32, #tpu.memory_space<vmem_shared>>) dst(%arg12 : memref<32x128xf32, #tpu.memory_space<vmem>>)
      %dma_start3A_280 = arith.constant 0 : i32
      %dma_start3A_281 = arith.constant 0 : i32
      %dma_start3A_282 = tpu.memref_slice %arg14[%dma_start3A_280, %dma_start3A_281] : memref<10112x128xf32, #tpu.memory_space<vmem_shared>> -> memref<10112x128xf32, #tpu.memory_space<vmem_shared>>
      tpu.enqueue_indirect_dma source(%arg12 : memref<32x128xf32, #tpu.memory_space<vmem>>) target(%dma_start3A_282 : memref<10112x128xf32, #tpu.memory_space<vmem_shared>>) offsets(%arg10 : memref<32xi32, #tpu.memory_space<vmem>>) semaphore(%arg16 : memref<!tpu.dma_semaphore, #tpu.memory_space<semaphore_mem>>) {add = true}
      %dma_wait3A_283 = arith.constant 0 : i32
      %dma_wait3A_284 = arith.constant 0 : i32
      %dma_wait3A_285 = tpu.memref_slice %arg14[%dma_wait3A_283, %dma_wait3A_284] : memref<10112x128xf32, #tpu.memory_space<vmem_shared>> -> memref<10112x128xf32, #tpu.memory_space<vmem_shared>>
      tpu.wait_indirect_dma semaphore(%arg16 : memref<!tpu.dma_semaphore, #tpu.memory_space<semaphore_mem>>) src(%arg11 : memref<32x128xf32, #tpu.memory_space<vmem>>) dst(%dma_wait3A_285 : memref<10112x128xf32, #tpu.memory_space<vmem_shared>>)
      %get3A_286 = arith.constant 128 : index
      %get3A_287 = tpu.vector_load %arg6[%get3A_286] {strides = array<i32>} : memref<512xi32, #tpu.memory_space<vmem>>, vector<16xi32>,
      %get3A_288 = vector.shape_cast %get3A_287 : vector<16xi32> to vector<16xi32>
      %get3A_289 = arith.constant 384 : index
      %get3A_290 = tpu.vector_load %arg6[%get3A_289] {strides = array<i32>} : memref<512xi32, #tpu.memory_space<vmem>>, vector<16xi32>,
      %get3A_291 = vector.shape_cast %get3A_290 : vector<16xi32> to vector<16xi32>
      %ge3A_292 = vector.broadcast %mul3A_0 : i32 to vector<16xi32>
      %ge3A_293 = arith.cmpi sge, %get3A_288, %ge3A_292 : vector<16xi32>
      %add3A_294 = arith.constant 5120 : i32
      %add3A_295 = arith.addi %mul3A_0, %add3A_294 : i32
      %lt3A_296 = vector.broadcast %add3A_295 : i32 to vector<16xi32>
      %lt3A_297 = arith.cmpi slt, %get3A_288, %lt3A_296 : vector<16xi32>
      %and3A_298 = arith.andi %ge3A_293, %lt3A_297 : vector<16xi1>
      %sub3A_299 = vector.broadcast %mul3A_0 : i32 to vector<16xi32>
      %sub3A_300 = arith.subi %get3A_288, %sub3A_299 : vector<16xi32>
      %jit3A_301 = arith.constant 0 : i32
      %broadcast_in_dim3A_302 = vector.broadcast %jit3A_301 : i32 to vector<16xi32>
      %select_n3A_303 = arith.select %and3A_298, %sub3A_300, %broadcast_in_dim3A_302 : vector<16xi1>, vector<16xi32>
      %swap3A_304 = arith.constant 0 : index
      %swap3A_305 = tpu.vector_load %arg7[%swap3A_304] {strides = array<i32>} : memref<32xi32, #tpu.memory_space<vmem>>, vector<16xi32>,
      %swap3A_306 = vector.shape_cast %swap3A_305 : vector<16xi32> to vector<16xi32>
      %swap3A_307 = vector.shape_cast %select_n3A_303 : vector<16xi32> to vector<16xi32>
      tpu.vector_store %arg7[%swap3A_304], %swap3A_307 {strides = array<i32>} : memref<32xi32, #tpu.memory_space<vmem>>, vector<16xi32>,
      %jit3A_308 = arith.constant 10000 : i32
      %broadcast_in_dim3A_309 = vector.broadcast %jit3A_308 : i32 to vector<16xi32>
      %select_n3A_310 = arith.select %and3A_298, %get3A_291, %broadcast_in_dim3A_309 : vector<16xi1>, vector<16xi32>
      %swap3A_311 = arith.constant 0 : index
      %swap3A_312 = tpu.vector_load %arg9[%swap3A_311] {strides = array<i32>} : memref<32xi32, #tpu.memory_space<vmem>>, vector<16xi32>,
      %swap3A_313 = vector.shape_cast %swap3A_312 : vector<16xi32> to vector<16xi32>
      %swap3A_314 = vector.shape_cast %select_n3A_310 : vector<16xi32> to vector<16xi32>
      tpu.vector_store %arg9[%swap3A_311], %swap3A_314 {strides = array<i32>} : memref<32xi32, #tpu.memory_space<vmem>>, vector<16xi32>,
      %get3A_315 = arith.constant 144 : index
      %get3A_316 = tpu.vector_load %arg6[%get3A_315] {strides = array<i32>} : memref<512xi32, #tpu.memory_space<vmem>>, vector<16xi32>,
      %get3A_317 = vector.shape_cast %get3A_316 : vector<16xi32> to vector<16xi32>
      %get3A_318 = arith.constant 400 : index
      %get3A_319 = tpu.vector_load %arg6[%get3A_318] {strides = array<i32>} : memref<512xi32, #tpu.memory_space<vmem>>, vector<16xi32>,
      %get3A_320 = vector.shape_cast %get3A_319 : vector<16xi32> to vector<16xi32>
      %ge3A_321 = vector.broadcast %mul3A_0 : i32 to vector<16xi32>
      %ge3A_322 = arith.cmpi sge, %get3A_317, %ge3A_321 : vector<16xi32>
      %add3A_323 = arith.constant 5120 : i32
      %add3A_324 = arith.addi %mul3A_0, %add3A_323 : i32
      %lt3A_325 = vector.broadcast %add3A_324 : i32 to vector<16xi32>
      %lt3A_326 = arith.cmpi slt, %get3A_317, %lt3A_325 : vector<16xi32>
      %and3A_327 = arith.andi %ge3A_322, %lt3A_326 : vector<16xi1>
      %sub3A_328 = vector.broadcast %mul3A_0 : i32 to vector<16xi32>
      %sub3A_329 = arith.subi %get3A_317, %sub3A_328 : vector<16xi32>
      %jit3A_330 = arith.constant 0 : i32
      %broadcast_in_dim3A_331 = vector.broadcast %jit3A_330 : i32 to vector<16xi32>
      %select_n3A_332 = arith.select %and3A_327, %sub3A_329, %broadcast_in_dim3A_331 : vector<16xi1>, vector<16xi32>
      %swap3A_333 = arith.constant 16 : index
      %swap3A_334 = tpu.vector_load %arg7[%swap3A_333] {strides = array<i32>} : memref<32xi32, #tpu.memory_space<vmem>>, vector<16xi32>,
      %swap3A_335 = vector.shape_cast %swap3A_334 : vector<16xi32> to vector<16xi32>
      %swap3A_336 = vector.shape_cast %select_n3A_332 : vector<16xi32> to vector<16xi32>
      tpu.vector_store %arg7[%swap3A_333], %swap3A_336 {strides = array<i32>} : memref<32xi32, #tpu.memory_space<vmem>>, vector<16xi32>,
      %jit3A_337 = arith.constant 10000 : i32
      %broadcast_in_dim3A_338 = vector.broadcast %jit3A_337 : i32 to vector<16xi32>
      %select_n3A_339 = arith.select %and3A_327, %get3A_320, %broadcast_in_dim3A_338 : vector<16xi1>, vector<16xi32>
      %swap3A_340 = arith.constant 16 : index
      %swap3A_341 = tpu.vector_load %arg9[%swap3A_340] {strides = array<i32>} : memref<32xi32, #tpu.memory_space<vmem>>, vector<16xi32>,
      %swap3A_342 = vector.shape_cast %swap3A_341 : vector<16xi32> to vector<16xi32>
      %swap3A_343 = vector.shape_cast %select_n3A_339 : vector<16xi32> to vector<16xi32>
      tpu.vector_store %arg9[%swap3A_340], %swap3A_343 {strides = array<i32>} : memref<32xi32, #tpu.memory_space<vmem>>, vector<16xi32>,
      %dma_start3A_344 = arith.constant 0 : i32
      %dma_start3A_345 = arith.constant 0 : i32
      %dma_start3A_346 = tpu.memref_slice %arg13[%dma_start3A_344, %dma_start3A_345] : memref<5120x128xf32, #tpu.memory_space<vmem_shared>> -> memref<5120x128xf32, #tpu.memory_space<vmem_shared>>
      tpu.enqueue_indirect_dma source(%dma_start3A_346 : memref<5120x128xf32, #tpu.memory_space<vmem_shared>>) target(%arg11 : memref<32x128xf32, #tpu.memory_space<vmem>>) offsets(%arg7 : memref<32xi32, #tpu.memory_space<vmem>>) semaphore(%arg15 : memref<!tpu.dma_semaphore, #tpu.memory_space<semaphore_mem>>)
      %dma_wait3A_347 = arith.constant 0 : i32
      %dma_wait3A_348 = arith.constant 0 : i32
      %dma_wait3A_349 = tpu.memref_slice %arg13[%dma_wait3A_347, %dma_wait3A_348] : memref<5120x128xf32, #tpu.memory_space<vmem_shared>> -> memref<5120x128xf32, #tpu.memory_space<vmem_shared>>
      tpu.wait_indirect_dma semaphore(%arg15 : memref<!tpu.dma_semaphore, #tpu.memory_space<semaphore_mem>>) src(%dma_wait3A_349 : memref<5120x128xf32, #tpu.memory_space<vmem_shared>>) dst(%arg11 : memref<32x128xf32, #tpu.memory_space<vmem>>)
      %dma_start3A_350 = arith.constant 0 : i32
      %dma_start3A_351 = arith.constant 0 : i32
      %dma_start3A_352 = tpu.memref_slice %arg14[%dma_start3A_350, %dma_start3A_351] : memref<10112x128xf32, #tpu.memory_space<vmem_shared>> -> memref<10112x128xf32, #tpu.memory_space<vmem_shared>>
      tpu.enqueue_indirect_dma source(%arg11 : memref<32x128xf32, #tpu.memory_space<vmem>>) target(%dma_start3A_352 : memref<10112x128xf32, #tpu.memory_space<vmem_shared>>) offsets(%arg9 : memref<32xi32, #tpu.memory_space<vmem>>) semaphore(%arg16 : memref<!tpu.dma_semaphore, #tpu.memory_space<semaphore_mem>>) {add = true}
      %dma_wait3A_353 = arith.constant 0 : i32
      %dma_wait3A_354 = arith.constant 0 : i32
      %dma_wait3A_355 = tpu.memref_slice %arg14[%dma_wait3A_353, %dma_wait3A_354] : memref<10112x128xf32, #tpu.memory_space<vmem_shared>> -> memref<10112x128xf32, #tpu.memory_space<vmem_shared>>
      tpu.wait_indirect_dma semaphore(%arg16 : memref<!tpu.dma_semaphore, #tpu.memory_space<semaphore_mem>>) src(%arg12 : memref<32x128xf32, #tpu.memory_space<vmem>>) dst(%dma_wait3A_355 : memref<10112x128xf32, #tpu.memory_space<vmem_shared>>)
      %get3A_356 = arith.constant 160 : index
      %get3A_357 = tpu.vector_load %arg6[%get3A_356] {strides = array<i32>} : memref<512xi32, #tpu.memory_space<vmem>>, vector<16xi32>,
      %get3A_358 = vector.shape_cast %get3A_357 : vector<16xi32> to vector<16xi32>
      %get3A_359 = arith.constant 416 : index
      %get3A_360 = tpu.vector_load %arg6[%get3A_359] {strides = array<i32>} : memref<512xi32, #tpu.memory_space<vmem>>, vector<16xi32>,
      %get3A_361 = vector.shape_cast %get3A_360 : vector<16xi32> to vector<16xi32>
      %ge3A_362 = vector.broadcast %mul3A_0 : i32 to vector<16xi32>
      %ge3A_363 = arith.cmpi sge, %get3A_358, %ge3A_362 : vector<16xi32>
      %add3A_364 = arith.constant 5120 : i32
      %add3A_365 = arith.addi %mul3A_0, %add3A_364 : i32
      %lt3A_366 = vector.broadcast %add3A_365 : i32 to vector<16xi32>
      %lt3A_367 = arith.cmpi slt, %get3A_358, %lt3A_366 : vector<16xi32>
      %and3A_368 = arith.andi %ge3A_363, %lt3A_367 : vector<16xi1>
      %sub3A_369 = vector.broadcast %mul3A_0 : i32 to vector<16xi32>
      %sub3A_370 = arith.subi %get3A_358, %sub3A_369 : vector<16xi32>
      %jit3A_371 = arith.constant 0 : i32
      %broadcast_in_dim3A_372 = vector.broadcast %jit3A_371 : i32 to vector<16xi32>
      %select_n3A_373 = arith.select %and3A_368, %sub3A_370, %broadcast_in_dim3A_372 : vector<16xi1>, vector<16xi32>
      %swap3A_374 = arith.constant 0 : index
      %swap3A_375 = tpu.vector_load %arg8[%swap3A_374] {strides = array<i32>} : memref<32xi32, #tpu.memory_space<vmem>>, vector<16xi32>,
      %swap3A_376 = vector.shape_cast %swap3A_375 : vector<16xi32> to vector<16xi32>
      %swap3A_377 = vector.shape_cast %select_n3A_373 : vector<16xi32> to vector<16xi32>
      tpu.vector_store %arg8[%swap3A_374], %swap3A_377 {strides = array<i32>} : memref<32xi32, #tpu.memory_space<vmem>>, vector<16xi32>,
      %jit3A_378 = arith.constant 10000 : i32
      %broadcast_in_dim3A_379 = vector.broadcast %jit3A_378 : i32 to vector<16xi32>
      %select_n3A_380 = arith.select %and3A_368, %get3A_361, %broadcast_in_dim3A_379 : vector<16xi1>, vector<16xi32>
      %swap3A_381 = arith.constant 0 : index
      %swap3A_382 = tpu.vector_load %arg10[%swap3A_381] {strides = array<i32>} : memref<32xi32, #tpu.memory_space<vmem>>, vector<16xi32>,
      %swap3A_383 = vector.shape_cast %swap3A_382 : vector<16xi32> to vector<16xi32>
      %swap3A_384 = vector.shape_cast %select_n3A_380 : vector<16xi32> to vector<16xi32>
      tpu.vector_store %arg10[%swap3A_381], %swap3A_384 {strides = array<i32>} : memref<32xi32, #tpu.memory_space<vmem>>, vector<16xi32>,
      %get3A_385 = arith.constant 176 : index
      %get3A_386 = tpu.vector_load %arg6[%get3A_385] {strides = array<i32>} : memref<512xi32, #tpu.memory_space<vmem>>, vector<16xi32>,
      %get3A_387 = vector.shape_cast %get3A_386 : vector<16xi32> to vector<16xi32>
      %get3A_388 = arith.constant 432 : index
      %get3A_389 = tpu.vector_load %arg6[%get3A_388] {strides = array<i32>} : memref<512xi32, #tpu.memory_space<vmem>>, vector<16xi32>,
      %get3A_390 = vector.shape_cast %get3A_389 : vector<16xi32> to vector<16xi32>
      %ge3A_391 = vector.broadcast %mul3A_0 : i32 to vector<16xi32>
      %ge3A_392 = arith.cmpi sge, %get3A_387, %ge3A_391 : vector<16xi32>
      %add3A_393 = arith.constant 5120 : i32
      %add3A_394 = arith.addi %mul3A_0, %add3A_393 : i32
      %lt3A_395 = vector.broadcast %add3A_394 : i32 to vector<16xi32>
      %lt3A_396 = arith.cmpi slt, %get3A_387, %lt3A_395 : vector<16xi32>
      %and3A_397 = arith.andi %ge3A_392, %lt3A_396 : vector<16xi1>
      %sub3A_398 = vector.broadcast %mul3A_0 : i32 to vector<16xi32>
      %sub3A_399 = arith.subi %get3A_387, %sub3A_398 : vector<16xi32>
      %jit3A_400 = arith.constant 0 : i32
      %broadcast_in_dim3A_401 = vector.broadcast %jit3A_400 : i32 to vector<16xi32>
      %select_n3A_402 = arith.select %and3A_397, %sub3A_399, %broadcast_in_dim3A_401 : vector<16xi1>, vector<16xi32>
      %swap3A_403 = arith.constant 16 : index
      %swap3A_404 = tpu.vector_load %arg8[%swap3A_403] {strides = array<i32>} : memref<32xi32, #tpu.memory_space<vmem>>, vector<16xi32>,
      %swap3A_405 = vector.shape_cast %swap3A_404 : vector<16xi32> to vector<16xi32>
      %swap3A_406 = vector.shape_cast %select_n3A_402 : vector<16xi32> to vector<16xi32>
      tpu.vector_store %arg8[%swap3A_403], %swap3A_406 {strides = array<i32>} : memref<32xi32, #tpu.memory_space<vmem>>, vector<16xi32>,
      %jit3A_407 = arith.constant 10000 : i32
      %broadcast_in_dim3A_408 = vector.broadcast %jit3A_407 : i32 to vector<16xi32>
      %select_n3A_409 = arith.select %and3A_397, %get3A_390, %broadcast_in_dim3A_408 : vector<16xi1>, vector<16xi32>
      %swap3A_410 = arith.constant 16 : index
      %swap3A_411 = tpu.vector_load %arg10[%swap3A_410] {strides = array<i32>} : memref<32xi32, #tpu.memory_space<vmem>>, vector<16xi32>,
      %swap3A_412 = vector.shape_cast %swap3A_411 : vector<16xi32> to vector<16xi32>
      %swap3A_413 = vector.shape_cast %select_n3A_409 : vector<16xi32> to vector<16xi32>
      tpu.vector_store %arg10[%swap3A_410], %swap3A_413 {strides = array<i32>} : memref<32xi32, #tpu.memory_space<vmem>>, vector<16xi32>,
      %dma_start3A_414 = arith.constant 0 : i32
      %dma_start3A_415 = arith.constant 0 : i32
      %dma_start3A_416 = tpu.memref_slice %arg13[%dma_start3A_414, %dma_start3A_415] : memref<5120x128xf32, #tpu.memory_space<vmem_shared>> -> memref<5120x128xf32, #tpu.memory_space<vmem_shared>>
      tpu.enqueue_indirect_dma source(%dma_start3A_416 : memref<5120x128xf32, #tpu.memory_space<vmem_shared>>) target(%arg12 : memref<32x128xf32, #tpu.memory_space<vmem>>) offsets(%arg8 : memref<32xi32, #tpu.memory_space<vmem>>) semaphore(%arg15 : memref<!tpu.dma_semaphore, #tpu.memory_space<semaphore_mem>>)
      %dma_wait3A_417 = arith.constant 0 : i32
      %dma_wait3A_418 = arith.constant 0 : i32
      %dma_wait3A_419 = tpu.memref_slice %arg13[%dma_wait3A_417, %dma_wait3A_418] : memref<5120x128xf32, #tpu.memory_space<vmem_shared>> -> memref<5120x128xf32, #tpu.memory_space<vmem_shared>>
      tpu.wait_indirect_dma semaphore(%arg15 : memref<!tpu.dma_semaphore, #tpu.memory_space<semaphore_mem>>) src(%dma_wait3A_419 : memref<5120x128xf32, #tpu.memory_space<vmem_shared>>) dst(%arg12 : memref<32x128xf32, #tpu.memory_space<vmem>>)
      %dma_start3A_420 = arith.constant 0 : i32
      %dma_start3A_421 = arith.constant 0 : i32
      %dma_start3A_422 = tpu.memref_slice %arg14[%dma_start3A_420, %dma_start3A_421] : memref<10112x128xf32, #tpu.memory_space<vmem_shared>> -> memref<10112x128xf32, #tpu.memory_space<vmem_shared>>
      tpu.enqueue_indirect_dma source(%arg12 : memref<32x128xf32, #tpu.memory_space<vmem>>) target(%dma_start3A_422 : memref<10112x128xf32, #tpu.memory_space<vmem_shared>>) offsets(%arg10 : memref<32xi32, #tpu.memory_space<vmem>>) semaphore(%arg16 : memref<!tpu.dma_semaphore, #tpu.memory_space<semaphore_mem>>) {add = true}
      %dma_wait3A_423 = arith.constant 0 : i32
      %dma_wait3A_424 = arith.constant 0 : i32
      %dma_wait3A_425 = tpu.memref_slice %arg14[%dma_wait3A_423, %dma_wait3A_424] : memref<10112x128xf32, #tpu.memory_space<vmem_shared>> -> memref<10112x128xf32, #tpu.memory_space<vmem_shared>>
      tpu.wait_indirect_dma semaphore(%arg16 : memref<!tpu.dma_semaphore, #tpu.memory_space<semaphore_mem>>) src(%arg11 : memref<32x128xf32, #tpu.memory_space<vmem>>) dst(%dma_wait3A_425 : memref<10112x128xf32, #tpu.memory_space<vmem_shared>>)
      %get3A_426 = arith.constant 192 : index
      %get3A_427 = tpu.vector_load %arg6[%get3A_426] {strides = array<i32>} : memref<512xi32, #tpu.memory_space<vmem>>, vector<16xi32>,
      %get3A_428 = vector.shape_cast %get3A_427 : vector<16xi32> to vector<16xi32>
      %get3A_429 = arith.constant 448 : index
      %get3A_430 = tpu.vector_load %arg6[%get3A_429] {strides = array<i32>} : memref<512xi32, #tpu.memory_space<vmem>>, vector<16xi32>,
      %get3A_431 = vector.shape_cast %get3A_430 : vector<16xi32> to vector<16xi32>
      %ge3A_432 = vector.broadcast %mul3A_0 : i32 to vector<16xi32>
      %ge3A_433 = arith.cmpi sge, %get3A_428, %ge3A_432 : vector<16xi32>
      %add3A_434 = arith.constant 5120 : i32
      %add3A_435 = arith.addi %mul3A_0, %add3A_434 : i32
      %lt3A_436 = vector.broadcast %add3A_435 : i32 to vector<16xi32>
      %lt3A_437 = arith.cmpi slt, %get3A_428, %lt3A_436 : vector<16xi32>
      %and3A_438 = arith.andi %ge3A_433, %lt3A_437 : vector<16xi1>
      %sub3A_439 = vector.broadcast %mul3A_0 : i32 to vector<16xi32>
      %sub3A_440 = arith.subi %get3A_428, %sub3A_439 : vector<16xi32>
      %jit3A_441 = arith.constant 0 : i32
      %broadcast_in_dim3A_442 = vector.broadcast %jit3A_441 : i32 to vector<16xi32>
      %select_n3A_443 = arith.select %and3A_438, %sub3A_440, %broadcast_in_dim3A_442 : vector<16xi1>, vector<16xi32>
      %swap3A_444 = arith.constant 0 : index
      %swap3A_445 = tpu.vector_load %arg7[%swap3A_444] {strides = array<i32>} : memref<32xi32, #tpu.memory_space<vmem>>, vector<16xi32>,
      %swap3A_446 = vector.shape_cast %swap3A_445 : vector<16xi32> to vector<16xi32>
      %swap3A_447 = vector.shape_cast %select_n3A_443 : vector<16xi32> to vector<16xi32>
      tpu.vector_store %arg7[%swap3A_444], %swap3A_447 {strides = array<i32>} : memref<32xi32, #tpu.memory_space<vmem>>, vector<16xi32>,
      %jit3A_448 = arith.constant 10000 : i32
      %broadcast_in_dim3A_449 = vector.broadcast %jit3A_448 : i32 to vector<16xi32>
      %select_n3A_450 = arith.select %and3A_438, %get3A_431, %broadcast_in_dim3A_449 : vector<16xi1>, vector<16xi32>
      %swap3A_451 = arith.constant 0 : index
      %swap3A_452 = tpu.vector_load %arg9[%swap3A_451] {strides = array<i32>} : memref<32xi32, #tpu.memory_space<vmem>>, vector<16xi32>,
      %swap3A_453 = vector.shape_cast %swap3A_452 : vector<16xi32> to vector<16xi32>
      %swap3A_454 = vector.shape_cast %select_n3A_450 : vector<16xi32> to vector<16xi32>
      tpu.vector_store %arg9[%swap3A_451], %swap3A_454 {strides = array<i32>} : memref<32xi32, #tpu.memory_space<vmem>>, vector<16xi32>,
      %get3A_455 = arith.constant 208 : index
      %get3A_456 = tpu.vector_load %arg6[%get3A_455] {strides = array<i32>} : memref<512xi32, #tpu.memory_space<vmem>>, vector<16xi32>,
      %get3A_457 = vector.shape_cast %get3A_456 : vector<16xi32> to vector<16xi32>
      %get3A_458 = arith.constant 464 : index
      %get3A_459 = tpu.vector_load %arg6[%get3A_458] {strides = array<i32>} : memref<512xi32, #tpu.memory_space<vmem>>, vector<16xi32>,
      %get3A_460 = vector.shape_cast %get3A_459 : vector<16xi32> to vector<16xi32>
      %ge3A_461 = vector.broadcast %mul3A_0 : i32 to vector<16xi32>
      %ge3A_462 = arith.cmpi sge, %get3A_457, %ge3A_461 : vector<16xi32>
      %add3A_463 = arith.constant 5120 : i32
      %add3A_464 = arith.addi %mul3A_0, %add3A_463 : i32
      %lt3A_465 = vector.broadcast %add3A_464 : i32 to vector<16xi32>
      %lt3A_466 = arith.cmpi slt, %get3A_457, %lt3A_465 : vector<16xi32>
      %and3A_467 = arith.andi %ge3A_462, %lt3A_466 : vector<16xi1>
      %sub3A_468 = vector.broadcast %mul3A_0 : i32 to vector<16xi32>
      %sub3A_469 = arith.subi %get3A_457, %sub3A_468 : vector<16xi32>
      %jit3A_470 = arith.constant 0 : i32
      %broadcast_in_dim3A_471 = vector.broadcast %jit3A_470 : i32 to vector<16xi32>
      %select_n3A_472 = arith.select %and3A_467, %sub3A_469, %broadcast_in_dim3A_471 : vector<16xi1>, vector<16xi32>
      %swap3A_473 = arith.constant 16 : index
      %swap3A_474 = tpu.vector_load %arg7[%swap3A_473] {strides = array<i32>} : memref<32xi32, #tpu.memory_space<vmem>>, vector<16xi32>,
      %swap3A_475 = vector.shape_cast %swap3A_474 : vector<16xi32> to vector<16xi32>
      %swap3A_476 = vector.shape_cast %select_n3A_472 : vector<16xi32> to vector<16xi32>
      tpu.vector_store %arg7[%swap3A_473], %swap3A_476 {strides = array<i32>} : memref<32xi32, #tpu.memory_space<vmem>>, vector<16xi32>,
      %jit3A_477 = arith.constant 10000 : i32
      %broadcast_in_dim3A_478 = vector.broadcast %jit3A_477 : i32 to vector<16xi32>
      %select_n3A_479 = arith.select %and3A_467, %get3A_460, %broadcast_in_dim3A_478 : vector<16xi1>, vector<16xi32>
      %swap3A_480 = arith.constant 16 : index
      %swap3A_481 = tpu.vector_load %arg9[%swap3A_480] {strides = array<i32>} : memref<32xi32, #tpu.memory_space<vmem>>, vector<16xi32>,
      %swap3A_482 = vector.shape_cast %swap3A_481 : vector<16xi32> to vector<16xi32>
      %swap3A_483 = vector.shape_cast %select_n3A_479 : vector<16xi32> to vector<16xi32>
      tpu.vector_store %arg9[%swap3A_480], %swap3A_483 {strides = array<i32>} : memref<32xi32, #tpu.memory_space<vmem>>, vector<16xi32>,
      %dma_start3A_484 = arith.constant 0 : i32
      %dma_start3A_485 = arith.constant 0 : i32
      %dma_start3A_486 = tpu.memref_slice %arg13[%dma_start3A_484, %dma_start3A_485] : memref<5120x128xf32, #tpu.memory_space<vmem_shared>> -> memref<5120x128xf32, #tpu.memory_space<vmem_shared>>
      tpu.enqueue_indirect_dma source(%dma_start3A_486 : memref<5120x128xf32, #tpu.memory_space<vmem_shared>>) target(%arg11 : memref<32x128xf32, #tpu.memory_space<vmem>>) offsets(%arg7 : memref<32xi32, #tpu.memory_space<vmem>>) semaphore(%arg15 : memref<!tpu.dma_semaphore, #tpu.memory_space<semaphore_mem>>)
      %dma_wait3A_487 = arith.constant 0 : i32
      %dma_wait3A_488 = arith.constant 0 : i32
      %dma_wait3A_489 = tpu.memref_slice %arg13[%dma_wait3A_487, %dma_wait3A_488] : memref<5120x128xf32, #tpu.memory_space<vmem_shared>> -> memref<5120x128xf32, #tpu.memory_space<vmem_shared>>
      tpu.wait_indirect_dma semaphore(%arg15 : memref<!tpu.dma_semaphore, #tpu.memory_space<semaphore_mem>>) src(%dma_wait3A_489 : memref<5120x128xf32, #tpu.memory_space<vmem_shared>>) dst(%arg11 : memref<32x128xf32, #tpu.memory_space<vmem>>)
      %dma_start3A_490 = arith.constant 0 : i32
      %dma_start3A_491 = arith.constant 0 : i32
      %dma_start3A_492 = tpu.memref_slice %arg14[%dma_start3A_490, %dma_start3A_491] : memref<10112x128xf32, #tpu.memory_space<vmem_shared>> -> memref<10112x128xf32, #tpu.memory_space<vmem_shared>>
      tpu.enqueue_indirect_dma source(%arg11 : memref<32x128xf32, #tpu.memory_space<vmem>>) target(%dma_start3A_492 : memref<10112x128xf32, #tpu.memory_space<vmem_shared>>) offsets(%arg9 : memref<32xi32, #tpu.memory_space<vmem>>) semaphore(%arg16 : memref<!tpu.dma_semaphore, #tpu.memory_space<semaphore_mem>>) {add = true}
      %dma_wait3A_493 = arith.constant 0 : i32
      %dma_wait3A_494 = arith.constant 0 : i32
      %dma_wait3A_495 = tpu.memref_slice %arg14[%dma_wait3A_493, %dma_wait3A_494] : memref<10112x128xf32, #tpu.memory_space<vmem_shared>> -> memref<10112x128xf32, #tpu.memory_space<vmem_shared>>
      tpu.wait_indirect_dma semaphore(%arg16 : memref<!tpu.dma_semaphore, #tpu.memory_space<semaphore_mem>>) src(%arg12 : memref<32x128xf32, #tpu.memory_space<vmem>>) dst(%dma_wait3A_495 : memref<10112x128xf32, #tpu.memory_space<vmem_shared>>)
      %get3A_496 = arith.constant 224 : index
      %get3A_497 = tpu.vector_load %arg6[%get3A_496] {strides = array<i32>} : memref<512xi32, #tpu.memory_space<vmem>>, vector<16xi32>,
      %get3A_498 = vector.shape_cast %get3A_497 : vector<16xi32> to vector<16xi32>
      %get3A_499 = arith.constant 480 : index
      %get3A_500 = tpu.vector_load %arg6[%get3A_499] {strides = array<i32>} : memref<512xi32, #tpu.memory_space<vmem>>, vector<16xi32>,
      %get3A_501 = vector.shape_cast %get3A_500 : vector<16xi32> to vector<16xi32>
      %ge3A_502 = vector.broadcast %mul3A_0 : i32 to vector<16xi32>
      %ge3A_503 = arith.cmpi sge, %get3A_498, %ge3A_502 : vector<16xi32>
      %add3A_504 = arith.constant 5120 : i32
      %add3A_505 = arith.addi %mul3A_0, %add3A_504 : i32
      %lt3A_506 = vector.broadcast %add3A_505 : i32 to vector<16xi32>
      %lt3A_507 = arith.cmpi slt, %get3A_498, %lt3A_506 : vector<16xi32>
      %and3A_508 = arith.andi %ge3A_503, %lt3A_507 : vector<16xi1>
      %sub3A_509 = vector.broadcast %mul3A_0 : i32 to vector<16xi32>
      %sub3A_510 = arith.subi %get3A_498, %sub3A_509 : vector<16xi32>
      %jit3A_511 = arith.constant 0 : i32
      %broadcast_in_dim3A_512 = vector.broadcast %jit3A_511 : i32 to vector<16xi32>
      %select_n3A_513 = arith.select %and3A_508, %sub3A_510, %broadcast_in_dim3A_512 : vector<16xi1>, vector<16xi32>
      %swap3A_514 = arith.constant 0 : index
      %swap3A_515 = tpu.vector_load %arg8[%swap3A_514] {strides = array<i32>} : memref<32xi32, #tpu.memory_space<vmem>>, vector<16xi32>,
      %swap3A_516 = vector.shape_cast %swap3A_515 : vector<16xi32> to vector<16xi32>
      %swap3A_517 = vector.shape_cast %select_n3A_513 : vector<16xi32> to vector<16xi32>
      tpu.vector_store %arg8[%swap3A_514], %swap3A_517 {strides = array<i32>} : memref<32xi32, #tpu.memory_space<vmem>>, vector<16xi32>,
      %jit3A_518 = arith.constant 10000 : i32
      %broadcast_in_dim3A_519 = vector.broadcast %jit3A_518 : i32 to vector<16xi32>
      %select_n3A_520 = arith.select %and3A_508, %get3A_501, %broadcast_in_dim3A_519 : vector<16xi1>, vector<16xi32>
      %swap3A_521 = arith.constant 0 : index
      %swap3A_522 = tpu.vector_load %arg10[%swap3A_521] {strides = array<i32>} : memref<32xi32, #tpu.memory_space<vmem>>, vector<16xi32>,
      %swap3A_523 = vector.shape_cast %swap3A_522 : vector<16xi32> to vector<16xi32>
      %swap3A_524 = vector.shape_cast %select_n3A_520 : vector<16xi32> to vector<16xi32>
      tpu.vector_store %arg10[%swap3A_521], %swap3A_524 {strides = array<i32>} : memref<32xi32, #tpu.memory_space<vmem>>, vector<16xi32>,
      %get3A_525 = arith.constant 240 : index
      %get3A_526 = tpu.vector_load %arg6[%get3A_525] {strides = array<i32>} : memref<512xi32, #tpu.memory_space<vmem>>, vector<16xi32>,
      %get3A_527 = vector.shape_cast %get3A_526 : vector<16xi32> to vector<16xi32>
      %get3A_528 = arith.constant 496 : index
      %get3A_529 = tpu.vector_load %arg6[%get3A_528] {strides = array<i32>} : memref<512xi32, #tpu.memory_space<vmem>>, vector<16xi32>,
      %get3A_530 = vector.shape_cast %get3A_529 : vector<16xi32> to vector<16xi32>
      %ge3A_531 = vector.broadcast %mul3A_0 : i32 to vector<16xi32>
      %ge3A_532 = arith.cmpi sge, %get3A_527, %ge3A_531 : vector<16xi32>
      %add3A_533 = arith.constant 5120 : i32
      %add3A_534 = arith.addi %mul3A_0, %add3A_533 : i32
      %lt3A_535 = vector.broadcast %add3A_534 : i32 to vector<16xi32>
      %lt3A_536 = arith.cmpi slt, %get3A_527, %lt3A_535 : vector<16xi32>
      %and3A_537 = arith.andi %ge3A_532, %lt3A_536 : vector<16xi1>
      %sub3A_538 = vector.broadcast %mul3A_0 : i32 to vector<16xi32>
      %sub3A_539 = arith.subi %get3A_527, %sub3A_538 : vector<16xi32>
      %jit3A_540 = arith.constant 0 : i32
      %broadcast_in_dim3A_541 = vector.broadcast %jit3A_540 : i32 to vector<16xi32>
      %select_n3A_542 = arith.select %and3A_537, %sub3A_539, %broadcast_in_dim3A_541 : vector<16xi1>, vector<16xi32>
      %swap3A_543 = arith.constant 16 : index
      %swap3A_544 = tpu.vector_load %arg8[%swap3A_543] {strides = array<i32>} : memref<32xi32, #tpu.memory_space<vmem>>, vector<16xi32>,
      %swap3A_545 = vector.shape_cast %swap3A_544 : vector<16xi32> to vector<16xi32>
      %swap3A_546 = vector.shape_cast %select_n3A_542 : vector<16xi32> to vector<16xi32>
      tpu.vector_store %arg8[%swap3A_543], %swap3A_546 {strides = array<i32>} : memref<32xi32, #tpu.memory_space<vmem>>, vector<16xi32>,
      %jit3A_547 = arith.constant 10000 : i32
      %broadcast_in_dim3A_548 = vector.broadcast %jit3A_547 : i32 to vector<16xi32>
      %select_n3A_549 = arith.select %and3A_537, %get3A_530, %broadcast_in_dim3A_548 : vector<16xi1>, vector<16xi32>
      %swap3A_550 = arith.constant 16 : index
      %swap3A_551 = tpu.vector_load %arg10[%swap3A_550] {strides = array<i32>} : memref<32xi32, #tpu.memory_space<vmem>>, vector<16xi32>,
      %swap3A_552 = vector.shape_cast %swap3A_551 : vector<16xi32> to vector<16xi32>
      %swap3A_553 = vector.shape_cast %select_n3A_549 : vector<16xi32> to vector<16xi32>
      tpu.vector_store %arg10[%swap3A_550], %swap3A_553 {strides = array<i32>} : memref<32xi32, #tpu.memory_space<vmem>>, vector<16xi32>,
      %dma_start3A_554 = arith.constant 0 : i32
      %dma_start3A_555 = arith.constant 0 : i32
      %dma_start3A_556 = tpu.memref_slice %arg13[%dma_start3A_554, %dma_start3A_555] : memref<5120x128xf32, #tpu.memory_space<vmem_shared>> -> memref<5120x128xf32, #tpu.memory_space<vmem_shared>>
      tpu.enqueue_indirect_dma source(%dma_start3A_556 : memref<5120x128xf32, #tpu.memory_space<vmem_shared>>) target(%arg12 : memref<32x128xf32, #tpu.memory_space<vmem>>) offsets(%arg8 : memref<32xi32, #tpu.memory_space<vmem>>) semaphore(%arg15 : memref<!tpu.dma_semaphore, #tpu.memory_space<semaphore_mem>>)
      %dma_wait3A_557 = arith.constant 0 : i32
      %dma_wait3A_558 = arith.constant 0 : i32
      %dma_wait3A_559 = tpu.memref_slice %arg13[%dma_wait3A_557, %dma_wait3A_558] : memref<5120x128xf32, #tpu.memory_space<vmem_shared>> -> memref<5120x128xf32, #tpu.memory_space<vmem_shared>>
      tpu.wait_indirect_dma semaphore(%arg15 : memref<!tpu.dma_semaphore, #tpu.memory_space<semaphore_mem>>) src(%dma_wait3A_559 : memref<5120x128xf32, #tpu.memory_space<vmem_shared>>) dst(%arg12 : memref<32x128xf32, #tpu.memory_space<vmem>>)
      %dma_start3A_560 = arith.constant 0 : i32
      %dma_start3A_561 = arith.constant 0 : i32
      %dma_start3A_562 = tpu.memref_slice %arg14[%dma_start3A_560, %dma_start3A_561] : memref<10112x128xf32, #tpu.memory_space<vmem_shared>> -> memref<10112x128xf32, #tpu.memory_space<vmem_shared>>
      tpu.enqueue_indirect_dma source(%arg12 : memref<32x128xf32, #tpu.memory_space<vmem>>) target(%dma_start3A_562 : memref<10112x128xf32, #tpu.memory_space<vmem_shared>>) offsets(%arg10 : memref<32xi32, #tpu.memory_space<vmem>>) semaphore(%arg16 : memref<!tpu.dma_semaphore, #tpu.memory_space<semaphore_mem>>) {add = true}
      %dma_wait3A_563 = arith.constant 0 : i32
      %dma_wait3A_564 = arith.constant 0 : i32
      %dma_wait3A_565 = tpu.memref_slice %arg14[%dma_wait3A_563, %dma_wait3A_564] : memref<10112x128xf32, #tpu.memory_space<vmem_shared>> -> memref<10112x128xf32, #tpu.memory_space<vmem_shared>>
      tpu.wait_indirect_dma semaphore(%arg16 : memref<!tpu.dma_semaphore, #tpu.memory_space<semaphore_mem>>) src(%arg11 : memref<32x128xf32, #tpu.memory_space<vmem>>) dst(%dma_wait3A_565 : memref<10112x128xf32, #tpu.memory_space<vmem_shared>>)
      %dma_wait3A_566 = arith.constant 0 : i32
      %dma_wait3A_567 = arith.constant 0 : i32
      %dma_wait3A_568 = tpu.memref_slice %arg14[%dma_wait3A_566, %dma_wait3A_567] : memref<10112x128xf32, #tpu.memory_space<vmem_shared>> -> memref<10112x128xf32, #tpu.memory_space<vmem_shared>>
      tpu.wait_indirect_dma semaphore(%arg16 : memref<!tpu.dma_semaphore, #tpu.memory_space<semaphore_mem>>) src(%arg12 : memref<32x128xf32, #tpu.memory_space<vmem>>) dst(%dma_wait3A_568 : memref<10112x128xf32, #tpu.memory_space<vmem_shared>>)
    }
    %scan3A_13 = arith.constant 80 : i32
    %barrier3A_14 = arith.constant 0 : index
    tpu.barrier barrier_id(%barrier3A_14)
    %mul3A_15 = arith.constant 632 : i32
    %mul3A_16 = arith.muli %arg1, %mul3A_15 : i32
    %mul3A_17 = arith.constant 632 : i32
    %mul3A_18 = arith.muli %arg1, %mul3A_17 : i32
    "tpu.region"() ({
      %run_scoped3A = tpu.sem_alloc : memref<!tpu.dma_semaphore, #tpu.memory_space<semaphore_mem>>
      %dma_start3A = arith.constant 0 : i32
      %dma_start3A_19 = tpu.memref_slice %arg5[%arg0, %mul3A_18, %dma_start3A] : memref<2x10112x128xf32, #tpu.memory_space<hbm>> -> memref<1x632x128xf32, #tpu.memory_space<hbm>>
      %dma_start3A_20 = tpu.memref_squeeze %dma_start3A_19 : memref<1x632x128xf32, #tpu.memory_space<hbm>> -> memref<632x128xf32, #tpu.memory_space<hbm>>
      %dma_start3A_21 = arith.constant 0 : i32
      %dma_start3A_22 = tpu.memref_slice %arg14[%mul3A_16, %dma_start3A_21] : memref<10112x128xf32, #tpu.memory_space<vmem_shared>> -> memref<632x128xf32, #tpu.memory_space<vmem_shared>>
      tpu.enqueue_dma source(%dma_start3A_22 : memref<632x128xf32, #tpu.memory_space<vmem_shared>>) target(%dma_start3A_20 : memref<632x128xf32, #tpu.memory_space<hbm>>) target_semaphore(%run_scoped3A : memref<!tpu.dma_semaphore, #tpu.memory_space<semaphore_mem>>)
      %dma_wait3A = arith.constant 0 : i32
      %dma_wait3A_23 = tpu.memref_slice %arg5[%arg0, %mul3A_18, %dma_wait3A] : memref<2x10112x128xf32, #tpu.memory_space<hbm>> -> memref<1x632x128xf32, #tpu.memory_space<hbm>>
      %dma_wait3A_24 = tpu.memref_squeeze %dma_wait3A_23 : memref<1x632x128xf32, #tpu.memory_space<hbm>> -> memref<632x128xf32, #tpu.memory_space<hbm>>
      %dma_wait3A_25 = arith.constant 0 : i32
      %dma_wait3A_26 = tpu.memref_slice %arg14[%mul3A_16, %dma_wait3A_25] : memref<10112x128xf32, #tpu.memory_space<vmem_shared>> -> memref<632x128xf32, #tpu.memory_space<vmem_shared>>
      tpu.wait_dma2 semaphore(%run_scoped3A : memref<!tpu.dma_semaphore, #tpu.memory_space<semaphore_mem>>) src(%dma_wait3A_26 : memref<632x128xf32, #tpu.memory_space<vmem_shared>>) dst(%dma_wait3A_24 : memref<632x128xf32, #tpu.memory_space<hbm>>)
      tpu.yield
    }) : () -> ()
    return
  }
}

module attributes {stable_mosaic.version = 14 : i64} {
  func.func @_k_dinv_hs(%arg0: i32, %arg1: memref<2x1264x1xf32, #tpu.memory_space<vmem>>, %arg2: memref<1264x128xf32, #tpu.memory_space<vmem>>, %arg3: memref<128x128xf32, #tpu.memory_space<vmem>>, %arg4: memref<1264x1xf32, #tpu.memory_space<vmem>>, %arg5: memref<1264x128xf32, #tpu.memory_space<vmem>>) attributes {dimension_semantics = [#tpu.dimension_semantics<arbitrary>], iteration_bounds = array<i64: 8>, scalar_prefetch = 0 : i64, scratch_operands = 0 : i64, tpu.core_type = #tpu.core_type<tc>, window_params = [{transform_indices = @transform_0, window_bounds = array<i64: 2, 1264, 1>}, {transform_indices = @transform_1, window_bounds = array<i64: 1264, 128>}, {pipeline_mode = #tpu.pipeline_mode<synchronous>, transform_indices = @transform_2, window_bounds = array<i64: 128, 128>}, {transform_indices = @transform_3, window_bounds = array<i64: 1264, 1>}, {transform_indices = @transform_4, window_bounds = array<i64: 1264, 128>}]} {
    %get3A = arith.constant 0 : index
    %get3A_0 = arith.constant 0 : index
    %get3A_1 = arith.constant 0 : index
    %get3A_2 = vector.load %arg1[%get3A, %get3A_0, %get3A_1] : memref<2x1264x1xf32, #tpu.memory_space<vmem>>, vector<1x1264x1xf32>
    %get3A_3 = vector.shape_cast %get3A_2 : vector<1x1264x1xf32> to vector<1264x1xf32>
    %add3A = arith.constant 1.000000e+00 : f32
    %add3A_4 = vector.broadcast %add3A : f32 to vector<1264x1xf32>
    %add3A_5 = arith.addf %add3A_4, %get3A_3 : vector<1264x1xf32>
    %get3A_6 = arith.constant 1 : index
    %get3A_7 = arith.constant 0 : index
    %get3A_8 = arith.constant 0 : index
    %get3A_9 = vector.load %arg1[%get3A_6, %get3A_7, %get3A_8] : memref<2x1264x1xf32, #tpu.memory_space<vmem>>, vector<1x1264x1xf32>
    %get3A_10 = vector.shape_cast %get3A_9 : vector<1x1264x1xf32> to vector<1264x1xf32>
    %add3A_11 = arith.addf %add3A_5, %get3A_10 : vector<1264x1xf32>
    %rsqrt3A = math.rsqrt %add3A_11 : vector<1264x1xf32>
    %swap3A = arith.constant 0 : index
    %swap3A_12 = arith.constant 0 : index
    %swap3A_13 = vector.load %arg4[%swap3A, %swap3A_12] : memref<1264x1xf32, #tpu.memory_space<vmem>>, vector<1264x1xf32>
    tpu.vector_store %arg4[%swap3A, %swap3A_12], %rsqrt3A {strides = array<i32>} : memref<1264x1xf32, #tpu.memory_space<vmem>>, vector<1264x1xf32>,
    %get3A_14 = arith.constant 0 : index
    %get3A_15 = arith.constant 0 : index
    %get3A_16 = vector.load %arg2[%get3A_14, %get3A_15] : memref<1264x128xf32, #tpu.memory_space<vmem>>, vector<1264x128xf32>
    %get3A_17 = arith.constant 0 : index
    %get3A_18 = arith.constant 0 : index
    %get3A_19 = vector.load %arg3[%get3A_17, %get3A_18] : memref<128x128xf32, #tpu.memory_space<vmem>>, vector<128x128xf32>
    %dot_general3A = arith.constant dense<0.000000e+00> : vector<1264x128xf32>
    %dot_general3A_20 = tpu.matmul %get3A_16, %get3A_19, %dot_general3A {dimension_numbers = #tpu.dot_dimension_numbers<[1], [0], [0], [1], [0, 0, 1, 1], [], []>, transpose_lhs_hint = false} : vector<1264x128xf32>, vector<128x128xf32>, vector<1264x128xf32> -> vector<1264x128xf32>
    %mul3A = vector.broadcast %rsqrt3A : vector<1264x1xf32> to vector<1264x128xf32>
    %mul3A_21 = arith.mulf %dot_general3A_20, %mul3A : vector<1264x128xf32>
    %swap3A_22 = arith.constant 0 : index
    %swap3A_23 = arith.constant 0 : index
    %swap3A_24 = vector.load %arg5[%swap3A_22, %swap3A_23] : memref<1264x128xf32, #tpu.memory_space<vmem>>, vector<1264x128xf32>
    tpu.vector_store %arg5[%swap3A_22, %swap3A_23], %mul3A_21 {strides = array<i32>} : memref<1264x128xf32, #tpu.memory_space<vmem>>, vector<1264x128xf32>,
    return
  }
  func.func @transform_0(%arg0: i32) -> (i32, i32, i32) {
    %c0_i32 = arith.constant 0 : i32
    %c0_i32_0 = arith.constant 0 : i32
    %c0_i32_1 = arith.constant 0 : i32
    return %c0_i32, %arg0, %c0_i32_0 : i32, i32, i32
  }
  func.func @transform_1(%arg0: i32) -> (i32, i32) {
    %c0_i32 = arith.constant 0 : i32
    %c0_i32_0 = arith.constant 0 : i32
    return %arg0, %c0_i32 : i32, i32
  }
  func.func @transform_2(%arg0: i32) -> (i32, i32) {
    %c0_i32 = arith.constant 0 : i32
    %c0_i32_0 = arith.constant 0 : i32
    %c0_i32_1 = arith.constant 0 : i32
    return %c0_i32, %c0_i32_0 : i32, i32
  }
  func.func @transform_3(%arg0: i32) -> (i32, i32) {
    %c0_i32 = arith.constant 0 : i32
    %c0_i32_0 = arith.constant 0 : i32
    return %arg0, %c0_i32 : i32, i32
  }
  func.func @transform_4(%arg0: i32) -> (i32, i32) {
    %c0_i32 = arith.constant 0 : i32
    %c0_i32_0 = arith.constant 0 : i32
    return %arg0, %c0_i32 : i32, i32
  }
}

module attributes {stable_mosaic.version = 14 : i64} {
  func.func @_k_layer_mid(%arg0: i32, %arg1: memref<2x1264x128xf32, #tpu.memory_space<vmem>>, %arg2: memref<1264x128xf32, #tpu.memory_space<vmem>>, %arg3: memref<1264x1xf32, #tpu.memory_space<vmem>>, %arg4: memref<1x128xf32, #tpu.memory_space<vmem>>, %arg5: memref<128x128xf32, #tpu.memory_space<vmem>>, %arg6: memref<1264x128xf32, #tpu.memory_space<vmem>>) attributes {dimension_semantics = [#tpu.dimension_semantics<arbitrary>], iteration_bounds = array<i64: 8>, scalar_prefetch = 0 : i64, scratch_operands = 0 : i64, tpu.core_type = #tpu.core_type<tc>, window_params = [{transform_indices = @transform_0, window_bounds = array<i64: 2, 1264, 128>}, {transform_indices = @transform_1, window_bounds = array<i64: 1264, 128>}, {transform_indices = @transform_2, window_bounds = array<i64: 1264, 1>}, {pipeline_mode = #tpu.pipeline_mode<synchronous>, transform_indices = @transform_3, window_bounds = array<i64: 1, 128>}, {pipeline_mode = #tpu.pipeline_mode<synchronous>, transform_indices = @transform_4, window_bounds = array<i64: 128, 128>}, {transform_indices = @transform_5, window_bounds = array<i64: 1264, 128>}]} {
    %get3A = arith.constant 0 : index
    %get3A_0 = arith.constant 0 : index
    %get3A_1 = arith.constant 0 : index
    %get3A_2 = vector.load %arg1[%get3A, %get3A_0, %get3A_1] : memref<2x1264x128xf32, #tpu.memory_space<vmem>>, vector<1x1264x128xf32>
    %get3A_3 = vector.shape_cast %get3A_2 : vector<1x1264x128xf32> to vector<1264x128xf32>
    %get3A_4 = arith.constant 1 : index
    %get3A_5 = arith.constant 0 : index
    %get3A_6 = arith.constant 0 : index
    %get3A_7 = vector.load %arg1[%get3A_4, %get3A_5, %get3A_6] : memref<2x1264x128xf32, #tpu.memory_space<vmem>>, vector<1x1264x128xf32>
    %get3A_8 = vector.shape_cast %get3A_7 : vector<1x1264x128xf32> to vector<1264x128xf32>
    %add3A = arith.addf %get3A_3, %get3A_8 : vector<1264x128xf32>
    %get3A_9 = arith.constant 0 : index
    %get3A_10 = arith.constant 0 : index
    %get3A_11 = vector.load %arg2[%get3A_9, %get3A_10] : memref<1264x128xf32, #tpu.memory_space<vmem>>, vector<1264x128xf32>
    %add3A_12 = arith.addf %add3A, %get3A_11 : vector<1264x128xf32>
    %get3A_13 = arith.constant 0 : index
    %get3A_14 = arith.constant 0 : index
    %get3A_15 = vector.load %arg3[%get3A_13, %get3A_14] : memref<1264x1xf32, #tpu.memory_space<vmem>>, vector<1264x1xf32>
    %mul3A = vector.broadcast %get3A_15 : vector<1264x1xf32> to vector<1264x128xf32>
    %mul3A_16 = arith.mulf %add3A_12, %mul3A : vector<1264x128xf32>
    %get3A_17 = arith.constant 0 : index
    %get3A_18 = arith.constant 0 : index
    %get3A_19 = vector.load %arg4[%get3A_17, %get3A_18] : memref<1x128xf32, #tpu.memory_space<vmem>>, vector<1x128xf32>
    %add3A_20 = vector.broadcast %get3A_19 : vector<1x128xf32> to vector<1264x128xf32>
    %add3A_21 = arith.addf %mul3A_16, %add3A_20 : vector<1264x128xf32>
    %max3A = arith.constant 0.000000e+00 : f32
    %max3A_22 = vector.broadcast %max3A : f32 to vector<1264x128xf32>
    %max3A_23 = arith.maximumf %add3A_21, %max3A_22 : vector<1264x128xf32>
    %get3A_24 = arith.constant 0 : index
    %get3A_25 = arith.constant 0 : index
    %get3A_26 = vector.load %arg5[%get3A_24, %get3A_25] : memref<128x128xf32, #tpu.memory_space<vmem>>, vector<128x128xf32>
    %dot_general3A = arith.constant dense<0.000000e+00> : vector<1264x128xf32>
    %dot_general3A_27 = tpu.matmul %max3A_23, %get3A_26, %dot_general3A {dimension_numbers = #tpu.dot_dimension_numbers<[1], [0], [0], [1], [0, 0, 1, 1], [], []>, transpose_lhs_hint = false} : vector<1264x128xf32>, vector<128x128xf32>, vector<1264x128xf32> -> vector<1264x128xf32>
    %get3A_28 = arith.constant 0 : index
    %get3A_29 = arith.constant 0 : index
    %get3A_30 = vector.load %arg3[%get3A_28, %get3A_29] : memref<1264x1xf32, #tpu.memory_space<vmem>>, vector<1264x1xf32>
    %mul3A_31 = vector.broadcast %get3A_30 : vector<1264x1xf32> to vector<1264x128xf32>
    %mul3A_32 = arith.mulf %dot_general3A_27, %mul3A_31 : vector<1264x128xf32>
    %swap3A = arith.constant 0 : index
    %swap3A_33 = arith.constant 0 : index
    %swap3A_34 = vector.load %arg6[%swap3A, %swap3A_33] : memref<1264x128xf32, #tpu.memory_space<vmem>>, vector<1264x128xf32>
    tpu.vector_store %arg6[%swap3A, %swap3A_33], %mul3A_32 {strides = array<i32>} : memref<1264x128xf32, #tpu.memory_space<vmem>>, vector<1264x128xf32>,
    return
  }
  func.func @transform_0(%arg0: i32) -> (i32, i32, i32) {
    %c0_i32 = arith.constant 0 : i32
    %c0_i32_0 = arith.constant 0 : i32
    %c0_i32_1 = arith.constant 0 : i32
    return %c0_i32, %arg0, %c0_i32_0 : i32, i32, i32
  }
  func.func @transform_1(%arg0: i32) -> (i32, i32) {
    %c0_i32 = arith.constant 0 : i32
    %c0_i32_0 = arith.constant 0 : i32
    return %arg0, %c0_i32 : i32, i32
  }
  func.func @transform_2(%arg0: i32) -> (i32, i32) {
    %c0_i32 = arith.constant 0 : i32
    %c0_i32_0 = arith.constant 0 : i32
    return %arg0, %c0_i32 : i32, i32
  }
  func.func @transform_3(%arg0: i32) -> (i32, i32) {
    %c0_i32 = arith.constant 0 : i32
    %c0_i32_0 = arith.constant 0 : i32
    %c0_i32_1 = arith.constant 0 : i32
    return %c0_i32, %c0_i32_0 : i32, i32
  }
  func.func @transform_4(%arg0: i32) -> (i32, i32) {
    %c0_i32 = arith.constant 0 : i32
    %c0_i32_0 = arith.constant 0 : i32
    %c0_i32_1 = arith.constant 0 : i32
    return %c0_i32, %c0_i32_0 : i32, i32
  }
  func.func @transform_5(%arg0: i32) -> (i32, i32) {
    %c0_i32 = arith.constant 0 : i32
    %c0_i32_0 = arith.constant 0 : i32
    return %arg0, %c0_i32 : i32, i32
  }
}

module attributes {stable_mosaic.version = 14 : i64} {
  func.func @_k_layer_out(%arg0: i32, %arg1: memref<2x1264x128xf32, #tpu.memory_space<vmem>>, %arg2: memref<1264x128xf32, #tpu.memory_space<vmem>>, %arg3: memref<1264x1xf32, #tpu.memory_space<vmem>>, %arg4: memref<1x128xf32, #tpu.memory_space<vmem>>, %arg5: memref<1264x128xf32, #tpu.memory_space<vmem>>) attributes {dimension_semantics = [#tpu.dimension_semantics<arbitrary>], iteration_bounds = array<i64: 8>, scalar_prefetch = 0 : i64, scratch_operands = 0 : i64, tpu.core_type = #tpu.core_type<tc>, window_params = [{transform_indices = @transform_0, window_bounds = array<i64: 2, 1264, 128>}, {transform_indices = @transform_1, window_bounds = array<i64: 1264, 128>}, {transform_indices = @transform_2, window_bounds = array<i64: 1264, 1>}, {pipeline_mode = #tpu.pipeline_mode<synchronous>, transform_indices = @transform_3, window_bounds = array<i64: 1, 128>}, {transform_indices = @transform_4, window_bounds = array<i64: 1264, 128>}]} {
    %get3A = arith.constant 0 : index
    %get3A_0 = arith.constant 0 : index
    %get3A_1 = arith.constant 0 : index
    %get3A_2 = vector.load %arg1[%get3A, %get3A_0, %get3A_1] : memref<2x1264x128xf32, #tpu.memory_space<vmem>>, vector<1x1264x128xf32>
    %get3A_3 = vector.shape_cast %get3A_2 : vector<1x1264x128xf32> to vector<1264x128xf32>
    %get3A_4 = arith.constant 1 : index
    %get3A_5 = arith.constant 0 : index
    %get3A_6 = arith.constant 0 : index
    %get3A_7 = vector.load %arg1[%get3A_4, %get3A_5, %get3A_6] : memref<2x1264x128xf32, #tpu.memory_space<vmem>>, vector<1x1264x128xf32>
    %get3A_8 = vector.shape_cast %get3A_7 : vector<1x1264x128xf32> to vector<1264x128xf32>
    %add3A = arith.addf %get3A_3, %get3A_8 : vector<1264x128xf32>
    %get3A_9 = arith.constant 0 : index
    %get3A_10 = arith.constant 0 : index
    %get3A_11 = vector.load %arg2[%get3A_9, %get3A_10] : memref<1264x128xf32, #tpu.memory_space<vmem>>, vector<1264x128xf32>
    %add3A_12 = arith.addf %add3A, %get3A_11 : vector<1264x128xf32>
    %get3A_13 = arith.constant 0 : index
    %get3A_14 = arith.constant 0 : index
    %get3A_15 = vector.load %arg3[%get3A_13, %get3A_14] : memref<1264x1xf32, #tpu.memory_space<vmem>>, vector<1264x1xf32>
    %mul3A = vector.broadcast %get3A_15 : vector<1264x1xf32> to vector<1264x128xf32>
    %mul3A_16 = arith.mulf %add3A_12, %mul3A : vector<1264x128xf32>
    %get3A_17 = arith.constant 0 : index
    %get3A_18 = arith.constant 0 : index
    %get3A_19 = vector.load %arg4[%get3A_17, %get3A_18] : memref<1x128xf32, #tpu.memory_space<vmem>>, vector<1x128xf32>
    %add3A_20 = vector.broadcast %get3A_19 : vector<1x128xf32> to vector<1264x128xf32>
    %add3A_21 = arith.addf %mul3A_16, %add3A_20 : vector<1264x128xf32>
    %swap3A = arith.constant 0 : index
    %swap3A_22 = arith.constant 0 : index
    %swap3A_23 = vector.load %arg5[%swap3A, %swap3A_22] : memref<1264x128xf32, #tpu.memory_space<vmem>>, vector<1264x128xf32>
    tpu.vector_store %arg5[%swap3A, %swap3A_22], %add3A_21 {strides = array<i32>} : memref<1264x128xf32, #tpu.memory_space<vmem>>, vector<1264x128xf32>,
    return
  }
  func.func @transform_0(%arg0: i32) -> (i32, i32, i32) {
    %c0_i32 = arith.constant 0 : i32
    %c0_i32_0 = arith.constant 0 : i32
    %c0_i32_1 = arith.constant 0 : i32
    return %c0_i32, %arg0, %c0_i32_0 : i32, i32, i32
  }
  func.func @transform_1(%arg0: i32) -> (i32, i32) {
    %c0_i32 = arith.constant 0 : i32
    %c0_i32_0 = arith.constant 0 : i32
    return %arg0, %c0_i32 : i32, i32
  }
  func.func @transform_2(%arg0: i32) -> (i32, i32) {
    %c0_i32 = arith.constant 0 : i32
    %c0_i32_0 = arith.constant 0 : i32
    return %arg0, %c0_i32 : i32, i32
  }
  func.func @transform_3(%arg0: i32) -> (i32, i32) {
    %c0_i32 = arith.constant 0 : i32
    %c0_i32_0 = arith.constant 0 : i32
    %c0_i32_1 = arith.constant 0 : i32
    return %c0_i32, %c0_i32_0 : i32, i32
  }
  func.func @transform_4(%arg0: i32) -> (i32, i32) {
    %c0_i32 = arith.constant 0 : i32
    %c0_i32_0 = arith.constant 0 : i32
    return %arg0, %c0_i32 : i32, i32
  }
}

</mosaic_0001>

<sc_bundles>
// kernel: kernel.11.cloned.1.call-start
scs
__scs_entry_jumppad:
0x0: {  	(pc) =	sbr.rel $0x88, $3  }
0x1: {  	(tag) =	ssettag $0x0;
	lr =	simm.s32 $0x1  }
0x2: {  	[smem:$0x3F9B] =	sst lr;
	_ =	strace $0xD0000000  }
0x3: {  	_ = 	snop  }
0x4: {  	_ = 	snop  }
0x5: {  	_ = 	snop  }
0x6: {  	_ = 	snop  }
0x7: {  	_ = 	snop  }
__scs_overlays_trampoline_lowered:
0x8: {  	[smem:$0x3FAA] =	sst s0  }
0x9: {  	[smem:$0x3FAB] =	sst s1  }
0xa: {  	[smem:$0x3FAC] =	sst s2  }
0xb: {  	[smem:$0x3FAD] =	sst s3  }
0xc: {  	[smem:$0x3FAE] =	sst s4  }
0xd: {  	[smem:$0x3FAF] =	sst s5  }
0xe: {  	[smem:$0x3FB0] =	sst s6  }
0xf: {  	[smem:$0x3FB1] =	sst s7  }
0x10: {  	[smem:$0x3FB2] =	sst s8  }
0x11: {  	[smem:$0x3FB3] =	sst s9;
	s0 =	simm.s32 @!p0 $0x0  }
0x12: {  	s1 =	sld [smem:$0x3F99];
	s0 =	simm.s32 @p0 $0x1  }
0x13: {  	[smem:$0x3FB4] =	sst s0;
	s0 =	simm.s32 @!p1 $0x0  }
0x14: {  	s2 =	sld [smem:$0x3F98];
	s0 =	simm.s32 @p1 $0x1  }
0x15: {  	[smem:$0x3FB5] =	sst s0;
	s0 =	simm.s32 @!p2 $0x0  }
0x16: {  	s3 =	sld [smem:$0x3FDB];
	s0 =	simm.s32 @p2 $0x1  }
0x17: {  	s4 =	simm.s32 $0x1BF5;
	[smem:$0x3FB7] =	sst s0  }
0x18: {  	s0 =	sld [smem:$0x3F9A];
	_ =	swait.ge [sflag:s4], $0x0  }
0x19: {  	s7 =	sld [smem:$0x3F9B]  }
0x1a: {  	s8 =	sadd.s32 $0xFFFFE003, lr  }
0x1b: {  	s9 =	sadd.s32 $0xFFFFFEF7, lr;
	s5 =	simm.s32 $0xFFFFFFFF;
	p2 =	slt.u32 s8, $0xFFFFF086  }
0x1c: {  	p1 =	slt.u32 s9, $0xF7A;
	s5 =	simm.s32 @!p2 $0x0  }
0x1d: {  	s5 =	simm.s32 @p1 $0x1;
	p0 =	seq.s32 s7, s2  }
0x1e: {  	s7 =	smul.u32 @!p0 $0xF7A, s2;
	p2 =	seq.s32 @!p0 s5, $0x0  }
0x1f: {  	s9 =	smul.u32 $0xF7A, s1;
	s8 =	simm.s32 @!p0 $0x1BF5;
	p2 =	por !p2, p0  }
0x20: {  	[sflag:s8] =	ssyncset.s32 @!p0 $0xFFFFF086;
	s6 =	sadd.s32 @!p0 s3, s7;
	s7 =	simm.s32 @!p0 $0x108  }
0x21: {  	s3 =	sadd.s32 s3, s9;
	s6 =	sadd.s32 @!p0 $0x88, s6;
	s7 =	simm.s32 @p2 $0x1082  }
0x22: {  	[simem:s7], [sflag:s8] =	dma.local @!p0 [hbm:s6], $0xF7A  }
0x23: {  	s9 =	sor.u32 $0xD0000000, s2;
	s6 =	simm.s32 $0x108;
	_ =	swait.ge @!p0 [sflag:s8], $0x0  }
0x24: {  	s3 =	sadd.s32 $0x88, s3;
	s6 =	simm.s32 @!p1 $0x1082;
	[sflag:s4] =	ssyncset.s32 $0xFFFFF086  }
0x25: {  	[simem:s6], [sflag:s4] =	dma.local [hbm:s3], $0xF7A  }
0x26: {  	[smem:$0x3F9B] =	sst s1;
	(tag) =	ssettag s2;
	_ =	strace s9  }
0x27: {  	s1 =	sld [smem:$0x3FAB]  }
0x28: {  	s2 =	sld [smem:$0x3FAC]  }
0x29: {  	s4 =	sld [smem:$0x3FAE]  }
0x2a: {  	p0 =	seq.s32 s5, $0x0;
	s5 =	sld [smem:$0x3FAF]  }
0x2b: {  	s6 =	sld [smem:$0x3FB0]  }
0x2c: {  	s7 =	sld [smem:$0x3FB1]  }
0x2d: {  	s3 =	simm.s32 $0x108;
	s8 =	sld [smem:$0x3FB2]  }
0x2e: {  	s3 =	simm.s32 @!p0 $0x1082;
	s9 =	sld [smem:$0x3FB3]  }
0x2f: {  	lr =	sadd.s32 s0, s3;
	s0 =	sld [smem:$0x3FAA]  }
0x30: {  	s3 =	sld [smem:$0x3FAD]  }
0x31: {  	[smem:$0x3FB6] =	sst s10  }
0x32: {  	s10 =	sld [smem:$0x3FB4];
	_ =	sdelay $0x3  }
0x33: {  	p0 =	seq.s32 s10, $0x1;
	s10 =	sld [smem:$0x3FB6];
	_ =	sdelay $0x3  }
0x34: {  	[smem:$0x3FB6] =	sst s10  }
0x35: {  	s10 =	sld [smem:$0x3FB5];
	_ =	sdelay $0x3  }
0x36: {  	p1 =	seq.s32 s10, $0x1;
	s10 =	sld [smem:$0x3FB6];
	_ =	sdelay $0x3  }
0x37: {  	[smem:$0x3FB6] =	sst s10  }
0x38: {  	s10 =	sld [smem:$0x3FB7]  }
0x39: {  	_ = 	snop;
	(pc) =	sbr.ind lr, $3  }
0x3a: {  	_ = 	snop  }
0x3b: {  	_ = 	snop  }
0x3c: {  	p2 =	seq.s32 s10, $0x1;
	s10 =	sld [smem:$0x3FB6]  }
0x3d: {  	_ =	shalt  }
0x3e: {  	_ =	shalt  }
0x3f: {  	_ =	shalt  }
0x40: {  	_ =	shalt  }
0x41: {  	_ =	shalt  }
0x42: {  	_ =	shalt  }
0x43: {  	_ =	shalt  }
0x44: {  	_ =	shalt  }
0x45: {  	_ =	shalt  }
0x46: {  	_ =	shalt  }
0x47: {  	_ =	shalt  }
0x48: {  	_ =	shalt  }
0x49: {  	_ =	shalt  }
0x4a: {  	_ =	shalt  }
0x4b: {  	_ =	shalt  }
0x4c: {  	_ =	shalt  }
0x4d: {  	_ =	shalt  }
0x4e: {  	_ =	shalt  }
0x4f: {  	_ =	shalt  }
0x50: {  	_ =	shalt  }
0x51: {  	_ =	shalt  }
0x52: {  	_ =	shalt  }
0x53: {  	_ =	shalt  }
0x54: {  	_ =	shalt  }
0x55: {  	_ =	shalt  }
0x56: {  	_ =	shalt  }
0x57: {  	_ =	shalt  }
0x58: {  	_ =	shalt  }
0x59: {  	_ =	shalt  }
0x5a: {  	_ =	shalt  }
0x5b: {  	_ =	shalt  }
0x5c: {  	_ =	shalt  }
0x5d: {  	_ =	shalt  }
0x5e: {  	_ =	shalt  }
0x5f: {  	_ =	shalt  }
0x60: {  	_ =	shalt  }
0x61: {  	_ =	shalt  }
0x62: {  	_ =	shalt  }
0x63: {  	_ =	shalt  }
0x64: {  	_ =	shalt  }
0x65: {  	_ =	shalt  }
0x66: {  	_ =	shalt  }
0x67: {  	_ =	shalt  }
0x68: {  	_ =	shalt  }
0x69: {  	_ =	shalt  }
0x6a: {  	_ =	shalt  }
0x6b: {  	_ =	shalt  }
0x6c: {  	_ =	shalt  }
0x6d: {  	_ =	shalt  }
0x6e: {  	_ =	shalt  }
0x6f: {  	_ =	shalt  }
0x70: {  	_ =	shalt  }
0x71: {  	_ =	shalt  }
0x72: {  	_ =	shalt  }
0x73: {  	_ =	shalt  }
0x74: {  	_ =	shalt  }
0x75: {  	_ =	shalt  }
0x76: {  	_ =	shalt  }
0x77: {  	_ =	shalt  }
0x78: {  	_ =	shalt  }
0x79: {  	_ =	shalt  }
0x7a: {  	_ =	shalt  }
0x7b: {  	_ =	shalt  }
0x7c: {  	_ =	shalt  }
0x7d: {  	_ =	shalt  }
0x7e: {  	_ =	shalt  }
0x7f: {  	_ =	shalt  }
0x80: {  	_ =	shalt  }
0x81: {  	_ =	shalt  }
0x82: {  	_ =	shalt  }
0x83: {  	_ =	shalt  }
0x84: {  	_ =	shalt  }
0x85: {  	_ =	shalt  }
0x86: {  	_ =	shalt  }
0x87: {  	_ =	shalt  }
.Lfunc_end0:
.L_simem_size_0:
called_computation.1_lowered:
.L_overlay_start_0:
0x88: {  	s2 =	sld [smem:$0x3FD9]  }
0x89: {  	s3 =	sld [smem:$0x3FFE];
	_ =	sdelay $0x1  }
0x8a: {  	s1 =	srdreg.scid  }
0x8b: {  	s0 =	sand.u32 $0x1, s1  }
0x8c: {  	s14 =	sshll.u32 s0, $0xA;
	s2 =	sadd.s32 s3, s2  }
0x8d: {  	s2 =	sadd.s32 s2, s14  }
0x8e: {  	[smem:$0x3FC2] =	sst s2  }
0x8f: {  	_ = 	snop  }
0x90: {  	s2 =	sld [smem:$0x3FD0];
	_ =	sdelay $0x2  }
0x91: {  	s15 =	simm.s32 $0xA;
	s4 =	simm.s32 $0x10  }
0x92: {  	[smem:s4], [sflag:s15] =	dma.local [hbm:s2], $0x1  }
0x93: {  	_ =	swait.eq [sflag:s15], $0x1  }
0x94: {  	[sflag:s15] =	ssyncset.done $0x0  }
0x95: {  	[sflag:s15] =	ssyncadd.s32 $0xFFFFFFFF  }
0x96: {  	s16 =	sld [smem:$0x10];
	(tm) =	ssettm $0x1  }
0x97: {  	s17 =	sld [smem:$0x3FFB];
	_ =	sdelay $0x3  }
0x98: {  	_ =	strace s17  }
0x99: {  	s3 =	sld [smem:$0x3FFC];
	_ =	sdelay $0x3  }
0x9a: {  	_ =	strace s3  }
0x9b: {  	s3 =	sld [smem:$0x3FFD];
	_ =	sdelay $0x3  }
0x9c: {  	_ =	strace s3  }
0x9d: {  	_ =	strace $0x8FFFFFFF  }
0x9e: {  	s18 =	sld [smem:$0x3FDB];
	_ =	sdelay $0x1  }
0x9f: {  	s19 =	simm.s32 $_scs_section_size  }
0xa0: {  	s5 =	simm.s32 $_size__tile_overlayer_lowered;
	s6 =	simm.s32 $_tile_overlayer_lowered  }
0xa1: {  	s22 =	simm.s32 $0x1BFF;
	s21 =	sshll.u32 s6, $0x1;
	s3 =	sadd.s32 s19, s18  }
0xa2: {  	s7 =	simm.s32 $0x0;
	s20 =	sshll.u32 s5, $0x1;
	s5 =	sadd.s32 s21, s3  }
0xa3: {  	[timem:s7], [sflag:s22] =	dma.local [hbm:s5], s20  }
0xa4: {  	_ =	swait.ge [sflag:s22], s20  }
0xa5: {  	s4 =	ssub.s32 $0x0, s20;
	[sflag:s22] =	ssyncset.done $0x0  }
0xa6: {  	[sflag:s22] =	ssyncadd.s32 s4;
	_ =	sdelay $0x1  }
0xa7: {  	s23 =	simm.s32 $0x1B8B  }
0xa8: {  	_ =	swait.ge [sflag:s23], $0x1  }
0xa9: {  	[sflag:s23] =	ssyncset.done $0x0  }
0xaa: {  	s25 =	simm.s32 $0x1B8E;
	s24 =	sld [smem:$0x3FFE];
	[sflag:s23] =	ssyncadd.s32 $0xFFFFFFFF  }
0xab: {  	s26 =	simm.s32 $execute0_lowered;
	[smem:$0x3FD2] =	sst s25  }
0xac: {  	s5 =	sshll.u32 s26, $0x1;
	_ =	strace $0x80000049;
	[dreg:$0x1] =	wrdreg $0xFFFFFFFF  }
0xad: {  	s28 =	simm.s32 $_size_execute0_lowered;
	s3 =	sadd.s32 s3, s5;
	[dreg:$0x0] =	wrdreg $0x0  }
0xae: {  	s5 =	sshll.u32 s28, $0x1;
	[dreg:$0x2] =	wrdreg s3  }
0xaf: {  	[dreg:$0x3] =	wrdreg s5  }
0xb0: {  	[dreg:$0x4] =	wrdreg $0xC0  }
0xb1: {  	_ =	task [dreg:s7], $0x5FFFF  }
0xb2: {  	[dreg:$0x1] =	wrdreg $0xFFFFFFFF  }
0xb3: {  	[dreg:$0x0] =	wrdreg $0x60  }
0xb4: {  	[dreg:$0x2] =	wrdreg s24  }
0xb5: {  	[dreg:$0x3] =	wrdreg s16  }
0xb6: {  	[dreg:$0x4] =	wrdreg $0x24000  }
0xb7: {  	[dreg:$0x5] =	wrdreg $0xC4000  }
0xb8: {  	[dreg:$0x6] =	wrdreg $0x9  }
0xb9: {  	_ =	task.clear_ibuf [dreg:s7], $0x7FFFF;
	_ =	strace $0x90000049  }
0xba: {  	s29 =	simm.s32 $0x9;
	_ =	strace $0x8000004B  }
0xbb: {  	_ =	swait.ge [sflag:s29], $0x1  }
0xbc: {  	[sflag:s29] =	ssyncadd.s32 $0xFFFFFFFF  }
0xbd: {  	_ =	strace $0x9000004B  }
0xbe: {  	_ =	sfence  }
0xbf: {  	s30 =	sld [smem:$0x0];
	_ =	sdelay $0x2  }
0xc0: {  	s31 =	sshll.u32 s1, $0xD;
	s1 =	sshrl.u32 s1, $0x2  }
0xc1: {  	s3 =	sand.u32 $0x4000, s31;
	s1 =	sadd.s32 s1, s30  }
0xc2: {  	s0 =	sor.u32 s3, s0;
	s1 =	sshll.u32 s1, $0x11  }
0xc3: {  	s0 =	sor.u32 s1, s0  }
0xc4: {  	s0 =	sadd.s32 $0x8F2B, s0  }
0xc5: {  	[sflag:s0] =	ssyncadd.remote.s32 $0x1  }
0xc6: {  	_ =	sfence.sel $0xFFFF  }
0xc7: {  	[dreg:$0x0] =	wrdreg $0xFFFFFFFF;
	(pc) =	sbr.abs _section_cstart, $3  }
0xc8: {  	[dreg:$0x1] =	wrdreg $0xFFFFFFFF  }
0xc9: {  	_ =	task.clear_ibuf [dreg:s7], $0x2FFFF;
	_ =	strace $0x9FFFFFFF  }
0xca: {  	(tm) =	ssettm $0x7FFFFFFF  }
0xcb: {  	_ =	shalt  }
tec
execute0_lowered:
.L_overlay_start_1:
0x0: {  	(tag) =	ssettag $0x1  }
0x1: {  	s6 =	rddreg [dreg:$0x0]  }
0x2: {  	s1 =	rddreg [dreg:$0x1]  }
0x3: {  	s3 =	rddreg [dreg:$0x2]  }
0x4: {  	s4 =	rddreg [dreg:$0x3]  }
0x5: {  	s0 =	srdreg.scid;
	s2 =	rddreg [dreg:$0x4]  }
0x6: {  	s5 =	simm.s32 $0x0;
	s17 =	simm.s32 $0x20;
	s7 =	sand.u32 $0x1, s0  }
0x7: {  	s18 =	simm.s32 $0x200;
	s0 =	stileid.u32;
	s23 =	smul.u32 $0x1400, s7  }
0x8: {  	s19 =	simm.s32 $0x1;
	s20 =	simm.s32 $0x300;
	s8 =	smul.u32 $0x140, s0  }
0x9: {  	s21 =	simm.s32 $0x280;
	s22 =	simm.s32 $0x1400;
	s9 =	smul.u32 $0x13C00, s0  }
0xa: {  	s25 =	simm.s32 $0x0;
	[smem:$0x7FF] =	sst s5;
	s10 =	smul.u32 $0x13C000, s7  }
0xb: {  	_ =	strace $0x8000004A;
	s29 =	smul.u32 $0x4F000, s0;
	s7 =	ssub.s32 $0x2, s7  }
0xc: {  	s13 =	smul.u32 $0x28000, s0;
	s30 =	sshll.u32 s0, $0x6;
	s12 =	sshrl.u32 s7, $0x1  }
0xd: {  	s8 =	sadd.s32 s8, s23;
	s11 =	sshrl.u32 s9, $0x3;
	s9 =	sadd.s32 s9, s10  }
0xe: {  	s10 =	sshrl.u32 s29, $0x2;
	s12 =	ssub.s32 s7, s12;
	s31 =	sshrl.u32 s13, $0x2  }
0xf: {  	s7 =	sor.u32 $0x1C03, s30;
	s24 =	sadd.s32 $0x1400, s23;
	s13 =	simm.s32 $0x3  }
0x10: {  	v0 =	vmov s23;
	s23 =	simm.s32 $0x380;
	s8 =	sshll.u32 s8, $0x4;
	s11 =	sadd.s32 s11, s6  }
0x11: {  	s9 =	sshrl.u32 s9, $0x3;
	s15 =	sadd.s32 s10, s4;
	s16 =	sadd.s32 s31, s3  }
0x12: {  	v1 =	vmov s24;
	s24 =	simm.s32 $0x2;
	s8 =	sadd.s32 s8, s6;
	s14 =	sadd.s32 s9, s6  }
0x13: {  	s6 =	sadd.s32 $0x29400, s11;
	s9 =	smul.u32 $0xA000, s0;
	s11 =	smax.u32 s12, $0x1  }
0x14: {  	s12 =	sshrl.u32 s15, $0x3;
	s15 =	simm.s32 $0x80;
	s8 =	sadd.s32 $0x1400, s8  }
0x15: {  	s10 =	sadd.s32 $0x50C00, s14;
	s14 =	sshrl.u32 s16, $0x3;
	s16 =	simm.s32 $0x400  }
.LBB2_1:
0x16: {  	[spmem:s12], [sflag:s7] =	dma.local [hbm:s6], $0x2780  }
0x17: {  	_ =	swait.ge [sflag:s13], $0x2780  }
0x18: {  	[sflag:s13] =	ssyncset.done $0x0  }
0x19: {  	s26 =	sand.u32 $0xF000, s5;
	[sflag:s13] =	ssyncadd.s32 $0xFFFFD880  }
0x1a: {  	[spmem:s14], [sflag:s7] =	dma.local [hbm:s8], $0x1400  }
0x1b: {  	s28 =	sand.u32 $0x380, s5;
	s26 =	sadd.s32 s9, s26;
	_ =	swait.ge [sflag:s13], $0x1400  }
0x1c: {  	s26 =	sor.u32 s28, s26;
	[sflag:s13] =	ssyncset.done $0x0  }
0x1d: {  	s26 =	sshrl.u32 s26, $0x3;
	[sflag:s13] =	ssyncadd.s32 $0xFFFFEC00  }
0x1e: {  	s26 =	sadd.s32 s1, s26;
	[bflag:$0x0] =	sbarrier.arrive $0xFFFF  }
0x1f: {  	[tilespmem:s5], [sflag:$0x3] =	stream.strided.gather [hbm4b:s26+s15], $0x200, s16, s15, $0x38;
	v63 =	vld [tilespmem:$0x0]  }
0x20: {  	_ =	swait.ge [sflag:s13], $0x200  }
0x21: {  	[sflag:s13] =	ssyncset.done $0x0  }
0x22: {  	[sflag:s13] =	ssyncadd.s32 $0xFFFFFE00  }
0x23: {  	v2 =	vld [tilespmem:$0x0]  }
0x24: {  	v3 =	vld [tilespmem:$0x10];
	_ =	sdelay $0x2  }
0x25: {  	v4 =	vld [tilespmem:$0x110]  }
0x26: {  	v5 =	vld [tilespmem:$0x100];
	vm0 =	vge.s32 v2, v0;
	vm1 =	vlt.s32 v2, v1;
	v2 =	vsub.s32 v2, v0  }
0x27: {  	vm7 =	vge.s32 v3, v0;
	vm2 =	vlt.s32 v3, v1;
	vm0 =	vmand vm0, vm1  }
0x28: {  	v3 =	vsub.s32 v3, v0;
	vm1 =	vmand vm7, vm2;
	v2 =	vnsel vm0, $0x0, v2  }
0x29: {  	v3 =	vnsel vm1, $0x0, v3;
	[tilespmem:$0x200] =	vst v2  }
0x2a: {  	v2 =	vnsel vm1, $0x2710, v4;
	[tilespmem:$0x210] =	vst v3  }
0x2b: {  	[tilespmem:$0x310] =	vst v2;
	v2 =	vnsel vm0, $0x2710, v5  }
0x2c: {  	[tilespmem:$0x300] =	vst v2  }
0x2d: {  	[tilespmem:s16], [sflag:$0x1] =	stream.indirect.gather [spmem:s3], $0x80, s18, s17, $0xb8;
	v63 =	vld [tilespmem:$0x0]  }
0x2e: {  	_ =	swait.ge [sflag:s19], $0x1000  }
0x2f: {  	[sflag:s19] =	ssyncset.done $0x0  }
0x30: {  	[sflag:s19] =	ssyncadd.s32 $0xFFFFF000  }
0x31: {  	[spmem:s4] =	stream.indirect.scatter.add.f32 [tilespmem:s16], [sflag:$0x2], $0x80, s20, s17, $0xb8;
	v63 =	vld [tilespmem:$0x0]  }
0x32: {  	v2 =	vld [tilespmem:$0x20]  }
0x33: {  	v3 =	vld [tilespmem:$0x30];
	_ =	sdelay $0x2  }
0x34: {  	v4 =	vld [tilespmem:$0x120]  }
0x35: {  	v5 =	vld [tilespmem:$0x130];
	vm8 =	vge.s32 v2, v0;
	vm9 =	vlt.s32 v2, v1;
	v2 =	vsub.s32 v2, v0  }
0x36: {  	vm10 =	vge.s32 v3, v0;
	vm11 =	vlt.s32 v3, v1;
	vm0 =	vmand vm8, vm9  }
0x37: {  	v3 =	vsub.s32 v3, v0;
	vm1 =	vmand vm10, vm11;
	v2 =	vnsel vm0, $0x0, v2  }
0x38: {  	v3 =	vnsel vm1, $0x0, v3;
	[tilespmem:$0x280] =	vst v2  }
0x39: {  	v2 =	vnsel vm0, $0x2710, v4;
	[tilespmem:$0x290] =	vst v3  }
0x3a: {  	[tilespmem:$0x380] =	vst v2;
	v2 =	vnsel vm1, $0x2710, v5  }
0x3b: {  	[tilespmem:$0x390] =	vst v2  }
0x3c: {  	[tilespmem:s22], [sflag:$0x1] =	stream.indirect.gather [spmem:s3], $0x80, s21, s17, $0xb8;
	v63 =	vld [tilespmem:$0x0]  }
0x3d: {  	_ =	swait.ge [sflag:s19], $0x1000  }
0x3e: {  	[sflag:s19] =	ssyncset.done $0x0  }
0x3f: {  	[sflag:s19] =	ssyncadd.s32 $0xFFFFF000  }
0x40: {  	[spmem:s4] =	stream.indirect.scatter.add.f32 [tilespmem:s22], [sflag:$0x2], $0x80, s23, s17, $0xb8;
	v63 =	vld [tilespmem:$0x0]  }
0x41: {  	_ =	swait.ge [sflag:s24], $0x1000  }
0x42: {  	[sflag:s24] =	ssyncset.done $0x0  }
0x43: {  	[sflag:s24] =	ssyncadd.s32 $0xFFFFF000  }
0x44: {  	v2 =	vld [tilespmem:$0x40]  }
0x45: {  	v3 =	vld [tilespmem:$0x50];
	_ =	sdelay $0x2  }
0x46: {  	v4 =	vld [tilespmem:$0x140]  }
0x47: {  	v5 =	vld [tilespmem:$0x150];
	vm12 =	vge.s32 v2, v0;
	vm13 =	vlt.s32 v2, v1;
	v2 =	vsub.s32 v2, v0  }
0x48: {  	vm14 =	vge.s32 v3, v0;
	vm15 =	vlt.s32 v3, v1;
	vm0 =	vmand vm12, vm13  }
0x49: {  	v3 =	vsub.s32 v3, v0;
	vm1 =	vmand vm14, vm15;
	v2 =	vnsel vm0, $0x0, v2  }
0x4a: {  	[tilespmem:$0x200] =	vst v2;
	v2 =	vnsel vm1, $0x0, v3  }
0x4b: {  	v3 =	vnsel vm0, $0x2710, v4;
	[tilespmem:$0x210] =	vst v2  }
0x4c: {  	v2 =	vnsel vm1, $0x2710, v5;
	[tilespmem:$0x300] =	vst v3  }
0x4d: {  	[tilespmem:$0x310] =	vst v2  }
0x4e: {  	[tilespmem:s16], [sflag:$0x1] =	stream.indirect.gather [spmem:s3], $0x80, s18, s17, $0xb8;
	v63 =	vld [tilespmem:$0x0]  }
0x4f: {  	_ =	swait.ge [sflag:s19], $0x1000  }
0x50: {  	[sflag:s19] =	ssyncset.done $0x0  }
0x51: {  	[sflag:s19] =	ssyncadd.s32 $0xFFFFF000  }
0x52: {  	[spmem:s4] =	stream.indirect.scatter.add.f32 [tilespmem:s16], [sflag:$0x2], $0x80, s20, s17, $0xb8;
	v63 =	vld [tilespmem:$0x0]  }
0x53: {  	_ =	swait.ge [sflag:s24], $0x1000  }
0x54: {  	[sflag:s24] =	ssyncset.done $0x0  }
0x55: {  	[sflag:s24] =	ssyncadd.s32 $0xFFFFF000  }
0x56: {  	v2 =	vld [tilespmem:$0x60]  }
0x57: {  	v3 =	vld [tilespmem:$0x70];
	_ =	sdelay $0x2  }
0x58: {  	v4 =	vld [tilespmem:$0x160]  }
0x59: {  	v5 =	vld [tilespmem:$0x170];
	vm4 =	vge.s32 v2, v0;
	vm5 =	vlt.s32 v2, v1;
	v2 =	vsub.s32 v2, v0  }
0x5a: {  	vm6 =	vge.s32 v3, v0;
	vm7 =	vlt.s32 v3, v1;
	vm0 =	vmand vm4, vm5  }
0x5b: {  	v3 =	vsub.s32 v3, v0;
	vm1 =	vmand vm6, vm7;
	v2 =	vnsel vm0, $0x0, v2  }
0x5c: {  	[tilespmem:$0x280] =	vst v2;
	v2 =	vnsel vm1, $0x0, v3  }
0x5d: {  	v3 =	vnsel vm0, $0x2710, v4;
	[tilespmem:$0x290] =	vst v2  }
0x5e: {  	v2 =	vnsel vm1, $0x2710, v5;
	[tilespmem:$0x380] =	vst v3  }
0x5f: {  	[tilespmem:$0x390] =	vst v2  }
0x60: {  	[tilespmem:s22], [sflag:$0x1] =	stream.indirect.gather [spmem:s3], $0x80, s21, s17, $0xb8;
	v63 =	vld [tilespmem:$0x0]  }
0x61: {  	_ =	swait.ge [sflag:s19], $0x1000  }
0x62: {  	[sflag:s19] =	ssyncset.done $0x0  }
0x63: {  	[sflag:s19] =	ssyncadd.s32 $0xFFFFF000  }
0x64: {  	[spmem:s4] =	stream.indirect.scatter.add.f32 [tilespmem:s22], [sflag:$0x2], $0x80, s23, s17, $0xb8;
	v63 =	vld [tilespmem:$0x0]  }
0x65: {  	_ =	swait.ge [sflag:s24], $0x1000  }
0x66: {  	[sflag:s24] =	ssyncset.done $0x0  }
0x67: {  	[sflag:s24] =	ssyncadd.s32 $0xFFFFF000  }
0x68: {  	v2 =	vld [tilespmem:$0x80]  }
0x69: {  	v3 =	vld [tilespmem:$0x90];
	_ =	sdelay $0x2  }
0x6a: {  	v4 =	vld [tilespmem:$0x180]  }
0x6b: {  	v5 =	vld [tilespmem:$0x190];
	vm8 =	vge.s32 v2, v0;
	vm9 =	vlt.s32 v2, v1;
	v2 =	vsub.s32 v2, v0  }
0x6c: {  	vm10 =	vge.s32 v3, v0;
	vm11 =	vlt.s32 v3, v1;
	vm0 =	vmand vm8, vm9  }
0x6d: {  	v3 =	vsub.s32 v3, v0;
	vm1 =	vmand vm10, vm11;
	v2 =	vnsel vm0, $0x0, v2  }
0x6e: {  	v3 =	vnsel vm1, $0x0, v3;
	[tilespmem:$0x200] =	vst v2  }
0x6f: {  	v2 =	vnsel vm0, $0x2710, v4;
	[tilespmem:$0x210] =	vst v3  }
0x70: {  	[tilespmem:$0x300] =	vst v2;
	v2 =	vnsel vm1, $0x2710, v5  }
0x71: {  	[tilespmem:$0x310] =	vst v2  }
0x72: {  	[tilespmem:s16], [sflag:$0x1] =	stream.indirect.gather [spmem:s3], $0x80, s18, s17, $0xb8;
	v63 =	vld [tilespmem:$0x0]  }
0x73: {  	_ =	swait.ge [sflag:s19], $0x1000  }
0x74: {  	[sflag:s19] =	ssyncset.done $0x0  }
0x75: {  	[sflag:s19] =	ssyncadd.s32 $0xFFFFF000  }
0x76: {  	[spmem:s4] =	stream.indirect.scatter.add.f32 [tilespmem:s16], [sflag:$0x2], $0x80, s20, s17, $0xb8;
	v63 =	vld [tilespmem:$0x0]  }
0x77: {  	_ =	swait.ge [sflag:s24], $0x1000  }
0x78: {  	[sflag:s24] =	ssyncset.done $0x0  }
0x79: {  	[sflag:s24] =	ssyncadd.s32 $0xFFFFF000  }
0x7a: {  	v2 =	vld [tilespmem:$0xA0]  }
0x7b: {  	v3 =	vld [tilespmem:$0xB0];
	_ =	sdelay $0x2  }
0x7c: {  	v4 =	vld [tilespmem:$0x1A0]  }
0x7d: {  	v5 =	vld [tilespmem:$0x1B0];
	vm12 =	vge.s32 v2, v0;
	vm13 =	vlt.s32 v2, v1;
	v2 =	vsub.s32 v2, v0  }
0x7e: {  	vm14 =	vge.s32 v3, v0;
	vm15 =	vlt.s32 v3, v1;
	vm0 =	vmand vm12, vm13  }
0x7f: {  	v3 =	vsub.s32 v3, v0;
	vm1 =	vmand vm14, vm15;
	v2 =	vnsel vm0, $0x0, v2  }
0x80: {  	[tilespmem:$0x280] =	vst v2;
	v2 =	vnsel vm1, $0x0, v3  }
0x81: {  	v3 =	vnsel vm0, $0x2710, v4;
	[tilespmem:$0x290] =	vst v2  }
0x82: {  	v2 =	vnsel vm1, $0x2710, v5;
	[tilespmem:$0x380] =	vst v3  }
0x83: {  	[tilespmem:$0x390] =	vst v2  }
0x84: {  	[tilespmem:s22], [sflag:$0x1] =	stream.indirect.gather [spmem:s3], $0x80, s21, s17, $0xb8;
	v63 =	vld [tilespmem:$0x0]  }
0x85: {  	_ =	swait.ge [sflag:s19], $0x1000  }
0x86: {  	[sflag:s19] =	ssyncset.done $0x0  }
0x87: {  	[sflag:s19] =	ssyncadd.s32 $0xFFFFF000  }
0x88: {  	[spmem:s4] =	stream.indirect.scatter.add.f32 [tilespmem:s22], [sflag:$0x2], $0x80, s23, s17, $0xb8;
	v63 =	vld [tilespmem:$0x0]  }
0x89: {  	_ =	swait.ge [sflag:s24], $0x1000  }
0x8a: {  	[sflag:s24] =	ssyncset.done $0x0  }
0x8b: {  	[sflag:s24] =	ssyncadd.s32 $0xFFFFF000  }
0x8c: {  	v5 =	vld [tilespmem:$0xC0]  }
0x8d: {  	v4 =	vld [tilespmem:$0xD0]  }
0x8e: {  	v2 =	vld [tilespmem:$0x1C0]  }
0x8f: {  	s28 =	simm.s32 $0x0;
	s26 =	simm.s32 $0x200;
	v3 =	vld [tilespmem:$0x1D0]  }
.LBB2_2:
0x90: {  	p0 =	sne.s32 s26, $0x9E00  }
0x91: {  	s28 =	sadd.s32 $0x80, s28;
	s29 =	smov.u32 s26;
	s26 =	sadd.s32 $0x200, s26  }
0x92: {  	vm0 =	vge.s32 v5, v0;
	vm1 =	vlt.s32 v5, v1;
	v5 =	vsub.s32 v5, v0  }
0x93: {  	vm0 =	vmand vm0, vm1;
	vm1 =	vge.s32 v4, v0;
	vm2 =	vlt.s32 v4, v1  }
0x94: {  	v4 =	vsub.s32 v4, v0;
	v5 =	vnsel vm0, $0x0, v5;
	vm1 =	vmand vm1, vm2  }
0x95: {  	v2 =	vnsel vm0, $0x2710, v2;
	[tilespmem:$0x200] =	vst v5;
	v4 =	vnsel vm1, $0x0, v4;
	v3 =	vnsel vm1, $0x2710, v3  }
0x96: {  	[tilespmem:$0x210] =	vst v4  }
0x97: {  	[tilespmem:$0x300] =	vst v2;
	_ =	sdelay $0x1  }
0x98: {  	[tilespmem:$0x310] =	vst v3  }
0x99: {  	[tilespmem:s16], [sflag:$0x1] =	stream.indirect.gather [spmem:s3], $0x80, s18, s17, $0xb8;
	v63 =	vld [tilespmem:$0x0]  }
0x9a: {  	_ =	swait.ge [sflag:s19], $0x1000  }
0x9b: {  	[sflag:s19] =	ssyncset.done $0x0  }
0x9c: {  	[sflag:s19] =	ssyncadd.s32 $0xFFFFF000  }
0x9d: {  	[spmem:s4] =	stream.indirect.scatter.add.f32 [tilespmem:s16], [sflag:$0x2], $0x80, s20, s17, $0xb8;
	v63 =	vld [tilespmem:$0x0]  }
0x9e: {  	_ =	swait.ge [sflag:s24], $0x1000  }
0x9f: {  	[sflag:s24] =	ssyncset.done $0x0  }
0xa0: {  	[sflag:s24] =	ssyncadd.s32 $0xFFFFF000  }
0xa1: {  	v2 =	vld [tilespmem:$0xE0]  }
0xa2: {  	v3 =	vld [tilespmem:$0xF0]  }
0xa3: {  	v4 =	vld [tilespmem:$0x1F0]  }
0xa4: {  	v5 =	vld [tilespmem:$0x1E0];
	_ =	sdelay $0x1  }
0xa5: {  	s29 =	sand.u32 $0xF000, s29;
	vm0 =	vge.s32 v2, v0;
	vm1 =	vlt.s32 v2, v1;
	v2 =	vsub.s32 v2, v0  }
0xa6: {  	s30 =	sand.u32 $0x380, s28;
	s29 =	sadd.s32 s9, s29;
	vm0 =	vmand vm0, vm1;
	vm1 =	vge.s32 v3, v0;
	vm2 =	vlt.s32 v3, v1  }
0xa7: {  	v3 =	vsub.s32 v3, v0;
	v2 =	vnsel vm0, $0x0, v2;
	vm1 =	vmand vm1, vm2  }
0xa8: {  	s29 =	sor.u32 s30, s29;
	[tilespmem:$0x280] =	vst v2;
	v2 =	vnsel vm0, $0x2710, v5;
	v3 =	vnsel vm1, $0x0, v3;
	v4 =	vnsel vm1, $0x2710, v4  }
0xa9: {  	s29 =	sshrl.u32 s29, $0x3;
	[tilespmem:$0x380] =	vst v2  }
0xaa: {  	s29 =	sadd.s32 s1, s29;
	[tilespmem:$0x290] =	vst v3  }
0xab: {  	[tilespmem:$0x390] =	vst v4  }
0xac: {  	[tilespmem:s22], [sflag:$0x1] =	stream.indirect.gather [spmem:s3], $0x80, s21, s17, $0xb8;
	v63 =	vld [tilespmem:$0x0]  }
0xad: {  	_ =	swait.ge [sflag:s19], $0x1000  }
0xae: {  	[sflag:s19] =	ssyncset.done $0x0  }
0xaf: {  	[sflag:s19] =	ssyncadd.s32 $0xFFFFF000  }
0xb0: {  	[spmem:s4] =	stream.indirect.scatter.add.f32 [tilespmem:s22], [sflag:$0x2], $0x80, s23, s17, $0xb8;
	v63 =	vld [tilespmem:$0x0]  }
0xb1: {  	_ =	swait.ge [sflag:s24], $0x1000  }
0xb2: {  	[sflag:s24] =	ssyncset.done $0x0  }
0xb3: {  	[sflag:s24] =	ssyncadd.s32 $0xFFFFF000  }
0xb4: {  	_ =	swait.ge [sflag:s24], $0x1000  }
0xb5: {  	[sflag:s24] =	ssyncset.done $0x0  }
0xb6: {  	[sflag:s24] =	ssyncadd.s32 $0xFFFFF000  }
0xb7: {  	[tilespmem:s5], [sflag:$0x3] =	stream.strided.gather [hbm4b:s29+s15], $0x200, s16, s15, $0x38;
	v63 =	vld [tilespmem:$0x0]  }
0xb8: {  	_ =	swait.ge [sflag:s13], $0x200  }
0xb9: {  	[sflag:s13] =	ssyncset.done $0x0  }
0xba: {  	[sflag:s13] =	ssyncadd.s32 $0xFFFFFE00  }
0xbb: {  	v2 =	vld [tilespmem:$0x0]  }
0xbc: {  	v3 =	vld [tilespmem:$0x10]  }
0xbd: {  	v4 =	vld [tilespmem:$0x100]  }
0xbe: {  	v5 =	vld [tilespmem:$0x110];
	_ =	sdelay $0x1  }
0xbf: {  	vm0 =	vge.s32 v2, v0;
	vm1 =	vlt.s32 v2, v1;
	v2 =	vsub.s32 v2, v0  }
0xc0: {  	vm0 =	vmand vm0, vm1;
	vm1 =	vge.s32 v3, v0;
	vm2 =	vlt.s32 v3, v1  }
0xc1: {  	v3 =	vsub.s32 v3, v0;
	v2 =	vnsel vm0, $0x0, v2;
	vm1 =	vmand vm1, vm2  }
0xc2: {  	[tilespmem:$0x200] =	vst v2;
	v2 =	vnsel vm0, $0x2710, v4;
	v3 =	vnsel vm1, $0x0, v3;
	v4 =	vnsel vm1, $0x2710, v5  }
0xc3: {  	[tilespmem:$0x310] =	vst v4  }
0xc4: {  	[tilespmem:$0x210] =	vst v3  }
0xc5: {  	[tilespmem:$0x300] =	vst v2  }
0xc6: {  	[tilespmem:s16], [sflag:$0x1] =	stream.indirect.gather [spmem:s3], $0x80, s18, s17, $0xb8;
	v63 =	vld [tilespmem:$0x0]  }
0xc7: {  	_ =	swait.ge [sflag:s19], $0x1000  }
0xc8: {  	[sflag:s19] =	ssyncset.done $0x0  }
0xc9: {  	[sflag:s19] =	ssyncadd.s32 $0xFFFFF000  }
0xca: {  	[spmem:s4] =	stream.indirect.scatter.add.f32 [tilespmem:s16], [sflag:$0x2], $0x80, s20, s17, $0xb8;
	v63 =	vld [tilespmem:$0x0]  }
0xcb: {  	v2 =	vld [tilespmem:$0x20]  }
0xcc: {  	v3 =	vld [tilespmem:$0x30]  }
0xcd: {  	v4 =	vld [tilespmem:$0x130]  }
0xce: {  	v5 =	vld [tilespmem:$0x120];
	_ =	sdelay $0x1  }
0xcf: {  	vm0 =	vge.s32 v2, v0;
	vm1 =	vlt.s32 v2, v1;
	v2 =	vsub.s32 v2, v0  }
0xd0: {  	vm0 =	vmand vm0, vm1;
	vm1 =	vge.s32 v3, v0;
	vm2 =	vlt.s32 v3, v1  }
0xd1: {  	v3 =	vsub.s32 v3, v0;
	v2 =	vnsel vm0, $0x0, v2;
	vm1 =	vmand vm1, vm2  }
0xd2: {  	[tilespmem:$0x280] =	vst v2;
	v2 =	vnsel vm0, $0x2710, v5;
	v3 =	vnsel vm1, $0x0, v3;
	v4 =	vnsel vm1, $0x2710, v4  }
0xd3: {  	[tilespmem:$0x380] =	vst v2  }
0xd4: {  	[tilespmem:$0x290] =	vst v3  }
0xd5: {  	[tilespmem:$0x390] =	vst v4  }
0xd6: {  	[tilespmem:s22], [sflag:$0x1] =	stream.indirect.gather [spmem:s3], $0x80, s21, s17, $0xb8;
	v63 =	vld [tilespmem:$0x0]  }
0xd7: {  	_ =	swait.ge [sflag:s19], $0x1000  }
0xd8: {  	[sflag:s19] =	ssyncset.done $0x0  }
0xd9: {  	[sflag:s19] =	ssyncadd.s32 $0xFFFFF000  }
0xda: {  	[spmem:s4] =	stream.indirect.scatter.add.f32 [tilespmem:s22], [sflag:$0x2], $0x80, s23, s17, $0xb8;
	v63 =	vld [tilespmem:$0x0]  }
0xdb: {  	_ =	swait.ge [sflag:s24], $0x1000  }
0xdc: {  	[sflag:s24] =	ssyncset.done $0x0  }
0xdd: {  	[sflag:s24] =	ssyncadd.s32 $0xFFFFF000  }
0xde: {  	v2 =	vld [tilespmem:$0x40]  }
0xdf: {  	v3 =	vld [tilespmem:$0x50]  }
0xe0: {  	v4 =	vld [tilespmem:$0x150]  }
0xe1: {  	v5 =	vld [tilespmem:$0x140];
	_ =	sdelay $0x1  }
0xe2: {  	vm0 =	vge.s32 v2, v0;
	vm1 =	vlt.s32 v2, v1;
	v2 =	vsub.s32 v2, v0  }
0xe3: {  	vm0 =	vmand vm0, vm1;
	vm1 =	vge.s32 v3, v0;
	vm2 =	vlt.s32 v3, v1  }
0xe4: {  	v3 =	vsub.s32 v3, v0;
	v2 =	vnsel vm0, $0x0, v2;
	vm1 =	vmand vm1, vm2  }
0xe5: {  	[tilespmem:$0x200] =	vst v2;
	v2 =	vnsel vm0, $0x2710, v5;
	v3 =	vnsel vm1, $0x0, v3;
	v4 =	vnsel vm1, $0x2710, v4  }
0xe6: {  	[tilespmem:$0x210] =	vst v3  }
0xe7: {  	[tilespmem:$0x300] =	vst v2  }
0xe8: {  	[tilespmem:$0x310] =	vst v4  }
0xe9: {  	[tilespmem:s16], [sflag:$0x1] =	stream.indirect.gather [spmem:s3], $0x80, s18, s17, $0xb8;
	v63 =	vld [tilespmem:$0x0]  }
0xea: {  	_ =	swait.ge [sflag:s19], $0x1000  }
0xeb: {  	[sflag:s19] =	ssyncset.done $0x0  }
0xec: {  	[sflag:s19] =	ssyncadd.s32 $0xFFFFF000  }
0xed: {  	[spmem:s4] =	stream.indirect.scatter.add.f32 [tilespmem:s16], [sflag:$0x2], $0x80, s20, s17, $0xb8;
	v63 =	vld [tilespmem:$0x0]  }
0xee: {  	_ =	swait.ge [sflag:s24], $0x1000  }
0xef: {  	[sflag:s24] =	ssyncset.done $0x0  }
0xf0: {  	[sflag:s24] =	ssyncadd.s32 $0xFFFFF000  }
0xf1: {  	v2 =	vld [tilespmem:$0x60]  }
0xf2: {  	v3 =	vld [tilespmem:$0x70]  }
0xf3: {  	v4 =	vld [tilespmem:$0x170]  }
0xf4: {  	v5 =	vld [tilespmem:$0x160];
	_ =	sdelay $0x1  }
0xf5: {  	vm0 =	vge.s32 v2, v0;
	vm1 =	vlt.s32 v2, v1;
	v2 =	vsub.s32 v2, v0  }
0xf6: {  	vm0 =	vmand vm0, vm1;
	vm1 =	vge.s32 v3, v0;
	vm2 =	vlt.s32 v3, v1  }
0xf7: {  	v3 =	vsub.s32 v3, v0;
	v2 =	vnsel vm0, $0x0, v2;
	vm1 =	vmand vm1, vm2  }
0xf8: {  	[tilespmem:$0x280] =	vst v2;
	v2 =	vnsel vm0, $0x2710, v5;
	v3 =	vnsel vm1, $0x0, v3;
	v4 =	vnsel vm1, $0x2710, v4  }
0xf9: {  	[tilespmem:$0x290] =	vst v3  }
0xfa: {  	[tilespmem:$0x380] =	vst v2  }
0xfb: {  	[tilespmem:$0x390] =	vst v4  }
0xfc: {  	[tilespmem:s22], [sflag:$0x1] =	stream.indirect.gather [spmem:s3], $0x80, s21, s17, $0xb8;
	v63 =	vld [tilespmem:$0x0]  }
0xfd: {  	_ =	swait.ge [sflag:s19], $0x1000  }
0xfe: {  	[sflag:s19] =	ssyncset.done $0x0  }
0xff: {  	[sflag:s19] =	ssyncadd.s32 $0xFFFFF000  }
0x100: {  	[spmem:s4] =	stream.indirect.scatter.add.f32 [tilespmem:s22], [sflag:$0x2], $0x80, s23, s17, $0xb8;
	v63 =	vld [tilespmem:$0x0]  }
0x101: {  	_ =	swait.ge [sflag:s24], $0x1000  }
0x102: {  	[sflag:s24] =	ssyncset.done $0x0  }
0x103: {  	[sflag:s24] =	ssyncadd.s32 $0xFFFFF000  }
0x104: {  	v2 =	vld [tilespmem:$0x80]  }
0x105: {  	v3 =	vld [tilespmem:$0x90]  }
0x106: {  	v4 =	vld [tilespmem:$0x190]  }
0x107: {  	v5 =	vld [tilespmem:$0x180];
	_ =	sdelay $0x1  }
0x108: {  	vm0 =	vge.s32 v2, v0;
	vm1 =	vlt.s32 v2, v1;
	v2 =	vsub.s32 v2, v0  }
0x109: {  	vm0 =	vmand vm0, vm1;
	vm1 =	vge.s32 v3, v0;
	vm2 =	vlt.s32 v3, v1  }
0x10a: {  	v3 =	vsub.s32 v3, v0;
	v2 =	vnsel vm0, $0x0, v2;
	vm1 =	vmand vm1, vm2  }
0x10b: {  	[tilespmem:$0x200] =	vst v2;
	v2 =	vnsel vm0, $0x2710, v5;
	v3 =	vnsel vm1, $0x0, v3;
	v4 =	vnsel vm1, $0x2710, v4  }
0x10c: {  	[tilespmem:$0x300] =	vst v2  }
0x10d: {  	[tilespmem:$0x210] =	vst v3  }
0x10e: {  	[tilespmem:$0x310] =	vst v4  }
0x10f: {  	[tilespmem:s16], [sflag:$0x1] =	stream.indirect.gather [spmem:s3], $0x80, s18, s17, $0xb8;
	v63 =	vld [tilespmem:$0x0]  }
0x110: {  	_ =	swait.ge [sflag:s19], $0x1000  }
0x111: {  	[sflag:s19] =	ssyncset.done $0x0  }
0x112: {  	[sflag:s19] =	ssyncadd.s32 $0xFFFFF000  }
0x113: {  	[spmem:s4] =	stream.indirect.scatter.add.f32 [tilespmem:s16], [sflag:$0x2], $0x80, s20, s17, $0xb8;
	v63 =	vld [tilespmem:$0x0]  }
0x114: {  	_ =	swait.ge [sflag:s24], $0x1000  }
0x115: {  	[sflag:s24] =	ssyncset.done $0x0  }
0x116: {  	[sflag:s24] =	ssyncadd.s32 $0xFFFFF000  }
0x117: {  	v2 =	vld [tilespmem:$0xA0]  }
0x118: {  	v3 =	vld [tilespmem:$0xB0]  }
0x119: {  	v4 =	vld [tilespmem:$0x1B0]  }
0x11a: {  	v5 =	vld [tilespmem:$0x1A0];
	_ =	sdelay $0x1  }
0x11b: {  	vm0 =	vge.s32 v2, v0;
	vm1 =	vlt.s32 v2, v1;
	v2 =	vsub.s32 v2, v0  }
0x11c: {  	vm0 =	vmand vm0, vm1;
	vm1 =	vge.s32 v3, v0;
	vm2 =	vlt.s32 v3, v1  }
0x11d: {  	v3 =	vsub.s32 v3, v0;
	v2 =	vnsel vm0, $0x0, v2;
	vm1 =	vmand vm1, vm2  }
0x11e: {  	[tilespmem:$0x280] =	vst v2;
	v2 =	vnsel vm0, $0x2710, v5;
	v3 =	vnsel vm1, $0x0, v3;
	v4 =	vnsel vm1, $0x2710, v4  }
0x11f: {  	[tilespmem:$0x290] =	vst v3  }
0x120: {  	[tilespmem:$0x380] =	vst v2;
	_ =	sdelay $0x1  }
0x121: {  	[tilespmem:$0x390] =	vst v4  }
0x122: {  	[tilespmem:s22], [sflag:$0x1] =	stream.indirect.gather [spmem:s3], $0x80, s21, s17, $0xb8;
	v63 =	vld [tilespmem:$0x0]  }
0x123: {  	_ =	swait.ge [sflag:s19], $0x1000  }
0x124: {  	[sflag:s19] =	ssyncset.done $0x0  }
0x125: {  	[sflag:s19] =	ssyncadd.s32 $0xFFFFF000  }
0x126: {  	[spmem:s4] =	stream.indirect.scatter.add.f32 [tilespmem:s22], [sflag:$0x2], $0x80, s23, s17, $0xb8;
	v63 =	vld [tilespmem:$0x0]  }
0x127: {  	_ =	swait.ge [sflag:s24], $0x1000  }
0x128: {  	[sflag:s24] =	ssyncset.done $0x0  }
.Ltmp0:
0x129: {  	[sflag:s24] =	ssyncadd.s32 $0xFFFFF000;
	(pc) =	sbr.rel @p0 .LBB2_2-.Ltmp0, $4  }
0x12a: {  	v5 =	vld [tilespmem:$0xC0]  }
0x12b: {  	v4 =	vld [tilespmem:$0xD0]  }
0x12c: {  	v2 =	vld [tilespmem:$0x1C0]  }
0x12d: {  	v3 =	vld [tilespmem:$0x1D0]  }
0x12e: {  	_ = 	snop  }
0x12f: {  	vm0 =	vge.s32 v5, v0;
	vm1 =	vlt.s32 v5, v1  }
0x130: {  	v59 =	vsub.s32 v5, v0;
	vm0 =	vmand vm0, vm1  }
0x131: {  	vm11 =	vge.s32 v4, v0;
	vm2 =	vlt.s32 v4, v1;
	v5 =	vnsel vm0, $0x0, v59  }
0x132: {  	v60 =	vsub.s32 v4, v0;
	vm1 =	vmand vm11, vm2;
	v2 =	vnsel vm0, $0x2710, v2;
	[tilespmem:$0x200] =	vst v5  }
0x133: {  	v4 =	vnsel vm1, $0x0, v60;
	[tilespmem:$0x300] =	vst v2  }
0x134: {  	v3 =	vnsel vm1, $0x2710, v3;
	[tilespmem:$0x210] =	vst v4  }
0x135: {  	[tilespmem:$0x310] =	vst v3  }
0x136: {  	[tilespmem:s16], [sflag:$0x1] =	stream.indirect.gather [spmem:s3], $0x80, s18, s17, $0xb8;
	v63 =	vld [tilespmem:$0x0]  }
0x137: {  	_ =	swait.ge [sflag:s19], $0x1000  }
0x138: {  	[sflag:s19] =	ssyncset.done $0x0  }
0x139: {  	[sflag:s19] =	ssyncadd.s32 $0xFFFFF000  }
0x13a: {  	[spmem:s4] =	stream.indirect.scatter.add.f32 [tilespmem:s16], [sflag:$0x2], $0x80, s20, s17, $0xb8;
	v63 =	vld [tilespmem:$0x0]  }
0x13b: {  	_ =	swait.ge [sflag:s24], $0x1000  }
0x13c: {  	[sflag:s24] =	ssyncset.done $0x0  }
0x13d: {  	[sflag:s24] =	ssyncadd.s32 $0xFFFFF000  }
0x13e: {  	v2 =	vld [tilespmem:$0xE0]  }
0x13f: {  	v3 =	vld [tilespmem:$0xF0];
	_ =	sdelay $0x2  }
0x140: {  	v61 =	vld [tilespmem:$0x1E0]  }
0x141: {  	v62 =	vld [tilespmem:$0x1F0];
	vm12 =	vge.s32 v2, v0;
	vm13 =	vlt.s32 v2, v1;
	v2 =	vsub.s32 v2, v0  }
0x142: {  	vm14 =	vge.s32 v3, v0;
	vm15 =	vlt.s32 v3, v1;
	vm0 =	vmand vm12, vm13  }
0x143: {  	v3 =	vsub.s32 v3, v0;
	vm1 =	vmand vm14, vm15;
	v2 =	vnsel vm0, $0x0, v2  }
0x144: {  	v3 =	vnsel vm1, $0x0, v3;
	[tilespmem:$0x280] =	vst v2  }
0x145: {  	v2 =	vnsel vm0, $0x2710, v61;
	[tilespmem:$0x290] =	vst v3  }
0x146: {  	[tilespmem:$0x380] =	vst v2;
	v2 =	vnsel vm1, $0x2710, v62  }
0x147: {  	[tilespmem:$0x390] =	vst v2  }
0x148: {  	[tilespmem:s22], [sflag:$0x1] =	stream.indirect.gather [spmem:s3], $0x80, s21, s17, $0xb8;
	v63 =	vld [tilespmem:$0x0]  }
0x149: {  	_ =	swait.ge [sflag:s19], $0x1000  }
0x14a: {  	[sflag:s19] =	ssyncset.done $0x0  }
0x14b: {  	[sflag:s19] =	ssyncadd.s32 $0xFFFFF000  }
0x14c: {  	[spmem:s4] =	stream.indirect.scatter.add.f32 [tilespmem:s22], [sflag:$0x2], $0x80, s23, s17, $0xb8;
	v63 =	vld [tilespmem:$0x0]  }
0x14d: {  	_ =	swait.ge [sflag:s24], $0x1000  }
0x14e: {  	[sflag:s24] =	ssyncset.done $0x0  }
0x14f: {  	[sflag:s24] =	ssyncadd.s32 $0xFFFFF000  }
0x150: {  	_ =	swait.ge [sflag:s24], $0x1000  }
0x151: {  	s25 =	sadd.s32 $0x1, s25;
	[sflag:s24] =	ssyncset.done $0x0  }
0x152: {  	p0 =	sne.s32 s25, s11;
	[sflag:s24] =	ssyncadd.s32 $0xFFFFF000  }
.Ltmp1:
0x153: {  	[bflag:$0x0] =	sbarrier.arrive $0xFFFF;
	(pc) =	sbr.rel @p0 .LBB2_1-.Ltmp1, $4  }
0x154: {  	[hbm:s10], [sflag:s7] =	dma.local [spmem:s12], $0x2780  }
0x155: {  	_ =	swait.ge [sflag:s13], $0x2780  }
0x156: {  	[sflag:s13] =	ssyncset.done $0x0  }
0x157: {  	[sflag:s13] =	ssyncadd.s32 $0xFFFFD880  }
0x158: {  	_ =	sfence.sel $0x180000  }
0x159: {  	[bflag:$0x0] =	sbarrier.arrive $0xFFFF  }
0x15a: {  	p0 =	sne.s32 s0, $0x0;
	_ =	strace $0x9000004A  }
0x15b: {  	s0 =	sadd.s32 @!p0 $0x100000, s2;
	[bflag:$0x2] =	sbarrier.arrive $0xFFFF  }
0x15c: {  	[sflag:s0] =	ssyncadd.tile.s32 @!p0 $0x1;
	_ =	shalt  }
.Lfunc_end2:
_tile_overlayer_lowered:
.L_overlay_start_2:
0x15d: {  	(tag) =	ssettag $0x2  }
0x15e: {  	s0 =	rddreg [dreg:$0x0];
	s2 =	stileid.u32  }
0x15f: {  	s1 =	rddreg [dreg:$0x1];
	p0 =	sne.s32 s2, $0x0  }
0x160: {  	s3 =	rddreg [dreg:$0x2];
	[bflag:$0x3] =	sbarrier.arrive $0xFFFF;
	s2 =	simm.s32 @!p0 $0x1C03  }
0x161: {  	[timem:s3], [sflag:s2] =	dma.local @!p0 [hbm:s0], s1  }
0x162: {  	s0 =	simm.s32 @!p0 $0x3  }
0x163: {  	_ =	swait.ge @!p0 [sflag:s0], s1  }
0x164: {  	s1 =	ssub.s32 @!p0 $0x0, s1;
	[sflag:s0] =	ssyncset.done @!p0 $0x0  }
0x165: {  	[sflag:s0] =	ssyncadd.s32 @!p0 s1  }
0x166: {  	[bflag:$0x3] =	sbarrier.arrive $0xFFFF  }
0x167: {  	_ =	shalt  }

// kernel: kernel.14.cloned.1.call-start
scs
__scs_entry_jumppad:
0x0: {  	(pc) =	sbr.rel $0x88, $3  }
0x1: {  	(tag) =	ssettag $0x0;
	lr =	simm.s32 $0x1  }
0x2: {  	[smem:$0x3F9B] =	sst lr;
	_ =	strace $0xD0000000  }
0x3: {  	_ = 	snop  }
0x4: {  	_ = 	snop  }
0x5: {  	_ = 	snop  }
0x6: {  	_ = 	snop  }
0x7: {  	_ = 	snop  }
__scs_overlays_trampoline_lowered:
0x8: {  	[smem:$0x3FAA] =	sst s0  }
0x9: {  	[smem:$0x3FAB] =	sst s1  }
0xa: {  	[smem:$0x3FAC] =	sst s2  }
0xb: {  	[smem:$0x3FAD] =	sst s3  }
0xc: {  	[smem:$0x3FAE] =	sst s4  }
0xd: {  	[smem:$0x3FAF] =	sst s5  }
0xe: {  	[smem:$0x3FB0] =	sst s6  }
0xf: {  	[smem:$0x3FB1] =	sst s7  }
0x10: {  	[smem:$0x3FB2] =	sst s8  }
0x11: {  	[smem:$0x3FB3] =	sst s9;
	s0 =	simm.s32 @!p0 $0x0  }
0x12: {  	s1 =	sld [smem:$0x3F99];
	s0 =	simm.s32 @p0 $0x1  }
0x13: {  	[smem:$0x3FB4] =	sst s0;
	s0 =	simm.s32 @!p1 $0x0  }
0x14: {  	s2 =	sld [smem:$0x3F98];
	s0 =	simm.s32 @p1 $0x1  }
0x15: {  	[smem:$0x3FB5] =	sst s0;
	s0 =	simm.s32 @!p2 $0x0  }
0x16: {  	s3 =	sld [smem:$0x3FDB];
	s0 =	simm.s32 @p2 $0x1  }
0x17: {  	s4 =	simm.s32 $0x1BF5;
	[smem:$0x3FB7] =	sst s0  }
0x18: {  	s0 =	sld [smem:$0x3F9A];
	_ =	swait.ge [sflag:s4], $0x0  }
0x19: {  	s7 =	sld [smem:$0x3F9B]  }
0x1a: {  	s8 =	sadd.s32 $0xFFFFE003, lr  }
0x1b: {  	s9 =	sadd.s32 $0xFFFFFEF7, lr;
	s5 =	simm.s32 $0xFFFFFFFF;
	p2 =	slt.u32 s8, $0xFFFFF086  }
0x1c: {  	p1 =	slt.u32 s9, $0xF7A;
	s5 =	simm.s32 @!p2 $0x0  }
0x1d: {  	s5 =	simm.s32 @p1 $0x1;
	p0 =	seq.s32 s7, s2  }
0x1e: {  	s7 =	smul.u32 @!p0 $0xF7A, s2;
	p2 =	seq.s32 @!p0 s5, $0x0  }
0x1f: {  	s9 =	smul.u32 $0xF7A, s1;
	s8 =	simm.s32 @!p0 $0x1BF5;
	p2 =	por !p2, p0  }
0x20: {  	[sflag:s8] =	ssyncset.s32 @!p0 $0xFFFFF086;
	s6 =	sadd.s32 @!p0 s3, s7;
	s7 =	simm.s32 @!p0 $0x108  }
0x21: {  	s3 =	sadd.s32 s3, s9;
	s6 =	sadd.s32 @!p0 $0x88, s6;
	s7 =	simm.s32 @p2 $0x1082  }
0x22: {  	[simem:s7], [sflag:s8] =	dma.local @!p0 [hbm:s6], $0xF7A  }
0x23: {  	s9 =	sor.u32 $0xD0000000, s2;
	s6 =	simm.s32 $0x108;
	_ =	swait.ge @!p0 [sflag:s8], $0x0  }
0x24: {  	s3 =	sadd.s32 $0x88, s3;
	s6 =	simm.s32 @!p1 $0x1082;
	[sflag:s4] =	ssyncset.s32 $0xFFFFF086  }
0x25: {  	[simem:s6], [sflag:s4] =	dma.local [hbm:s3], $0xF7A  }
0x26: {  	[smem:$0x3F9B] =	sst s1;
	(tag) =	ssettag s2;
	_ =	strace s9  }
0x27: {  	s1 =	sld [smem:$0x3FAB]  }
0x28: {  	s2 =	sld [smem:$0x3FAC]  }
0x29: {  	s4 =	sld [smem:$0x3FAE]  }
0x2a: {  	p0 =	seq.s32 s5, $0x0;
	s5 =	sld [smem:$0x3FAF]  }
0x2b: {  	s6 =	sld [smem:$0x3FB0]  }
0x2c: {  	s7 =	sld [smem:$0x3FB1]  }
0x2d: {  	s3 =	simm.s32 $0x108;
	s8 =	sld [smem:$0x3FB2]  }
0x2e: {  	s3 =	simm.s32 @!p0 $0x1082;
	s9 =	sld [smem:$0x3FB3]  }
0x2f: {  	lr =	sadd.s32 s0, s3;
	s0 =	sld [smem:$0x3FAA]  }
0x30: {  	s3 =	sld [smem:$0x3FAD]  }
0x31: {  	[smem:$0x3FB6] =	sst s10  }
0x32: {  	s10 =	sld [smem:$0x3FB4];
	_ =	sdelay $0x3  }
0x33: {  	p0 =	seq.s32 s10, $0x1;
	s10 =	sld [smem:$0x3FB6];
	_ =	sdelay $0x3  }
0x34: {  	[smem:$0x3FB6] =	sst s10  }
0x35: {  	s10 =	sld [smem:$0x3FB5];
	_ =	sdelay $0x3  }
0x36: {  	p1 =	seq.s32 s10, $0x1;
	s10 =	sld [smem:$0x3FB6];
	_ =	sdelay $0x3  }
0x37: {  	[smem:$0x3FB6] =	sst s10  }
0x38: {  	s10 =	sld [smem:$0x3FB7]  }
0x39: {  	_ = 	snop;
	(pc) =	sbr.ind lr, $3  }
0x3a: {  	_ = 	snop  }
0x3b: {  	_ = 	snop  }
0x3c: {  	p2 =	seq.s32 s10, $0x1;
	s10 =	sld [smem:$0x3FB6]  }
0x3d: {  	_ =	shalt  }
0x3e: {  	_ =	shalt  }
0x3f: {  	_ =	shalt  }
0x40: {  	_ =	shalt  }
0x41: {  	_ =	shalt  }
0x42: {  	_ =	shalt  }
0x43: {  	_ =	shalt  }
0x44: {  	_ =	shalt  }
0x45: {  	_ =	shalt  }
0x46: {  	_ =	shalt  }
0x47: {  	_ =	shalt  }
0x48: {  	_ =	shalt  }
0x49: {  	_ =	shalt  }
0x4a: {  	_ =	shalt  }
0x4b: {  	_ =	shalt  }
0x4c: {  	_ =	shalt  }
0x4d: {  	_ =	shalt  }
0x4e: {  	_ =	shalt  }
0x4f: {  	_ =	shalt  }
0x50: {  	_ =	shalt  }
0x51: {  	_ =	shalt  }
0x52: {  	_ =	shalt  }
0x53: {  	_ =	shalt  }
0x54: {  	_ =	shalt  }
0x55: {  	_ =	shalt  }
0x56: {  	_ =	shalt  }
0x57: {  	_ =	shalt  }
0x58: {  	_ =	shalt  }
0x59: {  	_ =	shalt  }
0x5a: {  	_ =	shalt  }
0x5b: {  	_ =	shalt  }
0x5c: {  	_ =	shalt  }
0x5d: {  	_ =	shalt  }
0x5e: {  	_ =	shalt  }
0x5f: {  	_ =	shalt  }
0x60: {  	_ =	shalt  }
0x61: {  	_ =	shalt  }
0x62: {  	_ =	shalt  }
0x63: {  	_ =	shalt  }
0x64: {  	_ =	shalt  }
0x65: {  	_ =	shalt  }
0x66: {  	_ =	shalt  }
0x67: {  	_ =	shalt  }
0x68: {  	_ =	shalt  }
0x69: {  	_ =	shalt  }
0x6a: {  	_ =	shalt  }
0x6b: {  	_ =	shalt  }
0x6c: {  	_ =	shalt  }
0x6d: {  	_ =	shalt  }
0x6e: {  	_ =	shalt  }
0x6f: {  	_ =	shalt  }
0x70: {  	_ =	shalt  }
0x71: {  	_ =	shalt  }
0x72: {  	_ =	shalt  }
0x73: {  	_ =	shalt  }
0x74: {  	_ =	shalt  }
0x75: {  	_ =	shalt  }
0x76: {  	_ =	shalt  }
0x77: {  	_ =	shalt  }
0x78: {  	_ =	shalt  }
0x79: {  	_ =	shalt  }
0x7a: {  	_ =	shalt  }
0x7b: {  	_ =	shalt  }
0x7c: {  	_ =	shalt  }
0x7d: {  	_ =	shalt  }
0x7e: {  	_ =	shalt  }
0x7f: {  	_ =	shalt  }
0x80: {  	_ =	shalt  }
0x81: {  	_ =	shalt  }
0x82: {  	_ =	shalt  }
0x83: {  	_ =	shalt  }
0x84: {  	_ =	shalt  }
0x85: {  	_ =	shalt  }
0x86: {  	_ =	shalt  }
0x87: {  	_ =	shalt  }
.Lfunc_end0:
.L_simem_size_0:
called_computation.2_lowered:
.L_overlay_start_0:
0x88: {  	s2 =	sld [smem:$0x3FD9]  }
0x89: {  	s3 =	sld [smem:$0x3FFE];
	_ =	sdelay $0x1  }
0x8a: {  	s1 =	srdreg.scid  }
0x8b: {  	s0 =	sand.u32 $0x1, s1  }
0x8c: {  	s14 =	sshll.u32 s0, $0xA;
	s2 =	sadd.s32 s3, s2  }
0x8d: {  	s2 =	sadd.s32 s2, s14  }
0x8e: {  	[smem:$0x3FC2] =	sst s2  }
0x8f: {  	_ = 	snop  }
0x90: {  	s2 =	sld [smem:$0x3FD0];
	_ =	sdelay $0x2  }
0x91: {  	s15 =	simm.s32 $0xA;
	s4 =	simm.s32 $0x10  }
0x92: {  	[smem:s4], [sflag:s15] =	dma.local [hbm:s2], $0x1  }
0x93: {  	_ =	swait.eq [sflag:s15], $0x1  }
0x94: {  	[sflag:s15] =	ssyncset.done $0x0  }
0x95: {  	[sflag:s15] =	ssyncadd.s32 $0xFFFFFFFF  }
0x96: {  	s16 =	sld [smem:$0x10];
	(tm) =	ssettm $0x1  }
0x97: {  	s17 =	sld [smem:$0x3FFB];
	_ =	sdelay $0x3  }
0x98: {  	_ =	strace s17  }
0x99: {  	s3 =	sld [smem:$0x3FFC];
	_ =	sdelay $0x3  }
0x9a: {  	_ =	strace s3  }
0x9b: {  	s3 =	sld [smem:$0x3FFD];
	_ =	sdelay $0x3  }
0x9c: {  	_ =	strace s3  }
0x9d: {  	_ =	strace $0x8FFFFFFF  }
0x9e: {  	s18 =	sld [smem:$0x3FDB];
	_ =	sdelay $0x1  }
0x9f: {  	s19 =	simm.s32 $_scs_section_size  }
0xa0: {  	s5 =	simm.s32 $_size__tile_overlayer_lowered;
	s6 =	simm.s32 $_tile_overlayer_lowered  }
0xa1: {  	s22 =	simm.s32 $0x1BFF;
	s21 =	sshll.u32 s6, $0x1;
	s3 =	sadd.s32 s19, s18  }
0xa2: {  	s7 =	simm.s32 $0x0;
	s20 =	sshll.u32 s5, $0x1;
	s5 =	sadd.s32 s21, s3  }
0xa3: {  	[timem:s7], [sflag:s22] =	dma.local [hbm:s5], s20  }
0xa4: {  	_ =	swait.ge [sflag:s22], s20  }
0xa5: {  	s4 =	ssub.s32 $0x0, s20;
	[sflag:s22] =	ssyncset.done $0x0  }
0xa6: {  	[sflag:s22] =	ssyncadd.s32 s4;
	_ =	sdelay $0x1  }
0xa7: {  	s23 =	simm.s32 $0x1B8B  }
0xa8: {  	_ =	swait.ge [sflag:s23], $0x1  }
0xa9: {  	[sflag:s23] =	ssyncset.done $0x0  }
0xaa: {  	s25 =	simm.s32 $0x1B8E;
	s24 =	sld [smem:$0x3FFE];
	[sflag:s23] =	ssyncadd.s32 $0xFFFFFFFF  }
0xab: {  	s26 =	simm.s32 $execute0_lowered;
	[smem:$0x3FD2] =	sst s25  }
0xac: {  	s5 =	sshll.u32 s26, $0x1;
	_ =	strace $0x8000004C;
	[dreg:$0x1] =	wrdreg $0xFFFFFFFF  }
0xad: {  	s28 =	simm.s32 $_size_execute0_lowered;
	s3 =	sadd.s32 s3, s5;
	[dreg:$0x0] =	wrdreg $0x0  }
0xae: {  	s5 =	sshll.u32 s28, $0x1;
	[dreg:$0x2] =	wrdreg s3  }
0xaf: {  	[dreg:$0x3] =	wrdreg s5  }
0xb0: {  	[dreg:$0x4] =	wrdreg $0xC0  }
0xb1: {  	_ =	task [dreg:s7], $0x5FFFF  }
0xb2: {  	[dreg:$0x1] =	wrdreg $0xFFFFFFFF  }
0xb3: {  	[dreg:$0x0] =	wrdreg $0x60  }
0xb4: {  	[dreg:$0x2] =	wrdreg s24  }
0xb5: {  	[dreg:$0x3] =	wrdreg s16  }
0xb6: {  	[dreg:$0x4] =	wrdreg $0x24000  }
0xb7: {  	[dreg:$0x5] =	wrdreg $0xC4000  }
0xb8: {  	[dreg:$0x6] =	wrdreg $0x9  }
0xb9: {  	_ =	task.clear_ibuf [dreg:s7], $0x7FFFF;
	_ =	strace $0x9000004C  }
0xba: {  	s29 =	simm.s32 $0x9;
	_ =	strace $0x8000004E  }
0xbb: {  	_ =	swait.ge [sflag:s29], $0x1  }
0xbc: {  	[sflag:s29] =	ssyncadd.s32 $0xFFFFFFFF  }
0xbd: {  	_ =	strace $0x9000004E  }
0xbe: {  	_ =	sfence  }
0xbf: {  	s30 =	sld [smem:$0x0];
	_ =	sdelay $0x2  }
0xc0: {  	s31 =	sshll.u32 s1, $0xD;
	s1 =	sshrl.u32 s1, $0x2  }
0xc1: {  	s3 =	sand.u32 $0x4000, s31;
	s1 =	sadd.s32 s1, s30  }
0xc2: {  	s0 =	sor.u32 s3, s0;
	s1 =	sshll.u32 s1, $0x11  }
0xc3: {  	s0 =	sor.u32 s1, s0  }
0xc4: {  	s0 =	sadd.s32 $0x8F2B, s0  }
0xc5: {  	[sflag:s0] =	ssyncadd.remote.s32 $0x1  }
0xc6: {  	_ =	sfence.sel $0xFFFF  }
0xc7: {  	[dreg:$0x0] =	wrdreg $0xFFFFFFFF;
	(pc) =	sbr.abs _section_cstart, $3  }
0xc8: {  	[dreg:$0x1] =	wrdreg $0xFFFFFFFF  }
0xc9: {  	_ =	task.clear_ibuf [dreg:s7], $0x2FFFF;
	_ =	strace $0x9FFFFFFF  }
0xca: {  	(tm) =	ssettm $0x7FFFFFFF  }
0xcb: {  	_ =	shalt  }
tec
execute0_lowered:
.L_overlay_start_1:
0x0: {  	(tag) =	ssettag $0x1  }
0x1: {  	s6 =	rddreg [dreg:$0x0]  }
0x2: {  	s1 =	rddreg [dreg:$0x1]  }
0x3: {  	s3 =	rddreg [dreg:$0x2]  }
0x4: {  	s4 =	rddreg [dreg:$0x3]  }
0x5: {  	s0 =	srdreg.scid;
	s2 =	rddreg [dreg:$0x4]  }
0x6: {  	s5 =	simm.s32 $0x0;
	s17 =	simm.s32 $0x20;
	s7 =	sand.u32 $0x1, s0  }
0x7: {  	s18 =	simm.s32 $0x200;
	s0 =	stileid.u32;
	s23 =	smul.u32 $0x1400, s7  }
0x8: {  	s19 =	simm.s32 $0x1;
	s20 =	simm.s32 $0x300;
	s8 =	smul.u32 $0x140, s0  }
0x9: {  	s21 =	simm.s32 $0x280;
	s22 =	simm.s32 $0x1400;
	s9 =	smul.u32 $0x13C00, s0  }
0xa: {  	s25 =	simm.s32 $0x0;
	[smem:$0x7FF] =	sst s5;
	s10 =	smul.u32 $0x13C000, s7  }
0xb: {  	_ =	strace $0x8000004D;
	s29 =	smul.u32 $0x4F000, s0;
	s7 =	ssub.s32 $0x2, s7  }
0xc: {  	s13 =	smul.u32 $0x28000, s0;
	s30 =	sshll.u32 s0, $0x6;
	s12 =	sshrl.u32 s7, $0x1  }
0xd: {  	s8 =	sadd.s32 s8, s23;
	s11 =	sshrl.u32 s9, $0x3;
	s9 =	sadd.s32 s9, s10  }
0xe: {  	s10 =	sshrl.u32 s29, $0x2;
	s12 =	ssub.s32 s7, s12;
	s31 =	sshrl.u32 s13, $0x2  }
0xf: {  	s7 =	sor.u32 $0x1C03, s30;
	s24 =	sadd.s32 $0x1400, s23;
	s13 =	simm.s32 $0x3  }
0x10: {  	v0 =	vmov s23;
	s23 =	simm.s32 $0x380;
	s8 =	sshll.u32 s8, $0x4;
	s11 =	sadd.s32 s11, s6  }
0x11: {  	s9 =	sshrl.u32 s9, $0x3;
	s15 =	sadd.s32 s10, s4;
	s16 =	sadd.s32 s31, s3  }
0x12: {  	v1 =	vmov s24;
	s24 =	simm.s32 $0x2;
	s8 =	sadd.s32 s8, s6;
	s14 =	sadd.s32 s9, s6  }
0x13: {  	s6 =	sadd.s32 $0x29400, s11;
	s9 =	smul.u32 $0xA000, s0;
	s11 =	smax.u32 s12, $0x1  }
0x14: {  	s12 =	sshrl.u32 s15, $0x3;
	s15 =	simm.s32 $0x80;
	s8 =	sadd.s32 $0x1400, s8  }
0x15: {  	s10 =	sadd.s32 $0x50C00, s14;
	s14 =	sshrl.u32 s16, $0x3;
	s16 =	simm.s32 $0x400  }
.LBB2_1:
0x16: {  	[spmem:s12], [sflag:s7] =	dma.local [hbm:s6], $0x2780  }
0x17: {  	_ =	swait.ge [sflag:s13], $0x2780  }
0x18: {  	[sflag:s13] =	ssyncset.done $0x0  }
0x19: {  	s26 =	sand.u32 $0xF000, s5;
	[sflag:s13] =	ssyncadd.s32 $0xFFFFD880  }
0x1a: {  	[spmem:s14], [sflag:s7] =	dma.local [hbm:s8], $0x1400  }
0x1b: {  	s28 =	sand.u32 $0x380, s5;
	s26 =	sadd.s32 s9, s26;
	_ =	swait.ge [sflag:s13], $0x1400  }
0x1c: {  	s26 =	sor.u32 s28, s26;
	[sflag:s13] =	ssyncset.done $0x0  }
0x1d: {  	s26 =	sshrl.u32 s26, $0x3;
	[sflag:s13] =	ssyncadd.s32 $0xFFFFEC00  }
0x1e: {  	s26 =	sadd.s32 s1, s26;
	[bflag:$0x0] =	sbarrier.arrive $0xFFFF  }
0x1f: {  	[tilespmem:s5], [sflag:$0x3] =	stream.strided.gather [hbm4b:s26+s15], $0x200, s16, s15, $0x38;
	v63 =	vld [tilespmem:$0x0]  }
0x20: {  	_ =	swait.ge [sflag:s13], $0x200  }
0x21: {  	[sflag:s13] =	ssyncset.done $0x0  }
0x22: {  	[sflag:s13] =	ssyncadd.s32 $0xFFFFFE00  }
0x23: {  	v2 =	vld [tilespmem:$0x0]  }
0x24: {  	v3 =	vld [tilespmem:$0x10];
	_ =	sdelay $0x2  }
0x25: {  	v4 =	vld [tilespmem:$0x110]  }
0x26: {  	v5 =	vld [tilespmem:$0x100];
	vm0 =	vge.s32 v2, v0;
	vm1 =	vlt.s32 v2, v1;
	v2 =	vsub.s32 v2, v0  }
0x27: {  	vm7 =	vge.s32 v3, v0;
	vm2 =	vlt.s32 v3, v1;
	vm0 =	vmand vm0, vm1  }
0x28: {  	v3 =	vsub.s32 v3, v0;
	vm1 =	vmand vm7, vm2;
	v2 =	vnsel vm0, $0x0, v2  }
0x29: {  	v3 =	vnsel vm1, $0x0, v3;
	[tilespmem:$0x200] =	vst v2  }
0x2a: {  	v2 =	vnsel vm1, $0x2710, v4;
	[tilespmem:$0x210] =	vst v3  }
0x2b: {  	[tilespmem:$0x310] =	vst v2;
	v2 =	vnsel vm0, $0x2710, v5  }
0x2c: {  	[tilespmem:$0x300] =	vst v2  }
0x2d: {  	[tilespmem:s16], [sflag:$0x1] =	stream.indirect.gather [spmem:s3], $0x80, s18, s17, $0xb8;
	v63 =	vld [tilespmem:$0x0]  }
0x2e: {  	_ =	swait.ge [sflag:s19], $0x1000  }
0x2f: {  	[sflag:s19] =	ssyncset.done $0x0  }
0x30: {  	[sflag:s19] =	ssyncadd.s32 $0xFFFFF000  }
0x31: {  	[spmem:s4] =	stream.indirect.scatter.add.f32 [tilespmem:s16], [sflag:$0x2], $0x80, s20, s17, $0xb8;
	v63 =	vld [tilespmem:$0x0]  }
0x32: {  	v2 =	vld [tilespmem:$0x20]  }
0x33: {  	v3 =	vld [tilespmem:$0x30];
	_ =	sdelay $0x2  }
0x34: {  	v4 =	vld [tilespmem:$0x120]  }
0x35: {  	v5 =	vld [tilespmem:$0x130];
	vm8 =	vge.s32 v2, v0;
	vm9 =	vlt.s32 v2, v1;
	v2 =	vsub.s32 v2, v0  }
0x36: {  	vm10 =	vge.s32 v3, v0;
	vm11 =	vlt.s32 v3, v1;
	vm0 =	vmand vm8, vm9  }
0x37: {  	v3 =	vsub.s32 v3, v0;
	vm1 =	vmand vm10, vm11;
	v2 =	vnsel vm0, $0x0, v2  }
0x38: {  	v3 =	vnsel vm1, $0x0, v3;
	[tilespmem:$0x280] =	vst v2  }
0x39: {  	v2 =	vnsel vm0, $0x2710, v4;
	[tilespmem:$0x290] =	vst v3  }
0x3a: {  	[tilespmem:$0x380] =	vst v2;
	v2 =	vnsel vm1, $0x2710, v5  }
0x3b: {  	[tilespmem:$0x390] =	vst v2  }
0x3c: {  	[tilespmem:s22], [sflag:$0x1] =	stream.indirect.gather [spmem:s3], $0x80, s21, s17, $0xb8;
	v63 =	vld [tilespmem:$0x0]  }
0x3d: {  	_ =	swait.ge [sflag:s19], $0x1000  }
0x3e: {  	[sflag:s19] =	ssyncset.done $0x0  }
0x3f: {  	[sflag:s19] =	ssyncadd.s32 $0xFFFFF000  }
0x40: {  	[spmem:s4] =	stream.indirect.scatter.add.f32 [tilespmem:s22], [sflag:$0x2], $0x80, s23, s17, $0xb8;
	v63 =	vld [tilespmem:$0x0]  }
0x41: {  	_ =	swait.ge [sflag:s24], $0x1000  }
0x42: {  	[sflag:s24] =	ssyncset.done $0x0  }
0x43: {  	[sflag:s24] =	ssyncadd.s32 $0xFFFFF000  }
0x44: {  	v2 =	vld [tilespmem:$0x40]  }
0x45: {  	v3 =	vld [tilespmem:$0x50];
	_ =	sdelay $0x2  }
0x46: {  	v4 =	vld [tilespmem:$0x140]  }
0x47: {  	v5 =	vld [tilespmem:$0x150];
	vm12 =	vge.s32 v2, v0;
	vm13 =	vlt.s32 v2, v1;
	v2 =	vsub.s32 v2, v0  }
0x48: {  	vm14 =	vge.s32 v3, v0;
	vm15 =	vlt.s32 v3, v1;
	vm0 =	vmand vm12, vm13  }
0x49: {  	v3 =	vsub.s32 v3, v0;
	vm1 =	vmand vm14, vm15;
	v2 =	vnsel vm0, $0x0, v2  }
0x4a: {  	[tilespmem:$0x200] =	vst v2;
	v2 =	vnsel vm1, $0x0, v3  }
0x4b: {  	v3 =	vnsel vm0, $0x2710, v4;
	[tilespmem:$0x210] =	vst v2  }
0x4c: {  	v2 =	vnsel vm1, $0x2710, v5;
	[tilespmem:$0x300] =	vst v3  }
0x4d: {  	[tilespmem:$0x310] =	vst v2  }
0x4e: {  	[tilespmem:s16], [sflag:$0x1] =	stream.indirect.gather [spmem:s3], $0x80, s18, s17, $0xb8;
	v63 =	vld [tilespmem:$0x0]  }
0x4f: {  	_ =	swait.ge [sflag:s19], $0x1000  }
0x50: {  	[sflag:s19] =	ssyncset.done $0x0  }
0x51: {  	[sflag:s19] =	ssyncadd.s32 $0xFFFFF000  }
0x52: {  	[spmem:s4] =	stream.indirect.scatter.add.f32 [tilespmem:s16], [sflag:$0x2], $0x80, s20, s17, $0xb8;
	v63 =	vld [tilespmem:$0x0]  }
0x53: {  	_ =	swait.ge [sflag:s24], $0x1000  }
0x54: {  	[sflag:s24] =	ssyncset.done $0x0  }
0x55: {  	[sflag:s24] =	ssyncadd.s32 $0xFFFFF000  }
0x56: {  	v2 =	vld [tilespmem:$0x60]  }
0x57: {  	v3 =	vld [tilespmem:$0x70];
	_ =	sdelay $0x2  }
0x58: {  	v4 =	vld [tilespmem:$0x160]  }
0x59: {  	v5 =	vld [tilespmem:$0x170];
	vm4 =	vge.s32 v2, v0;
	vm5 =	vlt.s32 v2, v1;
	v2 =	vsub.s32 v2, v0  }
0x5a: {  	vm6 =	vge.s32 v3, v0;
	vm7 =	vlt.s32 v3, v1;
	vm0 =	vmand vm4, vm5  }
0x5b: {  	v3 =	vsub.s32 v3, v0;
	vm1 =	vmand vm6, vm7;
	v2 =	vnsel vm0, $0x0, v2  }
0x5c: {  	[tilespmem:$0x280] =	vst v2;
	v2 =	vnsel vm1, $0x0, v3  }
0x5d: {  	v3 =	vnsel vm0, $0x2710, v4;
	[tilespmem:$0x290] =	vst v2  }
0x5e: {  	v2 =	vnsel vm1, $0x2710, v5;
	[tilespmem:$0x380] =	vst v3  }
0x5f: {  	[tilespmem:$0x390] =	vst v2  }
0x60: {  	[tilespmem:s22], [sflag:$0x1] =	stream.indirect.gather [spmem:s3], $0x80, s21, s17, $0xb8;
	v63 =	vld [tilespmem:$0x0]  }
0x61: {  	_ =	swait.ge [sflag:s19], $0x1000  }
0x62: {  	[sflag:s19] =	ssyncset.done $0x0  }
0x63: {  	[sflag:s19] =	ssyncadd.s32 $0xFFFFF000  }
0x64: {  	[spmem:s4] =	stream.indirect.scatter.add.f32 [tilespmem:s22], [sflag:$0x2], $0x80, s23, s17, $0xb8;
	v63 =	vld [tilespmem:$0x0]  }
0x65: {  	_ =	swait.ge [sflag:s24], $0x1000  }
0x66: {  	[sflag:s24] =	ssyncset.done $0x0  }
0x67: {  	[sflag:s24] =	ssyncadd.s32 $0xFFFFF000  }
0x68: {  	v2 =	vld [tilespmem:$0x80]  }
0x69: {  	v3 =	vld [tilespmem:$0x90];
	_ =	sdelay $0x2  }
0x6a: {  	v4 =	vld [tilespmem:$0x180]  }
0x6b: {  	v5 =	vld [tilespmem:$0x190];
	vm8 =	vge.s32 v2, v0;
	vm9 =	vlt.s32 v2, v1;
	v2 =	vsub.s32 v2, v0  }
0x6c: {  	vm10 =	vge.s32 v3, v0;
	vm11 =	vlt.s32 v3, v1;
	vm0 =	vmand vm8, vm9  }
0x6d: {  	v3 =	vsub.s32 v3, v0;
	vm1 =	vmand vm10, vm11;
	v2 =	vnsel vm0, $0x0, v2  }
0x6e: {  	v3 =	vnsel vm1, $0x0, v3;
	[tilespmem:$0x200] =	vst v2  }
0x6f: {  	v2 =	vnsel vm0, $0x2710, v4;
	[tilespmem:$0x210] =	vst v3  }
0x70: {  	[tilespmem:$0x300] =	vst v2;
	v2 =	vnsel vm1, $0x2710, v5  }
0x71: {  	[tilespmem:$0x310] =	vst v2  }
0x72: {  	[tilespmem:s16], [sflag:$0x1] =	stream.indirect.gather [spmem:s3], $0x80, s18, s17, $0xb8;
	v63 =	vld [tilespmem:$0x0]  }
0x73: {  	_ =	swait.ge [sflag:s19], $0x1000  }
0x74: {  	[sflag:s19] =	ssyncset.done $0x0  }
0x75: {  	[sflag:s19] =	ssyncadd.s32 $0xFFFFF000  }
0x76: {  	[spmem:s4] =	stream.indirect.scatter.add.f32 [tilespmem:s16], [sflag:$0x2], $0x80, s20, s17, $0xb8;
	v63 =	vld [tilespmem:$0x0]  }
0x77: {  	_ =	swait.ge [sflag:s24], $0x1000  }
0x78: {  	[sflag:s24] =	ssyncset.done $0x0  }
0x79: {  	[sflag:s24] =	ssyncadd.s32 $0xFFFFF000  }
0x7a: {  	v2 =	vld [tilespmem:$0xA0]  }
0x7b: {  	v3 =	vld [tilespmem:$0xB0];
	_ =	sdelay $0x2  }
0x7c: {  	v4 =	vld [tilespmem:$0x1A0]  }
0x7d: {  	v5 =	vld [tilespmem:$0x1B0];
	vm12 =	vge.s32 v2, v0;
	vm13 =	vlt.s32 v2, v1;
	v2 =	vsub.s32 v2, v0  }
0x7e: {  	vm14 =	vge.s32 v3, v0;
	vm15 =	vlt.s32 v3, v1;
	vm0 =	vmand vm12, vm13  }
0x7f: {  	v3 =	vsub.s32 v3, v0;
	vm1 =	vmand vm14, vm15;
	v2 =	vnsel vm0, $0x0, v2  }
0x80: {  	[tilespmem:$0x280] =	vst v2;
	v2 =	vnsel vm1, $0x0, v3  }
0x81: {  	v3 =	vnsel vm0, $0x2710, v4;
	[tilespmem:$0x290] =	vst v2  }
0x82: {  	v2 =	vnsel vm1, $0x2710, v5;
	[tilespmem:$0x380] =	vst v3  }
0x83: {  	[tilespmem:$0x390] =	vst v2  }
0x84: {  	[tilespmem:s22], [sflag:$0x1] =	stream.indirect.gather [spmem:s3], $0x80, s21, s17, $0xb8;
	v63 =	vld [tilespmem:$0x0]  }
0x85: {  	_ =	swait.ge [sflag:s19], $0x1000  }
0x86: {  	[sflag:s19] =	ssyncset.done $0x0  }
0x87: {  	[sflag:s19] =	ssyncadd.s32 $0xFFFFF000  }
0x88: {  	[spmem:s4] =	stream.indirect.scatter.add.f32 [tilespmem:s22], [sflag:$0x2], $0x80, s23, s17, $0xb8;
	v63 =	vld [tilespmem:$0x0]  }
0x89: {  	_ =	swait.ge [sflag:s24], $0x1000  }
0x8a: {  	[sflag:s24] =	ssyncset.done $0x0  }
0x8b: {  	[sflag:s24] =	ssyncadd.s32 $0xFFFFF000  }
0x8c: {  	v5 =	vld [tilespmem:$0xC0]  }
0x8d: {  	v4 =	vld [tilespmem:$0xD0]  }
0x8e: {  	v2 =	vld [tilespmem:$0x1C0]  }
0x8f: {  	s28 =	simm.s32 $0x0;
	s26 =	simm.s32 $0x200;
	v3 =	vld [tilespmem:$0x1D0]  }
.LBB2_2:
0x90: {  	p0 =	sne.s32 s26, $0x9E00  }
0x91: {  	s28 =	sadd.s32 $0x80, s28;
	s29 =	smov.u32 s26;
	s26 =	sadd.s32 $0x200, s26  }
0x92: {  	vm0 =	vge.s32 v5, v0;
	vm1 =	vlt.s32 v5, v1;
	v5 =	vsub.s32 v5, v0  }
0x93: {  	vm0 =	vmand vm0, vm1;
	vm1 =	vge.s32 v4, v0;
	vm2 =	vlt.s32 v4, v1  }
0x94: {  	v4 =	vsub.s32 v4, v0;
	v5 =	vnsel vm0, $0x0, v5;
	vm1 =	vmand vm1, vm2  }
0x95: {  	v2 =	vnsel vm0, $0x2710, v2;
	[tilespmem:$0x200] =	vst v5;
	v4 =	vnsel vm1, $0x0, v4;
	v3 =	vnsel vm1, $0x2710, v3  }
0x96: {  	[tilespmem:$0x210] =	vst v4  }
0x97: {  	[tilespmem:$0x300] =	vst v2;
	_ =	sdelay $0x1  }
0x98: {  	[tilespmem:$0x310] =	vst v3  }
0x99: {  	[tilespmem:s16], [sflag:$0x1] =	stream.indirect.gather [spmem:s3], $0x80, s18, s17, $0xb8;
	v63 =	vld [tilespmem:$0x0]  }
0x9a: {  	_ =	swait.ge [sflag:s19], $0x1000  }
0x9b: {  	[sflag:s19] =	ssyncset.done $0x0  }
0x9c: {  	[sflag:s19] =	ssyncadd.s32 $0xFFFFF000  }
0x9d: {  	[spmem:s4] =	stream.indirect.scatter.add.f32 [tilespmem:s16], [sflag:$0x2], $0x80, s20, s17, $0xb8;
	v63 =	vld [tilespmem:$0x0]  }
0x9e: {  	_ =	swait.ge [sflag:s24], $0x1000  }
0x9f: {  	[sflag:s24] =	ssyncset.done $0x0  }
0xa0: {  	[sflag:s24] =	ssyncadd.s32 $0xFFFFF000  }
0xa1: {  	v2 =	vld [tilespmem:$0xE0]  }
0xa2: {  	v3 =	vld [tilespmem:$0xF0]  }
0xa3: {  	v4 =	vld [tilespmem:$0x1F0]  }
0xa4: {  	v5 =	vld [tilespmem:$0x1E0];
	_ =	sdelay $0x1  }
0xa5: {  	s29 =	sand.u32 $0xF000, s29;
	vm0 =	vge.s32 v2, v0;
	vm1 =	vlt.s32 v2, v1;
	v2 =	vsub.s32 v2, v0  }
0xa6: {  	s30 =	sand.u32 $0x380, s28;
	s29 =	sadd.s32 s9, s29;
	vm0 =	vmand vm0, vm1;
	vm1 =	vge.s32 v3, v0;
	vm2 =	vlt.s32 v3, v1  }
0xa7: {  	v3 =	vsub.s32 v3, v0;
	v2 =	vnsel vm0, $0x0, v2;
	vm1 =	vmand vm1, vm2  }
0xa8: {  	s29 =	sor.u32 s30, s29;
	[tilespmem:$0x280] =	vst v2;
	v2 =	vnsel vm0, $0x2710, v5;
	v3 =	vnsel vm1, $0x0, v3;
	v4 =	vnsel vm1, $0x2710, v4  }
0xa9: {  	s29 =	sshrl.u32 s29, $0x3;
	[tilespmem:$0x380] =	vst v2  }
0xaa: {  	s29 =	sadd.s32 s1, s29;
	[tilespmem:$0x290] =	vst v3  }
0xab: {  	[tilespmem:$0x390] =	vst v4  }
0xac: {  	[tilespmem:s22], [sflag:$0x1] =	stream.indirect.gather [spmem:s3], $0x80, s21, s17, $0xb8;
	v63 =	vld [tilespmem:$0x0]  }
0xad: {  	_ =	swait.ge [sflag:s19], $0x1000  }
0xae: {  	[sflag:s19] =	ssyncset.done $0x0  }
0xaf: {  	[sflag:s19] =	ssyncadd.s32 $0xFFFFF000  }
0xb0: {  	[spmem:s4] =	stream.indirect.scatter.add.f32 [tilespmem:s22], [sflag:$0x2], $0x80, s23, s17, $0xb8;
	v63 =	vld [tilespmem:$0x0]  }
0xb1: {  	_ =	swait.ge [sflag:s24], $0x1000  }
0xb2: {  	[sflag:s24] =	ssyncset.done $0x0  }
0xb3: {  	[sflag:s24] =	ssyncadd.s32 $0xFFFFF000  }
0xb4: {  	_ =	swait.ge [sflag:s24], $0x1000  }
0xb5: {  	[sflag:s24] =	ssyncset.done $0x0  }
0xb6: {  	[sflag:s24] =	ssyncadd.s32 $0xFFFFF000  }
0xb7: {  	[tilespmem:s5], [sflag:$0x3] =	stream.strided.gather [hbm4b:s29+s15], $0x200, s16, s15, $0x38;
	v63 =	vld [tilespmem:$0x0]  }
0xb8: {  	_ =	swait.ge [sflag:s13], $0x200  }
0xb9: {  	[sflag:s13] =	ssyncset.done $0x0  }
0xba: {  	[sflag:s13] =	ssyncadd.s32 $0xFFFFFE00  }
0xbb: {  	v2 =	vld [tilespmem:$0x0]  }
0xbc: {  	v3 =	vld [tilespmem:$0x10]  }
0xbd: {  	v4 =	vld [tilespmem:$0x100]  }
0xbe: {  	v5 =	vld [tilespmem:$0x110];
	_ =	sdelay $0x1  }
0xbf: {  	vm0 =	vge.s32 v2, v0;
	vm1 =	vlt.s32 v2, v1;
	v2 =	vsub.s32 v2, v0  }
0xc0: {  	vm0 =	vmand vm0, vm1;
	vm1 =	vge.s32 v3, v0;
	vm2 =	vlt.s32 v3, v1  }
0xc1: {  	v3 =	vsub.s32 v3, v0;
	v2 =	vnsel vm0, $0x0, v2;
	vm1 =	vmand vm1, vm2  }
0xc2: {  	[tilespmem:$0x200] =	vst v2;
	v2 =	vnsel vm0, $0x2710, v4;
	v3 =	vnsel vm1, $0x0, v3;
	v4 =	vnsel vm1, $0x2710, v5  }
0xc3: {  	[tilespmem:$0x310] =	vst v4  }
0xc4: {  	[tilespmem:$0x210] =	vst v3  }
0xc5: {  	[tilespmem:$0x300] =	vst v2  }
0xc6: {  	[tilespmem:s16], [sflag:$0x1] =	stream.indirect.gather [spmem:s3], $0x80, s18, s17, $0xb8;
	v63 =	vld [tilespmem:$0x0]  }
0xc7: {  	_ =	swait.ge [sflag:s19], $0x1000  }
0xc8: {  	[sflag:s19] =	ssyncset.done $0x0  }
0xc9: {  	[sflag:s19] =	ssyncadd.s32 $0xFFFFF000  }
0xca: {  	[spmem:s4] =	stream.indirect.scatter.add.f32 [tilespmem:s16], [sflag:$0x2], $0x80, s20, s17, $0xb8;
	v63 =	vld [tilespmem:$0x0]  }
0xcb: {  	v2 =	vld [tilespmem:$0x20]  }
0xcc: {  	v3 =	vld [tilespmem:$0x30]  }
0xcd: {  	v4 =	vld [tilespmem:$0x130]  }
0xce: {  	v5 =	vld [tilespmem:$0x120];
	_ =	sdelay $0x1  }
0xcf: {  	vm0 =	vge.s32 v2, v0;
	vm1 =	vlt.s32 v2, v1;
	v2 =	vsub.s32 v2, v0  }
0xd0: {  	vm0 =	vmand vm0, vm1;
	vm1 =	vge.s32 v3, v0;
	vm2 =	vlt.s32 v3, v1  }
0xd1: {  	v3 =	vsub.s32 v3, v0;
	v2 =	vnsel vm0, $0x0, v2;
	vm1 =	vmand vm1, vm2  }
0xd2: {  	[tilespmem:$0x280] =	vst v2;
	v2 =	vnsel vm0, $0x2710, v5;
	v3 =	vnsel vm1, $0x0, v3;
	v4 =	vnsel vm1, $0x2710, v4  }
0xd3: {  	[tilespmem:$0x380] =	vst v2  }
0xd4: {  	[tilespmem:$0x290] =	vst v3  }
0xd5: {  	[tilespmem:$0x390] =	vst v4  }
0xd6: {  	[tilespmem:s22], [sflag:$0x1] =	stream.indirect.gather [spmem:s3], $0x80, s21, s17, $0xb8;
	v63 =	vld [tilespmem:$0x0]  }
0xd7: {  	_ =	swait.ge [sflag:s19], $0x1000  }
0xd8: {  	[sflag:s19] =	ssyncset.done $0x0  }
0xd9: {  	[sflag:s19] =	ssyncadd.s32 $0xFFFFF000  }
0xda: {  	[spmem:s4] =	stream.indirect.scatter.add.f32 [tilespmem:s22], [sflag:$0x2], $0x80, s23, s17, $0xb8;
	v63 =	vld [tilespmem:$0x0]  }
0xdb: {  	_ =	swait.ge [sflag:s24], $0x1000  }
0xdc: {  	[sflag:s24] =	ssyncset.done $0x0  }
0xdd: {  	[sflag:s24] =	ssyncadd.s32 $0xFFFFF000  }
0xde: {  	v2 =	vld [tilespmem:$0x40]  }
0xdf: {  	v3 =	vld [tilespmem:$0x50]  }
0xe0: {  	v4 =	vld [tilespmem:$0x150]  }
0xe1: {  	v5 =	vld [tilespmem:$0x140];
	_ =	sdelay $0x1  }
0xe2: {  	vm0 =	vge.s32 v2, v0;
	vm1 =	vlt.s32 v2, v1;
	v2 =	vsub.s32 v2, v0  }
0xe3: {  	vm0 =	vmand vm0, vm1;
	vm1 =	vge.s32 v3, v0;
	vm2 =	vlt.s32 v3, v1  }
0xe4: {  	v3 =	vsub.s32 v3, v0;
	v2 =	vnsel vm0, $0x0, v2;
	vm1 =	vmand vm1, vm2  }
0xe5: {  	[tilespmem:$0x200] =	vst v2;
	v2 =	vnsel vm0, $0x2710, v5;
	v3 =	vnsel vm1, $0x0, v3;
	v4 =	vnsel vm1, $0x2710, v4  }
0xe6: {  	[tilespmem:$0x210] =	vst v3  }
0xe7: {  	[tilespmem:$0x300] =	vst v2  }
0xe8: {  	[tilespmem:$0x310] =	vst v4  }
0xe9: {  	[tilespmem:s16], [sflag:$0x1] =	stream.indirect.gather [spmem:s3], $0x80, s18, s17, $0xb8;
	v63 =	vld [tilespmem:$0x0]  }
0xea: {  	_ =	swait.ge [sflag:s19], $0x1000  }
0xeb: {  	[sflag:s19] =	ssyncset.done $0x0  }
0xec: {  	[sflag:s19] =	ssyncadd.s32 $0xFFFFF000  }
0xed: {  	[spmem:s4] =	stream.indirect.scatter.add.f32 [tilespmem:s16], [sflag:$0x2], $0x80, s20, s17, $0xb8;
	v63 =	vld [tilespmem:$0x0]  }
0xee: {  	_ =	swait.ge [sflag:s24], $0x1000  }
0xef: {  	[sflag:s24] =	ssyncset.done $0x0  }
0xf0: {  	[sflag:s24] =	ssyncadd.s32 $0xFFFFF000  }
0xf1: {  	v2 =	vld [tilespmem:$0x60]  }
0xf2: {  	v3 =	vld [tilespmem:$0x70]  }
0xf3: {  	v4 =	vld [tilespmem:$0x170]  }
0xf4: {  	v5 =	vld [tilespmem:$0x160];
	_ =	sdelay $0x1  }
0xf5: {  	vm0 =	vge.s32 v2, v0;
	vm1 =	vlt.s32 v2, v1;
	v2 =	vsub.s32 v2, v0  }
0xf6: {  	vm0 =	vmand vm0, vm1;
	vm1 =	vge.s32 v3, v0;
	vm2 =	vlt.s32 v3, v1  }
0xf7: {  	v3 =	vsub.s32 v3, v0;
	v2 =	vnsel vm0, $0x0, v2;
	vm1 =	vmand vm1, vm2  }
0xf8: {  	[tilespmem:$0x280] =	vst v2;
	v2 =	vnsel vm0, $0x2710, v5;
	v3 =	vnsel vm1, $0x0, v3;
	v4 =	vnsel vm1, $0x2710, v4  }
0xf9: {  	[tilespmem:$0x290] =	vst v3  }
0xfa: {  	[tilespmem:$0x380] =	vst v2  }
0xfb: {  	[tilespmem:$0x390] =	vst v4  }
0xfc: {  	[tilespmem:s22], [sflag:$0x1] =	stream.indirect.gather [spmem:s3], $0x80, s21, s17, $0xb8;
	v63 =	vld [tilespmem:$0x0]  }
0xfd: {  	_ =	swait.ge [sflag:s19], $0x1000  }
0xfe: {  	[sflag:s19] =	ssyncset.done $0x0  }
0xff: {  	[sflag:s19] =	ssyncadd.s32 $0xFFFFF000  }
0x100: {  	[spmem:s4] =	stream.indirect.scatter.add.f32 [tilespmem:s22], [sflag:$0x2], $0x80, s23, s17, $0xb8;
	v63 =	vld [tilespmem:$0x0]  }
0x101: {  	_ =	swait.ge [sflag:s24], $0x1000  }
0x102: {  	[sflag:s24] =	ssyncset.done $0x0  }
0x103: {  	[sflag:s24] =	ssyncadd.s32 $0xFFFFF000  }
0x104: {  	v2 =	vld [tilespmem:$0x80]  }
0x105: {  	v3 =	vld [tilespmem:$0x90]  }
0x106: {  	v4 =	vld [tilespmem:$0x190]  }
0x107: {  	v5 =	vld [tilespmem:$0x180];
	_ =	sdelay $0x1  }
0x108: {  	vm0 =	vge.s32 v2, v0;
	vm1 =	vlt.s32 v2, v1;
	v2 =	vsub.s32 v2, v0  }
0x109: {  	vm0 =	vmand vm0, vm1;
	vm1 =	vge.s32 v3, v0;
	vm2 =	vlt.s32 v3, v1  }
0x10a: {  	v3 =	vsub.s32 v3, v0;
	v2 =	vnsel vm0, $0x0, v2;
	vm1 =	vmand vm1, vm2  }
0x10b: {  	[tilespmem:$0x200] =	vst v2;
	v2 =	vnsel vm0, $0x2710, v5;
	v3 =	vnsel vm1, $0x0, v3;
	v4 =	vnsel vm1, $0x2710, v4  }
0x10c: {  	[tilespmem:$0x300] =	vst v2  }
0x10d: {  	[tilespmem:$0x210] =	vst v3  }
0x10e: {  	[tilespmem:$0x310] =	vst v4  }
0x10f: {  	[tilespmem:s16], [sflag:$0x1] =	stream.indirect.gather [spmem:s3], $0x80, s18, s17, $0xb8;
	v63 =	vld [tilespmem:$0x0]  }
0x110: {  	_ =	swait.ge [sflag:s19], $0x1000  }
0x111: {  	[sflag:s19] =	ssyncset.done $0x0  }
0x112: {  	[sflag:s19] =	ssyncadd.s32 $0xFFFFF000  }
0x113: {  	[spmem:s4] =	stream.indirect.scatter.add.f32 [tilespmem:s16], [sflag:$0x2], $0x80, s20, s17, $0xb8;
	v63 =	vld [tilespmem:$0x0]  }
0x114: {  	_ =	swait.ge [sflag:s24], $0x1000  }
0x115: {  	[sflag:s24] =	ssyncset.done $0x0  }
0x116: {  	[sflag:s24] =	ssyncadd.s32 $0xFFFFF000  }
0x117: {  	v2 =	vld [tilespmem:$0xA0]  }
0x118: {  	v3 =	vld [tilespmem:$0xB0]  }
0x119: {  	v4 =	vld [tilespmem:$0x1B0]  }
0x11a: {  	v5 =	vld [tilespmem:$0x1A0];
	_ =	sdelay $0x1  }
0x11b: {  	vm0 =	vge.s32 v2, v0;
	vm1 =	vlt.s32 v2, v1;
	v2 =	vsub.s32 v2, v0  }
0x11c: {  	vm0 =	vmand vm0, vm1;
	vm1 =	vge.s32 v3, v0;
	vm2 =	vlt.s32 v3, v1  }
0x11d: {  	v3 =	vsub.s32 v3, v0;
	v2 =	vnsel vm0, $0x0, v2;
	vm1 =	vmand vm1, vm2  }
0x11e: {  	[tilespmem:$0x280] =	vst v2;
	v2 =	vnsel vm0, $0x2710, v5;
	v3 =	vnsel vm1, $0x0, v3;
	v4 =	vnsel vm1, $0x2710, v4  }
0x11f: {  	[tilespmem:$0x290] =	vst v3  }
0x120: {  	[tilespmem:$0x380] =	vst v2;
	_ =	sdelay $0x1  }
0x121: {  	[tilespmem:$0x390] =	vst v4  }
0x122: {  	[tilespmem:s22], [sflag:$0x1] =	stream.indirect.gather [spmem:s3], $0x80, s21, s17, $0xb8;
	v63 =	vld [tilespmem:$0x0]  }
0x123: {  	_ =	swait.ge [sflag:s19], $0x1000  }
0x124: {  	[sflag:s19] =	ssyncset.done $0x0  }
0x125: {  	[sflag:s19] =	ssyncadd.s32 $0xFFFFF000  }
0x126: {  	[spmem:s4] =	stream.indirect.scatter.add.f32 [tilespmem:s22], [sflag:$0x2], $0x80, s23, s17, $0xb8;
	v63 =	vld [tilespmem:$0x0]  }
0x127: {  	_ =	swait.ge [sflag:s24], $0x1000  }
0x128: {  	[sflag:s24] =	ssyncset.done $0x0  }
.Ltmp0:
0x129: {  	[sflag:s24] =	ssyncadd.s32 $0xFFFFF000;
	(pc) =	sbr.rel @p0 .LBB2_2-.Ltmp0, $4  }
0x12a: {  	v5 =	vld [tilespmem:$0xC0]  }
0x12b: {  	v4 =	vld [tilespmem:$0xD0]  }
0x12c: {  	v2 =	vld [tilespmem:$0x1C0]  }
0x12d: {  	v3 =	vld [tilespmem:$0x1D0]  }
0x12e: {  	_ = 	snop  }
0x12f: {  	vm0 =	vge.s32 v5, v0;
	vm1 =	vlt.s32 v5, v1  }
0x130: {  	v59 =	vsub.s32 v5, v0;
	vm0 =	vmand vm0, vm1  }
0x131: {  	vm11 =	vge.s32 v4, v0;
	vm2 =	vlt.s32 v4, v1;
	v5 =	vnsel vm0, $0x0, v59  }
0x132: {  	v60 =	vsub.s32 v4, v0;
	vm1 =	vmand vm11, vm2;
	v2 =	vnsel vm0, $0x2710, v2;
	[tilespmem:$0x200] =	vst v5  }
0x133: {  	v4 =	vnsel vm1, $0x0, v60;
	[tilespmem:$0x300] =	vst v2  }
0x134: {  	v3 =	vnsel vm1, $0x2710, v3;
	[tilespmem:$0x210] =	vst v4  }
0x135: {  	[tilespmem:$0x310] =	vst v3  }
0x136: {  	[tilespmem:s16], [sflag:$0x1] =	stream.indirect.gather [spmem:s3], $0x80, s18, s17, $0xb8;
	v63 =	vld [tilespmem:$0x0]  }
0x137: {  	_ =	swait.ge [sflag:s19], $0x1000  }
0x138: {  	[sflag:s19] =	ssyncset.done $0x0  }
0x139: {  	[sflag:s19] =	ssyncadd.s32 $0xFFFFF000  }
0x13a: {  	[spmem:s4] =	stream.indirect.scatter.add.f32 [tilespmem:s16], [sflag:$0x2], $0x80, s20, s17, $0xb8;
	v63 =	vld [tilespmem:$0x0]  }
0x13b: {  	_ =	swait.ge [sflag:s24], $0x1000  }
0x13c: {  	[sflag:s24] =	ssyncset.done $0x0  }
0x13d: {  	[sflag:s24] =	ssyncadd.s32 $0xFFFFF000  }
0x13e: {  	v2 =	vld [tilespmem:$0xE0]  }
0x13f: {  	v3 =	vld [tilespmem:$0xF0];
	_ =	sdelay $0x2  }
0x140: {  	v61 =	vld [tilespmem:$0x1E0]  }
0x141: {  	v62 =	vld [tilespmem:$0x1F0];
	vm12 =	vge.s32 v2, v0;
	vm13 =	vlt.s32 v2, v1;
	v2 =	vsub.s32 v2, v0  }
0x142: {  	vm14 =	vge.s32 v3, v0;
	vm15 =	vlt.s32 v3, v1;
	vm0 =	vmand vm12, vm13  }
0x143: {  	v3 =	vsub.s32 v3, v0;
	vm1 =	vmand vm14, vm15;
	v2 =	vnsel vm0, $0x0, v2  }
0x144: {  	v3 =	vnsel vm1, $0x0, v3;
	[tilespmem:$0x280] =	vst v2  }
0x145: {  	v2 =	vnsel vm0, $0x2710, v61;
	[tilespmem:$0x290] =	vst v3  }
0x146: {  	[tilespmem:$0x380] =	vst v2;
	v2 =	vnsel vm1, $0x2710, v62  }
0x147: {  	[tilespmem:$0x390] =	vst v2  }
0x148: {  	[tilespmem:s22], [sflag:$0x1] =	stream.indirect.gather [spmem:s3], $0x80, s21, s17, $0xb8;
	v63 =	vld [tilespmem:$0x0]  }
0x149: {  	_ =	swait.ge [sflag:s19], $0x1000  }
0x14a: {  	[sflag:s19] =	ssyncset.done $0x0  }
0x14b: {  	[sflag:s19] =	ssyncadd.s32 $0xFFFFF000  }
0x14c: {  	[spmem:s4] =	stream.indirect.scatter.add.f32 [tilespmem:s22], [sflag:$0x2], $0x80, s23, s17, $0xb8;
	v63 =	vld [tilespmem:$0x0]  }
0x14d: {  	_ =	swait.ge [sflag:s24], $0x1000  }
0x14e: {  	[sflag:s24] =	ssyncset.done $0x0  }
0x14f: {  	[sflag:s24] =	ssyncadd.s32 $0xFFFFF000  }
0x150: {  	_ =	swait.ge [sflag:s24], $0x1000  }
0x151: {  	s25 =	sadd.s32 $0x1, s25;
	[sflag:s24] =	ssyncset.done $0x0  }
0x152: {  	p0 =	sne.s32 s25, s11;
	[sflag:s24] =	ssyncadd.s32 $0xFFFFF000  }
.Ltmp1:
0x153: {  	[bflag:$0x0] =	sbarrier.arrive $0xFFFF;
	(pc) =	sbr.rel @p0 .LBB2_1-.Ltmp1, $4  }
0x154: {  	[hbm:s10], [sflag:s7] =	dma.local [spmem:s12], $0x2780  }
0x155: {  	_ =	swait.ge [sflag:s13], $0x2780  }
0x156: {  	[sflag:s13] =	ssyncset.done $0x0  }
0x157: {  	[sflag:s13] =	ssyncadd.s32 $0xFFFFD880  }
0x158: {  	_ =	sfence.sel $0x180000  }
0x159: {  	[bflag:$0x0] =	sbarrier.arrive $0xFFFF  }
0x15a: {  	p0 =	sne.s32 s0, $0x0;
	_ =	strace $0x9000004D  }
0x15b: {  	s0 =	sadd.s32 @!p0 $0x100000, s2;
	[bflag:$0x2] =	sbarrier.arrive $0xFFFF  }
0x15c: {  	[sflag:s0] =	ssyncadd.tile.s32 @!p0 $0x1;
	_ =	shalt  }
.Lfunc_end2:
_tile_overlayer_lowered:
.L_overlay_start_2:
0x15d: {  	(tag) =	ssettag $0x2  }
0x15e: {  	s0 =	rddreg [dreg:$0x0];
	s2 =	stileid.u32  }
0x15f: {  	s1 =	rddreg [dreg:$0x1];
	p0 =	sne.s32 s2, $0x0  }
0x160: {  	s3 =	rddreg [dreg:$0x2];
	[bflag:$0x3] =	sbarrier.arrive $0xFFFF;
	s2 =	simm.s32 @!p0 $0x1C03  }
0x161: {  	[timem:s3], [sflag:s2] =	dma.local @!p0 [hbm:s0], s1  }
0x162: {  	s0 =	simm.s32 @!p0 $0x3  }
0x163: {  	_ =	swait.ge @!p0 [sflag:s0], s1  }
0x164: {  	s1 =	ssub.s32 @!p0 $0x0, s1;
	[sflag:s0] =	ssyncset.done @!p0 $0x0  }
0x165: {  	[sflag:s0] =	ssyncadd.s32 @!p0 s1  }
0x166: {  	[bflag:$0x3] =	sbarrier.arrive $0xFFFF  }
0x167: {  	_ =	shalt  }

// kernel: kernel.8.cloned.1.call-start
scs
__scs_entry_jumppad:
0x0: {  	(pc) =	sbr.rel $0x88, $3  }
0x1: {  	(tag) =	ssettag $0x0;
	lr =	simm.s32 $0x1  }
0x2: {  	[smem:$0x3F9B] =	sst lr;
	_ =	strace $0xD0000000  }
0x3: {  	_ = 	snop  }
0x4: {  	_ = 	snop  }
0x5: {  	_ = 	snop  }
0x6: {  	_ = 	snop  }
0x7: {  	_ = 	snop  }
__scs_overlays_trampoline_lowered:
0x8: {  	[smem:$0x3FAA] =	sst s0  }
0x9: {  	[smem:$0x3FAB] =	sst s1  }
0xa: {  	[smem:$0x3FAC] =	sst s2  }
0xb: {  	[smem:$0x3FAD] =	sst s3  }
0xc: {  	[smem:$0x3FAE] =	sst s4  }
0xd: {  	[smem:$0x3FAF] =	sst s5  }
0xe: {  	[smem:$0x3FB0] =	sst s6  }
0xf: {  	[smem:$0x3FB1] =	sst s7  }
0x10: {  	[smem:$0x3FB2] =	sst s8  }
0x11: {  	[smem:$0x3FB3] =	sst s9;
	s0 =	simm.s32 @!p0 $0x0  }
0x12: {  	s1 =	sld [smem:$0x3F99];
	s0 =	simm.s32 @p0 $0x1  }
0x13: {  	[smem:$0x3FB4] =	sst s0;
	s0 =	simm.s32 @!p1 $0x0  }
0x14: {  	s2 =	sld [smem:$0x3F98];
	s0 =	simm.s32 @p1 $0x1  }
0x15: {  	[smem:$0x3FB5] =	sst s0;
	s0 =	simm.s32 @!p2 $0x0  }
0x16: {  	s3 =	sld [smem:$0x3FDB];
	s0 =	simm.s32 @p2 $0x1  }
0x17: {  	s4 =	simm.s32 $0x1BF5;
	[smem:$0x3FB7] =	sst s0  }
0x18: {  	s0 =	sld [smem:$0x3F9A];
	_ =	swait.ge [sflag:s4], $0x0  }
0x19: {  	s7 =	sld [smem:$0x3F9B]  }
0x1a: {  	s8 =	sadd.s32 $0xFFFFE003, lr  }
0x1b: {  	s9 =	sadd.s32 $0xFFFFFEF7, lr;
	s5 =	simm.s32 $0xFFFFFFFF;
	p2 =	slt.u32 s8, $0xFFFFF086  }
0x1c: {  	p1 =	slt.u32 s9, $0xF7A;
	s5 =	simm.s32 @!p2 $0x0  }
0x1d: {  	s5 =	simm.s32 @p1 $0x1;
	p0 =	seq.s32 s7, s2  }
0x1e: {  	s7 =	smul.u32 @!p0 $0xF7A, s2;
	p2 =	seq.s32 @!p0 s5, $0x0  }
0x1f: {  	s9 =	smul.u32 $0xF7A, s1;
	s8 =	simm.s32 @!p0 $0x1BF5;
	p2 =	por !p2, p0  }
0x20: {  	[sflag:s8] =	ssyncset.s32 @!p0 $0xFFFFF086;
	s6 =	sadd.s32 @!p0 s3, s7;
	s7 =	simm.s32 @!p0 $0x108  }
0x21: {  	s3 =	sadd.s32 s3, s9;
	s6 =	sadd.s32 @!p0 $0x88, s6;
	s7 =	simm.s32 @p2 $0x1082  }
0x22: {  	[simem:s7], [sflag:s8] =	dma.local @!p0 [hbm:s6], $0xF7A  }
0x23: {  	s9 =	sor.u32 $0xD0000000, s2;
	s6 =	simm.s32 $0x108;
	_ =	swait.ge @!p0 [sflag:s8], $0x0  }
0x24: {  	s3 =	sadd.s32 $0x88, s3;
	s6 =	simm.s32 @!p1 $0x1082;
	[sflag:s4] =	ssyncset.s32 $0xFFFFF086  }
0x25: {  	[simem:s6], [sflag:s4] =	dma.local [hbm:s3], $0xF7A  }
0x26: {  	[smem:$0x3F9B] =	sst s1;
	(tag) =	ssettag s2;
	_ =	strace s9  }
0x27: {  	s1 =	sld [smem:$0x3FAB]  }
0x28: {  	s2 =	sld [smem:$0x3FAC]  }
0x29: {  	s4 =	sld [smem:$0x3FAE]  }
0x2a: {  	p0 =	seq.s32 s5, $0x0;
	s5 =	sld [smem:$0x3FAF]  }
0x2b: {  	s6 =	sld [smem:$0x3FB0]  }
0x2c: {  	s7 =	sld [smem:$0x3FB1]  }
0x2d: {  	s3 =	simm.s32 $0x108;
	s8 =	sld [smem:$0x3FB2]  }
0x2e: {  	s3 =	simm.s32 @!p0 $0x1082;
	s9 =	sld [smem:$0x3FB3]  }
0x2f: {  	lr =	sadd.s32 s0, s3;
	s0 =	sld [smem:$0x3FAA]  }
0x30: {  	s3 =	sld [smem:$0x3FAD]  }
0x31: {  	[smem:$0x3FB6] =	sst s10  }
0x32: {  	s10 =	sld [smem:$0x3FB4];
	_ =	sdelay $0x3  }
0x33: {  	p0 =	seq.s32 s10, $0x1;
	s10 =	sld [smem:$0x3FB6];
	_ =	sdelay $0x3  }
0x34: {  	[smem:$0x3FB6] =	sst s10  }
0x35: {  	s10 =	sld [smem:$0x3FB5];
	_ =	sdelay $0x3  }
0x36: {  	p1 =	seq.s32 s10, $0x1;
	s10 =	sld [smem:$0x3FB6];
	_ =	sdelay $0x3  }
0x37: {  	[smem:$0x3FB6] =	sst s10  }
0x38: {  	s10 =	sld [smem:$0x3FB7]  }
0x39: {  	_ = 	snop;
	(pc) =	sbr.ind lr, $3  }
0x3a: {  	_ = 	snop  }
0x3b: {  	_ = 	snop  }
0x3c: {  	p2 =	seq.s32 s10, $0x1;
	s10 =	sld [smem:$0x3FB6]  }
0x3d: {  	_ =	shalt  }
0x3e: {  	_ =	shalt  }
0x3f: {  	_ =	shalt  }
0x40: {  	_ =	shalt  }
0x41: {  	_ =	shalt  }
0x42: {  	_ =	shalt  }
0x43: {  	_ =	shalt  }
0x44: {  	_ =	shalt  }
0x45: {  	_ =	shalt  }
0x46: {  	_ =	shalt  }
0x47: {  	_ =	shalt  }
0x48: {  	_ =	shalt  }
0x49: {  	_ =	shalt  }
0x4a: {  	_ =	shalt  }
0x4b: {  	_ =	shalt  }
0x4c: {  	_ =	shalt  }
0x4d: {  	_ =	shalt  }
0x4e: {  	_ =	shalt  }
0x4f: {  	_ =	shalt  }
0x50: {  	_ =	shalt  }
0x51: {  	_ =	shalt  }
0x52: {  	_ =	shalt  }
0x53: {  	_ =	shalt  }
0x54: {  	_ =	shalt  }
0x55: {  	_ =	shalt  }
0x56: {  	_ =	shalt  }
0x57: {  	_ =	shalt  }
0x58: {  	_ =	shalt  }
0x59: {  	_ =	shalt  }
0x5a: {  	_ =	shalt  }
0x5b: {  	_ =	shalt  }
0x5c: {  	_ =	shalt  }
0x5d: {  	_ =	shalt  }
0x5e: {  	_ =	shalt  }
0x5f: {  	_ =	shalt  }
0x60: {  	_ =	shalt  }
0x61: {  	_ =	shalt  }
0x62: {  	_ =	shalt  }
0x63: {  	_ =	shalt  }
0x64: {  	_ =	shalt  }
0x65: {  	_ =	shalt  }
0x66: {  	_ =	shalt  }
0x67: {  	_ =	shalt  }
0x68: {  	_ =	shalt  }
0x69: {  	_ =	shalt  }
0x6a: {  	_ =	shalt  }
0x6b: {  	_ =	shalt  }
0x6c: {  	_ =	shalt  }
0x6d: {  	_ =	shalt  }
0x6e: {  	_ =	shalt  }
0x6f: {  	_ =	shalt  }
0x70: {  	_ =	shalt  }
0x71: {  	_ =	shalt  }
0x72: {  	_ =	shalt  }
0x73: {  	_ =	shalt  }
0x74: {  	_ =	shalt  }
0x75: {  	_ =	shalt  }
0x76: {  	_ =	shalt  }
0x77: {  	_ =	shalt  }
0x78: {  	_ =	shalt  }
0x79: {  	_ =	shalt  }
0x7a: {  	_ =	shalt  }
0x7b: {  	_ =	shalt  }
0x7c: {  	_ =	shalt  }
0x7d: {  	_ =	shalt  }
0x7e: {  	_ =	shalt  }
0x7f: {  	_ =	shalt  }
0x80: {  	_ =	shalt  }
0x81: {  	_ =	shalt  }
0x82: {  	_ =	shalt  }
0x83: {  	_ =	shalt  }
0x84: {  	_ =	shalt  }
0x85: {  	_ =	shalt  }
0x86: {  	_ =	shalt  }
0x87: {  	_ =	shalt  }
.Lfunc_end0:
.L_simem_size_0:
called_computation_lowered:
.L_overlay_start_0:
0x88: {  	s2 =	sld [smem:$0x3FD9]  }
0x89: {  	s3 =	sld [smem:$0x3FFE];
	_ =	sdelay $0x1  }
0x8a: {  	s1 =	srdreg.scid  }
0x8b: {  	s0 =	sand.u32 $0x1, s1  }
0x8c: {  	s14 =	sshll.u32 s0, $0xA;
	s2 =	sadd.s32 s3, s2  }
0x8d: {  	s2 =	sadd.s32 s2, s14  }
0x8e: {  	[smem:$0x3FC2] =	sst s2  }
0x8f: {  	_ = 	snop  }
0x90: {  	s2 =	sld [smem:$0x3FD0];
	_ =	sdelay $0x2  }
0x91: {  	s15 =	simm.s32 $0xA;
	s4 =	simm.s32 $0x10  }
0x92: {  	[smem:s4], [sflag:s15] =	dma.local [hbm:s2], $0x1  }
0x93: {  	_ =	swait.eq [sflag:s15], $0x1  }
0x94: {  	[sflag:s15] =	ssyncset.done $0x0  }
0x95: {  	[sflag:s15] =	ssyncadd.s32 $0xFFFFFFFF  }
0x96: {  	s16 =	sld [smem:$0x11];
	(tm) =	ssettm $0x1  }
0x97: {  	s17 =	sld [smem:$0x3FFB];
	_ =	sdelay $0x3  }
0x98: {  	_ =	strace s17  }
0x99: {  	s3 =	sld [smem:$0x3FFC];
	_ =	sdelay $0x3  }
0x9a: {  	_ =	strace s3  }
0x9b: {  	s3 =	sld [smem:$0x3FFD];
	_ =	sdelay $0x3  }
0x9c: {  	_ =	strace s3  }
0x9d: {  	_ =	strace $0x8FFFFFFF  }
0x9e: {  	s18 =	sld [smem:$0x3FDB];
	_ =	sdelay $0x1  }
0x9f: {  	s19 =	simm.s32 $_scs_section_size  }
0xa0: {  	s5 =	simm.s32 $_size__tile_overlayer_lowered;
	s6 =	simm.s32 $_tile_overlayer_lowered  }
0xa1: {  	s22 =	simm.s32 $0x1BFF;
	s21 =	sshll.u32 s6, $0x1;
	s3 =	sadd.s32 s19, s18  }
0xa2: {  	s7 =	simm.s32 $0x0;
	s20 =	sshll.u32 s5, $0x1;
	s5 =	sadd.s32 s21, s3  }
0xa3: {  	[timem:s7], [sflag:s22] =	dma.local [hbm:s5], s20  }
0xa4: {  	_ =	swait.ge [sflag:s22], s20  }
0xa5: {  	s4 =	ssub.s32 $0x0, s20;
	[sflag:s22] =	ssyncset.done $0x0  }
0xa6: {  	[sflag:s22] =	ssyncadd.s32 s4;
	_ =	sdelay $0x1  }
0xa7: {  	s23 =	simm.s32 $0x1B8B  }
0xa8: {  	_ =	swait.ge [sflag:s23], $0x1  }
0xa9: {  	[sflag:s23] =	ssyncset.done $0x0  }
0xaa: {  	s25 =	simm.s32 $0x1B8E;
	s24 =	sld [smem:$0x3FFE];
	[sflag:s23] =	ssyncadd.s32 $0xFFFFFFFF  }
0xab: {  	s26 =	simm.s32 $execute0_lowered;
	[smem:$0x3FD2] =	sst s25  }
0xac: {  	s5 =	sshll.u32 s26, $0x1;
	_ =	strace $0x80000046;
	[dreg:$0x1] =	wrdreg $0xFFFFFFFF  }
0xad: {  	s28 =	simm.s32 $_size_execute0_lowered;
	s3 =	sadd.s32 s3, s5;
	[dreg:$0x0] =	wrdreg $0x0  }
0xae: {  	s5 =	sshll.u32 s28, $0x1;
	[dreg:$0x2] =	wrdreg s3  }
0xaf: {  	[dreg:$0x3] =	wrdreg s5  }
0xb0: {  	[dreg:$0x4] =	wrdreg $0xC0  }
0xb1: {  	_ =	task [dreg:s7], $0x5FFFF  }
0xb2: {  	[dreg:$0x1] =	wrdreg $0xFFFFFFFF  }
0xb3: {  	[dreg:$0x0] =	wrdreg $0x60  }
0xb4: {  	[dreg:$0x2] =	wrdreg s16  }
0xb5: {  	[dreg:$0x3] =	wrdreg s24  }
0xb6: {  	[dreg:$0x4] =	wrdreg $0x28800  }
0xb7: {  	[dreg:$0x5] =	wrdreg $0x9  }
0xb8: {  	_ =	task.clear_ibuf [dreg:s7], $0x6FFFF;
	_ =	strace $0x90000046  }
0xb9: {  	s29 =	simm.s32 $0x9;
	_ =	strace $0x80000048  }
0xba: {  	_ =	swait.ge [sflag:s29], $0x1  }
0xbb: {  	[sflag:s29] =	ssyncadd.s32 $0xFFFFFFFF  }
0xbc: {  	_ =	strace $0x90000048  }
0xbd: {  	_ =	sfence  }
0xbe: {  	s30 =	sld [smem:$0x0];
	_ =	sdelay $0x2  }
0xbf: {  	s31 =	sshll.u32 s1, $0xD;
	s1 =	sshrl.u32 s1, $0x2  }
0xc0: {  	s3 =	sand.u32 $0x4000, s31;
	s1 =	sadd.s32 s1, s30  }
0xc1: {  	s0 =	sor.u32 s3, s0;
	s1 =	sshll.u32 s1, $0x11  }
0xc2: {  	s0 =	sor.u32 s1, s0  }
0xc3: {  	s0 =	sadd.s32 $0x8F2B, s0  }
0xc4: {  	[sflag:s0] =	ssyncadd.remote.s32 $0x1  }
0xc5: {  	_ =	sfence.sel $0xFFFF  }
0xc6: {  	[dreg:$0x0] =	wrdreg $0xFFFFFFFF;
	(pc) =	sbr.abs _section_cstart, $3  }
0xc7: {  	[dreg:$0x1] =	wrdreg $0xFFFFFFFF  }
0xc8: {  	_ =	task.clear_ibuf [dreg:s7], $0x2FFFF;
	_ =	strace $0x9FFFFFFF  }
0xc9: {  	(tm) =	ssettm $0x7FFFFFFF  }
tec
execute0_lowered:
.L_overlay_start_1:
0x0: {  	(tag) =	ssettag $0x1  }
0x1: {  	s6 =	rddreg [dreg:$0x0]  }
0x2: {  	s4 =	rddreg [dreg:$0x1];
	s0 =	stileid.u32  }
0x3: {  	s1 =	srdreg.scid;
	s2 =	rddreg [dreg:$0x2];
	s3 =	simm.s32 $0x0  }
0x4: {  	s13 =	simm.s32 $0x1;
	s7 =	sand.u32 $0x1, s1;
	s1 =	rddreg [dreg:$0x3]  }
0x5: {  	s14 =	simm.s32 $0x0;
	s5 =	smul.u32 $0x280, s0;
	[smem:$0x7FF] =	sst s3  }
0x6: {  	s11 =	sshll.u32 s0, $0x6;
	s8 =	smul.u32 $0x2800, s7;
	_ =	strace $0x80000047  }
0x7: {  	s10 =	ssub.s32 $0x2, s7;
	s7 =	sshll.u32 s7, $0x4;
	s9 =	sshrl.u32 s5, $0x3  }
0x8: {  	s31 =	sshrl.u32 s10, $0x1;
	s7 =	sor.u32 s0, s7;
	s12 =	sadd.s32 s5, s2  }
0x9: {  	s9 =	sadd.s32 s9, s4;
	s8 =	sadd.s32 s5, s8;
	s10 =	ssub.s32 s10, s31  }
0xa: {  	s7 =	smul.u32 $0x500, s7;
	s5 =	sor.u32 $0x1C02, s11;
	s8 =	sshrl.u32 s8, $0x3  }
0xb: {  	s11 =	simm.s32 $0x80;
	s8 =	sadd.s32 s8, s4;
	s4 =	sadd.s32 $0x1400, s9  }
0xc: {  	s6 =	sadd.s32 s6, s7;
	s9 =	sshrl.u32 s12, $0x3;
	s12 =	simm.s32 $0x2800  }
0xd: {  	v0 =	vimm.f32 $1.000000000e+00;
	s7 =	sadd.s32 $0x1A00, s8;
	s8 =	smax.u32 s10, $0x1;
	s10 =	simm.s32 $0x2  }
.LBB2_1:
0xe: {  	[tilespmem:$0x2800] =	vst v0  }
0xf: {  	[tilespmem:$0x2810] =	vst v0  }
0x10: {  	[tilespmem:$0x2820] =	vst v0  }
0x11: {  	[tilespmem:$0x2830] =	vst v0  }
0x12: {  	[tilespmem:$0x2840] =	vst v0  }
0x13: {  	[tilespmem:$0x2850] =	vst v0  }
0x14: {  	[tilespmem:$0x2860] =	vst v0  }
0x15: {  	[tilespmem:$0x2870] =	vst v0  }
0x16: {  	[spmem:s9], [sflag:s5] =	dma.local [hbm:s4], $0x50  }
0x17: {  	_ =	swait.ge [sflag:s10], $0x50  }
0x18: {  	[sflag:s10] =	ssyncset.done $0x0  }
0x19: {  	[sflag:s10] =	ssyncadd.s32 $0xFFFFFFB0  }
0x1a: {  	[tilespmem:s3], [sflag:$0x2] =	stream.linear.gather [hbm4b:s6+s3], $0x2800, $0x38;
	[tilespmem:$0x2B00] =	vst v63  }
0x1b: {  	_ =	swait.ge [sflag:s10], $0x2800  }
0x1c: {  	[sflag:s10] =	ssyncset.done $0x0  }
0x1d: {  	[sflag:s10] =	ssyncadd.s32 $0xFFFFD800  }
0x1e: {  	s15 =	simm.s32 $0x0;
	[bflag:$0x0] =	sbarrier.arrive $0xFFFF  }
.LBB2_2:
0x1f: {  	p0 =	sne.s32 s15, $0x9E00  }
.Ltmp0:
0x20: {  	_ = 	snop;
	(pc) =	sbr.rel @p0 .LBB2_2-.Ltmp0, $3  }
0x21: {  	_ =	sdelay $0x1  }
0x22: {  	s16 =	sshra.s32 s15, $0x2;
	s15 =	sadd.s32 $0x200, s15  }
0x23: {  	[spmem:s2] =	stream.indirect.scatter.add.f32 [tilespmem:s12], [sflag:$0x1], $0x1, s16, s11, $0xb8;
	[tilespmem:$0x2B00] =	vst v63  }
0x24: {  	_ =	swait.ge [sflag:s13], $0x80  }
0x25: {  	s15 =	simm.s32 $0x4F;
	[sflag:s13] =	ssyncset.done $0x0  }
.LBB2_4:
0x26: {  	p0 =	sne.s32 s15, $0x1;
	s15 =	sadd.s32 $0xFFFFFFFF, s15;
	[sflag:s13] =	ssyncadd.s32 $0xFFFFFF80  }
.Ltmp1:
0x27: {  	(pc) =	sbr.rel @p0 .LBB2_4-.Ltmp1, $3  }
0x28: {  	_ =	sdelay $0x1  }
0x29: {  	_ =	swait.ge [sflag:s13], $0x80  }
0x2a: {  	[sflag:s13] =	ssyncset.done $0x0  }
0x2b: {  	s14 =	sadd.s32 $0x1, s14  }
0x2c: {  	[sflag:s13] =	ssyncadd.s32 $0xFFFFFF80;
	p0 =	sne.s32 s14, s8  }
.Ltmp2:
0x2d: {  	[bflag:$0x0] =	sbarrier.arrive $0xFFFF;
	(pc) =	sbr.rel @p0 .LBB2_1-.Ltmp2, $4  }
0x2e: {  	[hbm:s7], [sflag:s5] =	dma.local [spmem:s9], $0x50  }
0x2f: {  	_ =	swait.ge [sflag:s10], $0x50  }
0x30: {  	[sflag:s10] =	ssyncset.done $0x0  }
0x31: {  	[sflag:s10] =	ssyncadd.s32 $0xFFFFFFB0  }
0x32: {  	_ =	sfence.sel $0x180000  }
0x33: {  	[bflag:$0x0] =	sbarrier.arrive $0xFFFF  }
0x34: {  	p0 =	sne.s32 s0, $0x0;
	_ =	strace $0x90000047  }
0x35: {  	s0 =	sadd.s32 @!p0 $0x100000, s1;
	[bflag:$0x2] =	sbarrier.arrive $0xFFFF  }
0x36: {  	[sflag:s0] =	ssyncadd.tile.s32 @!p0 $0x1;
	_ =	shalt  }
.Lfunc_end2:
_tile_overlayer_lowered:
.L_overlay_start_2:
0x37: {  	(tag) =	ssettag $0x2  }
0x38: {  	s0 =	rddreg [dreg:$0x0];
	s2 =	stileid.u32  }
0x39: {  	s1 =	rddreg [dreg:$0x1];
	p0 =	sne.s32 s2, $0x0  }
0x3a: {  	s3 =	rddreg [dreg:$0x2];
	[bflag:$0x3] =	sbarrier.arrive $0xFFFF;
	s2 =	simm.s32 @!p0 $0x1C02  }
0x3b: {  	[timem:s3], [sflag:s2] =	dma.local @!p0 [hbm:s0], s1  }
0x3c: {  	s0 =	simm.s32 @!p0 $0x2  }
0x3d: {  	_ =	swait.ge @!p0 [sflag:s0], s1  }
0x3e: {  	s1 =	ssub.s32 @!p0 $0x0, s1;
	[sflag:s0] =	ssyncset.done @!p0 $0x0  }
0x3f: {  	[sflag:s0] =	ssyncadd.s32 @!p0 s1  }
0x40: {  	[bflag:$0x3] =	sbarrier.arrive $0xFFFF  }
0x41: {  	_ =	shalt  }

</sc_bundles>
